<compile_context>
chip_gen: v7x
topology: tpu7x:2x2x1
jax: 0.10.2.dev20260603
libtpu: 0.0.44.dev20260713+nightly
codegen_flags: <defaults>
</compile_context>

<pallas_src>
import jax
import jax.numpy as jnp
from jax import lax
from jax.experimental import pallas as pl
from jax.experimental.pallas import tpu as pltpu
from jax.experimental.pallas import tpu_sc as plsc

_N = 10000
_E = 320000
_NC = 2
_NS = 16
_K = 80
_EPT = _E // (_NC * _NS)
_NBLK = _EPT // _K
_RCH = _N // _K
_ZJ = (_RCH + _NS - 1) // _NS


def _sc_mesh():
    return plsc.VectorSubcoreMesh(core_axis_name="c", subcore_axis_name="s")


def _deg_body(ei3_hbm, ones_hbm, z1d_hbm, out_hbm, didx_v, ones_v, stg_v,
              deg_sh, sem_a, sem_b):
    c = lax.axis_index("c")
    s = lax.axis_index("s")
    wid = c * _NS + s
    cp = pltpu.async_copy(ei3_hbm.at[1, pl.ds(wid * _NBLK, _NBLK)], didx_v,
                          sem_a)
    pltpu.sync_copy(ones_hbm, ones_v)
    pltpu.sync_copy(z1d_hbm.at[pl.ds(0, 640)], stg_v)
    pltpu.sync_copy(stg_v.at[pl.ds(0, 624)], deg_sh.at[pl.ds(s * 624, 624)])

    @pl.when(s == 0)
    def _():
        pltpu.sync_copy(stg_v.at[pl.ds(0, 16)], deg_sh.at[pl.ds(9984, 16)])

    cp.wait()
    plsc.subcore_barrier()

    def _fire(i, sem):
        pltpu.async_copy(ones_v, deg_sh.at[didx_v.at[i]], sem, add=True)

    def _drain(i, sem):
        pltpu.make_async_copy(ones_v, deg_sh.at[didx_v.at[i]], sem).wait()

    _fire(0, sem_a)

    def body(j, carry):
        i0 = 2 * j
        i1 = 2 * j + 1
        i2 = 2 * j + 2

        @pl.when(i1 < _NBLK)
        def _():
            _fire(i1, sem_b)

        _drain(i0, sem_a)

        @pl.when(i2 < _NBLK)
        def _():
            _fire(i2, sem_a)

        @pl.when(i1 < _NBLK)
        def _():
            _drain(i1, sem_b)

        return carry

    lax.fori_loop(0, (_NBLK + 1) // 2, body, 0)
    plsc.subcore_barrier()
    pltpu.sync_copy(deg_sh.at[pl.ds(s * 624, 624)], stg_v.at[pl.ds(0, 624)])
    pltpu.sync_copy(stg_v.at[pl.ds(0, 624)],
                    out_hbm.at[pl.ds(c * _N + s * 624, 624)])

    @pl.when(s == 0)
    def _():
        pltpu.sync_copy(deg_sh.at[pl.ds(9984, 16)], stg_v.at[pl.ds(624, 16)])
        pltpu.sync_copy(stg_v.at[pl.ds(624, 16)],
                        out_hbm.at[pl.ds(c * _N + 9984, 16)])


_deg_call = pl.kernel(
    _deg_body,
    out_type=jax.ShapeDtypeStruct((_NC * _N,), jnp.float32),
    mesh=_sc_mesh(),
    scratch_types=[
        pltpu.VMEM((_NBLK, _K), jnp.int32),
        pltpu.VMEM((_K,), jnp.float32),
        pltpu.VMEM((640,), jnp.float32),
        pltpu.VMEM_SHARED((_N,), jnp.float32),
        pltpu.SemaphoreType.DMA,
        pltpu.SemaphoreType.DMA,
    ],
    compiler_params=pltpu.CompilerParams(use_tc_tiling_on_sc=False),
)


_NBUF = 6
_JMAIN = _NBLK // _NBUF


def _agg_body(m_hbm, ei3_hbm, zrows_hbm, out_hbm,
              sidx_v, didx_v, r0, r1, r2, r3, r4, r5, acc_sh,
              g0, g1, g2, g3, g4, g5, s0, s1, s2, s3, s4, s5):
    rows = (r0, r1, r2, r3, r4, r5)
    gsem = (g0, g1, g2, g3, g4, g5)
    ssem = (s0, s1, s2, s3, s4, s5)
    c = lax.axis_index("c")
    s = lax.axis_index("s")
    wid = c * _NS + s

    cps = pltpu.async_copy(ei3_hbm.at[0, pl.ds(wid * _NBLK, _NBLK)], sidx_v,
                           g0)
    cpd = pltpu.async_copy(ei3_hbm.at[1, pl.ds(wid * _NBLK, _NBLK)], didx_v,
                           g1)
    pltpu.sync_copy(zrows_hbm, r0)

    def zbody(j, carry):
        ch = s + j * _NS

        @pl.when(ch < _RCH)
        def _():
            pltpu.sync_copy(r0, acc_sh.at[pl.ds(ch * _K, _K)])

        return carry

    lax.fori_loop(0, _ZJ, zbody, 0)
    cps.wait()
    cpd.wait()
    plsc.subcore_barrier()

    def _gstart(i, t):
        pltpu.async_copy(m_hbm.at[sidx_v.at[i]], rows[t], gsem[t])

    def _gwait(i, t):
        pltpu.make_async_copy(m_hbm.at[sidx_v.at[i]], rows[t], gsem[t]).wait()

    def _sstart(i, t):
        pltpu.async_copy(rows[t], acc_sh.at[didx_v.at[i]], ssem[t], add=True)

    def _swait(i, t):
        pltpu.make_async_copy(rows[t], acc_sh.at[didx_v.at[i]],
                              ssem[t]).wait()

    for t in range(_NBUF):
        _gstart(t, t)

    def ebody(j, carry):
        base = _NBUF * j
        for t in range(_NBUF):
            i = base + t
            _gwait(i, t)
            _sstart(i, t)
        for t in range(_NBUF):
            i = base + t

            @pl.when(i + _NBUF < _NBLK)
            def _():
                _swait(i, t)
                _gstart(i + _NBUF, t)

        return carry

    lax.fori_loop(0, _JMAIN, ebody, 0)
    for i in range(_JMAIN * _NBUF, _NBLK):
        _gwait(i, i % _NBUF)
        _sstart(i, i % _NBUF)
    for i in range(_NBLK - _NBUF, _NBLK):
        _swait(i, i % _NBUF)
    plsc.subcore_barrier()

    def obody(j, carry):
        ch = s + j * _NS

        @pl.when(ch < _RCH)
        def _():
            pltpu.sync_copy(acc_sh.at[pl.ds(ch * _K, _K)], r0)
            pltpu.sync_copy(r0, out_hbm.at[c, pl.ds(ch * _K, _K)])

        return carry

    lax.fori_loop(0, _ZJ, obody, 0)


def _make_agg(d):
    return pl.kernel(
        _agg_body,
        out_type=jax.ShapeDtypeStruct((_NC, _N, d), jnp.bfloat16),
        mesh=_sc_mesh(),
        scratch_types=[
            pltpu.VMEM((_NBLK, _K), jnp.int32),
            pltpu.VMEM((_NBLK, _K), jnp.int32),
            pltpu.VMEM((_K, d), jnp.bfloat16),
            pltpu.VMEM((_K, d), jnp.bfloat16),
            pltpu.VMEM((_K, d), jnp.bfloat16),
            pltpu.VMEM((_K, d), jnp.bfloat16),
            pltpu.VMEM((_K, d), jnp.bfloat16),
            pltpu.VMEM((_K, d), jnp.bfloat16),
            pltpu.VMEM_SHARED((_N, d), jnp.bfloat16),
            pltpu.SemaphoreType.DMA,
            pltpu.SemaphoreType.DMA,
            pltpu.SemaphoreType.DMA,
            pltpu.SemaphoreType.DMA,
            pltpu.SemaphoreType.DMA,
            pltpu.SemaphoreType.DMA,
            pltpu.SemaphoreType.DMA,
            pltpu.SemaphoreType.DMA,
            pltpu.SemaphoreType.DMA,
            pltpu.SemaphoreType.DMA,
            pltpu.SemaphoreType.DMA,
            pltpu.SemaphoreType.DMA,
        ],
        compiler_params=pltpu.CompilerParams(use_tc_tiling_on_sc=False),
    )


_agg128 = _make_agg(128)
_agg64 = _make_agg(64)


_R = 1000
_G = _N // _R


def _tc_mm_body(x_ref, w1_ref, m1_ref):
    m1_ref[...] = jnp.dot(x_ref[...], w1_ref[...],
                          preferred_element_type=jnp.float32)


_tc_mm = pl.pallas_call(
    _tc_mm_body,
    grid=(_G,),
    in_specs=[
        pl.BlockSpec((_R, 128), lambda i: (i, 0)),
        pl.BlockSpec((128, 128), lambda i: (0, 0)),
    ],
    out_specs=pl.BlockSpec((_R, 128), lambda i: (i, 0)),
    out_shape=jax.ShapeDtypeStruct((_N, 128), jnp.float32),
)


def _tc_scale_body(deg_ref, eye_ref, m1_ref, m1p_ref, m1pb_ref, dinv_ref):
    i = pl.program_id(0)
    d0 = deg_ref[pl.ds(i, 1), :]
    d1 = deg_ref[pl.ds(i + _G, 1), :]
    deg_row = d0 + d1 + 1.0
    deg_col = lax.dot_general(eye_ref[...], deg_row,
                              (((1,), (1,)), ((), ())),
                              preferred_element_type=jnp.float32)
    dinv = 1.0 / jnp.sqrt(deg_col)
    m1p = m1_ref[...] * dinv
    m1p_ref[...] = m1p
    m1pb_ref[...] = m1p.astype(jnp.bfloat16)
    dinv_ref[...] = dinv


_tc_scale = pl.pallas_call(
    _tc_scale_body,
    grid=(_G,),
    in_specs=[
        pl.BlockSpec((2 * _G, _R), lambda i: (0, 0)),
        pl.BlockSpec((_R, _R), lambda i: (0, 0)),
        pl.BlockSpec((_R, 128), lambda i: (i, 0)),
    ],
    out_specs=[
        pl.BlockSpec((_R, 128), lambda i: (i, 0)),
        pl.BlockSpec((_R, 128), lambda i: (i, 0)),
        pl.BlockSpec((_R, 1), lambda i: (i, 0)),
    ],
    out_shape=[
        jax.ShapeDtypeStruct((_N, 128), jnp.float32),
        jax.ShapeDtypeStruct((_N, 128), jnp.bfloat16),
        jax.ShapeDtypeStruct((_N, 1), jnp.float32),
    ],
)


def _tcB_body(a0_ref, a1_ref, m1p_ref, dinv_ref, b1_ref, w2_ref,
              m2p_ref, m2pb_ref):
    dinv = dinv_ref[...]
    agg = a0_ref[...].astype(jnp.float32) + a1_ref[...].astype(jnp.float32)
    pre = dinv * (agg + m1p_ref[...]) + b1_ref[...]
    h1 = jnp.maximum(pre, 0.0)
    m2 = jnp.dot(h1, w2_ref[...], preferred_element_type=jnp.float32)
    m2p = m2 * dinv
    m2p_ref[...] = m2p
    m2pb_ref[...] = m2p.astype(jnp.bfloat16)


_tcB = pl.pallas_call(
    _tcB_body,
    grid=(_G,),
    in_specs=[
        pl.BlockSpec((_R, 128), lambda i: (i, 0)),
        pl.BlockSpec((_R, 128), lambda i: (i, 0)),
        pl.BlockSpec((_R, 128), lambda i: (i, 0)),
        pl.BlockSpec((_R, 1), lambda i: (i, 0)),
        pl.BlockSpec((1, 128), lambda i: (0, 0)),
        pl.BlockSpec((128, 64), lambda i: (0, 0)),
    ],
    out_specs=[
        pl.BlockSpec((_R, 64), lambda i: (i, 0)),
        pl.BlockSpec((_R, 64), lambda i: (i, 0)),
    ],
    out_shape=[
        jax.ShapeDtypeStruct((_N, 64), jnp.float32),
        jax.ShapeDtypeStruct((_N, 64), jnp.bfloat16),
    ],
)


def _tcC_body(a0_ref, a1_ref, m2p_ref, dinv_ref, b2_ref,
              fw1_ref, fb1_ref, fw2_ref, fb2_ref,
              asn_ref, pen_ref, s_ref):
    i = pl.program_id(0)
    agg = a0_ref[...].astype(jnp.float32) + a1_ref[...].astype(jnp.float32)
    h2 = dinv_ref[...] * (agg + m2p_ref[...]) + b2_ref[...]
    t = jnp.tanh(jnp.dot(h2, fw1_ref[...], preferred_element_type=jnp.float32)
                 + fb1_ref[...])
    logits = jnp.dot(t, fw2_ref[...], preferred_element_type=jnp.float32) + fb2_ref[...]
    mx = jnp.max(logits, axis=1, keepdims=True)
    e = jnp.exp(logits - mx)
    asn = e / jnp.sum(e, axis=1, keepdims=True)
    asn_ref[...] = asn
    d = asn - 0.5
    s1 = jnp.sum(d)
    s2 = jnp.sum(d * d)

    @pl.when(i == 0)
    def _():
        s_ref[0] = s1
        s_ref[1] = s2

    @pl.when(i > 0)
    def _():
        s_ref[0] += s1
        s_ref[1] += s2

    @pl.when(i == pl.num_programs(0) - 1)
    def _():
        n = 2.0 * _N
        var = (s_ref[1] - s_ref[0] * s_ref[0] / n) / (n - 1.0)
        pen_ref[...] = jnp.full((1, 1), var, dtype=jnp.float32)


_tcC = pl.pallas_call(
    _tcC_body,
    grid=(_G,),
    in_specs=[
        pl.BlockSpec((_R, 64), lambda i: (i, 0)),
        pl.BlockSpec((_R, 64), lambda i: (i, 0)),
        pl.BlockSpec((_R, 64), lambda i: (i, 0)),
        pl.BlockSpec((_R, 1), lambda i: (i, 0)),
        pl.BlockSpec((1, 64), lambda i: (0, 0)),
        pl.BlockSpec((64, 32), lambda i: (0, 0)),
        pl.BlockSpec((1, 32), lambda i: (0, 0)),
        pl.BlockSpec((32, 2), lambda i: (0, 0)),
        pl.BlockSpec((1, 2), lambda i: (0, 0)),
    ],
    out_specs=[
        pl.BlockSpec((_R, 2), lambda i: (i, 0)),
        pl.BlockSpec((1, 1), lambda i: (0, 0)),
    ],
    out_shape=[
        jax.ShapeDtypeStruct((_N, 2), jnp.float32),
        jax.ShapeDtypeStruct((1, 1), jnp.float32),
    ],
    scratch_shapes=[pltpu.SMEM((2,), jnp.float32)],
)


def kernel(x, edge_index, W1, b1, W2, b2, fc1_W, fc1_b, fc2_W, fc2_b):
    ei3 = edge_index.reshape(2, _E // _K, _K)
    ones_k = jnp.ones((_K,), jnp.float32)
    z1d = jnp.zeros((1024,), jnp.float32)
    z128 = jnp.zeros((_K, 128), jnp.bfloat16)
    z64 = jnp.zeros((_K, 64), jnp.bfloat16)

    m1 = _tc_mm(x, W1)
    degp = _deg_call(ei3, ones_k, z1d)
    degr = degp.reshape(2 * _G, _R)
    eye = jnp.eye(_R, dtype=jnp.float32)
    m1p, m1pb, dinv = _tc_scale(degr, eye, m1)
    acc1 = _agg128(m1pb, ei3, z128)
    m2p, m2pb = _tcB(acc1[0], acc1[1], m1p, dinv, b1.reshape(1, -1), W2)
    acc2 = _agg64(m2pb, ei3, z64)
    asn, pen = _tcC(acc2[0], acc2[1], m2p, dinv, b2.reshape(1, -1),
                    fc1_W, fc1_b.reshape(1, -1), fc2_W, fc2_b.reshape(1, -1))
    return asn, pen.reshape(())

# --- scband reference (transcript-rebuilt; emitter-appended) ---
"""Pipeline reference for scband-gib-16423954940082 (READ-ONLY COPY).

The authoritative reference and input builder live on the scoring server;
editing this copy changes nothing except your own understanding.
"""

import jax, jax.numpy as jnp
import numpy as np

N = 10000
E = 320000
D_IN = 128
D_G1 = 128
D_G2 = 64
D_F1 = 32
D_F2 = 2


def setup_inputs(seed: int = 0) -> dict:
    key = jax.random.key(seed)
    ks = jax.random.split(key, 12)
    x = jax.random.normal(ks[0], (N, D_IN), dtype=jnp.float32)
    edge_index = jax.random.randint(ks[1], (2, E), 0, N, dtype=jnp.int32)
    W1 = jax.random.normal(ks[2], (D_IN, D_G1), dtype=jnp.float32) * 0.05
    b1 = jnp.zeros((D_G1,), dtype=jnp.float32)
    W2 = jax.random.normal(ks[3], (D_G1, D_G2), dtype=jnp.float32) * 0.05
    b2 = jnp.zeros((D_G2,), dtype=jnp.float32)
    fc1_W = jax.random.normal(ks[4], (D_G2, D_F1), dtype=jnp.float32) * 0.05
    fc1_b = jnp.zeros((D_F1,), dtype=jnp.float32)
    fc2_W = jax.random.normal(ks[5], (D_F1, D_F2), dtype=jnp.float32) * 0.05
    fc2_b = jnp.zeros((D_F2,), dtype=jnp.float32)
    return {"x": x, "edge_index": edge_index, "W1": W1, "b1": b1, "W2": W2, "b2": b2,
            "fc1_W": fc1_W, "fc1_b": fc1_b, "fc2_W": fc2_W, "fc2_b": fc2_b}


def gcn_conv(x, src, dst, W, b, n):
    # PyG GCNConv: add self loops, symmetric degree normalization, then aggregate
    h = x @ W
    loop = jnp.arange(n, dtype=src.dtype)
    src2 = jnp.concatenate([src, loop])
    dst2 = jnp.concatenate([dst, loop])
    deg = jnp.zeros((n,), dtype=h.dtype).at[dst2].add(1.0)
    dinv = 1.0 / jnp.sqrt(jnp.clip(deg, 1.0))
    norm = dinv[src2] * dinv[dst2]
    msg = h[src2] * norm[:, None]
    out = jax.ops.segment_sum(msg, dst2, num_segments=n)
    return out + b


def reference(x, edge_index, W1, b1, W2, b2, fc1_W, fc1_b, fc2_W, fc2_b):
    src = edge_index[0]
    dst = edge_index[1]
    h1 = jax.nn.relu(gcn_conv(x, src, dst, W1, b1, N))
    h2 = gcn_conv(h1, src, dst, W2, b2, N)
    a1 = jnp.tanh(h2 @ fc1_W + fc1_b)
    assignment = jax.nn.softmax(a1 @ fc2_W + fc2_b, axis=1)
    pos_penalty = jnp.var(assignment, ddof=1)  # torch .var() uses unbiased estimator
    return assignment, pos_penalty

if __name__ == "__main__":
    import jax
    _d = setup_inputs()
    print(jax.jit(kernel)(*tuple(_d.values())))

</pallas_src>

<mosaic_0001>
#map = affine_map<(d0, d1) -> (0, 0)>
#map1 = affine_map<(d0, d1) -> (0, 0, 0)>
module attributes {stable_mosaic.version = 14 : i64} {
  func.func @_agg_body(%arg0: i32, %arg1: i32, %arg2: memref<10000x128xbf16, #tpu.memory_space<hbm>>, %arg3: memref<2x4000x80xi32, #tpu.memory_space<hbm>>, %arg4: memref<80x128xbf16, #tpu.memory_space<hbm>>, %arg5: memref<2x10000x128xbf16, #tpu.memory_space<hbm>>, %arg6: memref<125x80xi32, #tpu.memory_space<vmem>>, %arg7: memref<125x80xi32, #tpu.memory_space<vmem>>, %arg8: memref<80x128xbf16, #tpu.memory_space<vmem>>, %arg9: memref<80x128xbf16, #tpu.memory_space<vmem>>, %arg10: memref<80x128xbf16, #tpu.memory_space<vmem>>, %arg11: memref<80x128xbf16, #tpu.memory_space<vmem>>, %arg12: memref<80x128xbf16, #tpu.memory_space<vmem>>, %arg13: memref<80x128xbf16, #tpu.memory_space<vmem>>, %arg14: memref<10000x128xbf16, #tpu.memory_space<vmem_shared>>, %arg15: memref<!tpu.dma_semaphore, #tpu.memory_space<semaphore_mem>>, %arg16: memref<!tpu.dma_semaphore, #tpu.memory_space<semaphore_mem>>, %arg17: memref<!tpu.dma_semaphore, #tpu.memory_space<semaphore_mem>>, %arg18: memref<!tpu.dma_semaphore, #tpu.memory_space<semaphore_mem>>, %arg19: memref<!tpu.dma_semaphore, #tpu.memory_space<semaphore_mem>>, %arg20: memref<!tpu.dma_semaphore, #tpu.memory_space<semaphore_mem>>, %arg21: memref<!tpu.dma_semaphore, #tpu.memory_space<semaphore_mem>>, %arg22: memref<!tpu.dma_semaphore, #tpu.memory_space<semaphore_mem>>, %arg23: memref<!tpu.dma_semaphore, #tpu.memory_space<semaphore_mem>>, %arg24: memref<!tpu.dma_semaphore, #tpu.memory_space<semaphore_mem>>, %arg25: memref<!tpu.dma_semaphore, #tpu.memory_space<semaphore_mem>>, %arg26: memref<!tpu.dma_semaphore, #tpu.memory_space<semaphore_mem>>) attributes {dimension_semantics = [#tpu.dimension_semantics<core_parallel>, #tpu.dimension_semantics<subcore_parallel>], iteration_bounds = array<i64: 2, 16>, scalar_prefetch = 0 : i64, scratch_operands = 21 : i64, tpu.core_type = #tpu.core_type<sc_vector_subcore>, window_params = [{transform_indices = #map}, {transform_indices = #map1}, {transform_indices = #map}, {transform_indices = #map1}]} {
    %mul3A = arith.constant 16 : i32
    %mul3A_0 = arith.muli %arg0, %mul3A : i32
    %add3A = arith.addi %mul3A_0, %arg1 : i32
    %mul3A_1 = arith.constant 125 : i32
    %mul3A_2 = arith.muli %add3A, %mul3A_1 : i32
    %dma_start3A = arith.constant 0 : i32
    %dma_start3A_3 = arith.constant 0 : i32
    %dma_start3A_4 = tpu.memref_slice %arg3[%dma_start3A, %mul3A_2, %dma_start3A_3] : memref<2x4000x80xi32, #tpu.memory_space<hbm>> -> memref<1x125x80xi32, #tpu.memory_space<hbm>>
    %dma_start3A_5 = tpu.memref_squeeze %dma_start3A_4 : memref<1x125x80xi32, #tpu.memory_space<hbm>> -> memref<125x80xi32, #tpu.memory_space<hbm>>
    %dma_start3A_6 = arith.constant 0 : i32
    %dma_start3A_7 = tpu.memref_slice %arg3[%dma_start3A, %mul3A_2, %dma_start3A_6] : memref<2x4000x80xi32, #tpu.memory_space<hbm>> -> memref<1x125x80xi32, #tpu.memory_space<hbm>>
    %dma_start3A_8 = tpu.memref_squeeze %dma_start3A_7 : memref<1x125x80xi32, #tpu.memory_space<hbm>> -> memref<125x80xi32, #tpu.memory_space<hbm>>
    tpu.enqueue_dma source(%dma_start3A_8 : memref<125x80xi32, #tpu.memory_space<hbm>>) target(%arg6 : memref<125x80xi32, #tpu.memory_space<vmem>>) target_semaphore(%arg15 : memref<!tpu.dma_semaphore, #tpu.memory_space<semaphore_mem>>)
    %mul3A_9 = arith.constant 125 : i32
    %mul3A_10 = arith.muli %add3A, %mul3A_9 : i32
    %dma_start3A_11 = arith.constant 1 : i32
    %dma_start3A_12 = arith.constant 0 : i32
    %dma_start3A_13 = tpu.memref_slice %arg3[%dma_start3A_11, %mul3A_10, %dma_start3A_12] : memref<2x4000x80xi32, #tpu.memory_space<hbm>> -> memref<1x125x80xi32, #tpu.memory_space<hbm>>
    %dma_start3A_14 = tpu.memref_squeeze %dma_start3A_13 : memref<1x125x80xi32, #tpu.memory_space<hbm>> -> memref<125x80xi32, #tpu.memory_space<hbm>>
    %dma_start3A_15 = arith.constant 0 : i32
    %dma_start3A_16 = tpu.memref_slice %arg3[%dma_start3A_11, %mul3A_10, %dma_start3A_15] : memref<2x4000x80xi32, #tpu.memory_space<hbm>> -> memref<1x125x80xi32, #tpu.memory_space<hbm>>
    %dma_start3A_17 = tpu.memref_squeeze %dma_start3A_16 : memref<1x125x80xi32, #tpu.memory_space<hbm>> -> memref<125x80xi32, #tpu.memory_space<hbm>>
    tpu.enqueue_dma source(%dma_start3A_17 : memref<125x80xi32, #tpu.memory_space<hbm>>) target(%arg7 : memref<125x80xi32, #tpu.memory_space<vmem>>) target_semaphore(%arg16 : memref<!tpu.dma_semaphore, #tpu.memory_space<semaphore_mem>>)
    "tpu.region"() ({
      %run_scoped3A = tpu.sem_alloc : memref<!tpu.dma_semaphore, #tpu.memory_space<semaphore_mem>>
      tpu.enqueue_dma source(%arg4 : memref<80x128xbf16, #tpu.memory_space<hbm>>) target(%arg8 : memref<80x128xbf16, #tpu.memory_space<vmem>>) target_semaphore(%run_scoped3A : memref<!tpu.dma_semaphore, #tpu.memory_space<semaphore_mem>>)
      tpu.wait_dma2 semaphore(%run_scoped3A : memref<!tpu.dma_semaphore, #tpu.memory_space<semaphore_mem>>) src(%arg4 : memref<80x128xbf16, #tpu.memory_space<hbm>>) dst(%arg8 : memref<80x128xbf16, #tpu.memory_space<vmem>>)
      tpu.yield
    }) : () -> ()
    %scan3A = arith.constant 0 : i32
    %scan3A_18 = arith.constant 0 : i32
    %scan3A_19 = arith.constant 8 : i32
    %scan3A_20 = arith.addi %scan3A_18, %scan3A_19 : i32
    %scan3A_21 = arith.constant 1 : i32
    scf.for %scan3A_203 = %scan3A_18 to %scan3A_20 step %scan3A_21  : i32 {
      %mul3A_204 = arith.constant 16 : i32
      %mul3A_205 = arith.muli %scan3A_203, %mul3A_204 : i32
      %add3A_206 = arith.addi %arg1, %mul3A_205 : i32
      %lt3A = arith.constant 125 : i32
      %lt3A_207 = arith.cmpi slt, %add3A_206, %lt3A : i32
      %convert_element_type3A = arith.extui %lt3A_207 : i1 to i32
      %cond3A = arith.constant 0 : i32
      %cond3A_208 = arith.cmpi ne, %convert_element_type3A, %cond3A : i32
      scf.if %cond3A_208 {
        %mul3A_209 = arith.constant 80 : i32
        %mul3A_210 = arith.muli %add3A_206, %mul3A_209 : i32
        "tpu.region"() ({
          %run_scoped3A = tpu.sem_alloc : memref<!tpu.dma_semaphore, #tpu.memory_space<semaphore_mem>>
          %dma_start3A_211 = arith.constant 0 : i32
          %dma_start3A_212 = tpu.memref_slice %arg14[%mul3A_210, %dma_start3A_211] : memref<10000x128xbf16, #tpu.memory_space<vmem_shared>> -> memref<80x128xbf16, #tpu.memory_space<vmem_shared>>
          %dma_start3A_213 = arith.constant 0 : i32
          %dma_start3A_214 = tpu.memref_slice %arg14[%mul3A_210, %dma_start3A_213] : memref<10000x128xbf16, #tpu.memory_space<vmem_shared>> -> memref<80x128xbf16, #tpu.memory_space<vmem_shared>>
          tpu.enqueue_dma source(%arg8 : memref<80x128xbf16, #tpu.memory_space<vmem>>) target(%dma_start3A_214 : memref<80x128xbf16, #tpu.memory_space<vmem_shared>>) target_semaphore(%run_scoped3A : memref<!tpu.dma_semaphore, #tpu.memory_space<semaphore_mem>>)
          %dma_wait3A_215 = arith.constant 0 : i32
          %dma_wait3A_216 = tpu.memref_slice %arg14[%mul3A_210, %dma_wait3A_215] : memref<10000x128xbf16, #tpu.memory_space<vmem_shared>> -> memref<80x128xbf16, #tpu.memory_space<vmem_shared>>
          %dma_wait3A_217 = arith.constant 0 : i32
          %dma_wait3A_218 = tpu.memref_slice %arg14[%mul3A_210, %dma_wait3A_217] : memref<10000x128xbf16, #tpu.memory_space<vmem_shared>> -> memref<80x128xbf16, #tpu.memory_space<vmem_shared>>
          tpu.wait_dma2 semaphore(%run_scoped3A : memref<!tpu.dma_semaphore, #tpu.memory_space<semaphore_mem>>) src(%arg8 : memref<80x128xbf16, #tpu.memory_space<vmem>>) dst(%dma_wait3A_218 : memref<80x128xbf16, #tpu.memory_space<vmem_shared>>)
          tpu.yield
        }) : () -> ()
      } else {
      }
    }
    %scan3A_22 = arith.constant 8 : i32
    %dma_wait3A = arith.constant 0 : i32
    %dma_wait3A_23 = arith.constant 0 : i32
    %dma_wait3A_24 = tpu.memref_slice %arg3[%dma_wait3A, %mul3A_2, %dma_wait3A_23] : memref<2x4000x80xi32, #tpu.memory_space<hbm>> -> memref<1x125x80xi32, #tpu.memory_space<hbm>>
    %dma_wait3A_25 = tpu.memref_squeeze %dma_wait3A_24 : memref<1x125x80xi32, #tpu.memory_space<hbm>> -> memref<125x80xi32, #tpu.memory_space<hbm>>
    %dma_wait3A_26 = arith.constant 0 : i32
    %dma_wait3A_27 = tpu.memref_slice %arg3[%dma_wait3A, %mul3A_2, %dma_wait3A_26] : memref<2x4000x80xi32, #tpu.memory_space<hbm>> -> memref<1x125x80xi32, #tpu.memory_space<hbm>>
    %dma_wait3A_28 = tpu.memref_squeeze %dma_wait3A_27 : memref<1x125x80xi32, #tpu.memory_space<hbm>> -> memref<125x80xi32, #tpu.memory_space<hbm>>
    tpu.wait_dma2 semaphore(%arg15 : memref<!tpu.dma_semaphore, #tpu.memory_space<semaphore_mem>>) src(%dma_wait3A_28 : memref<125x80xi32, #tpu.memory_space<hbm>>) dst(%arg6 : memref<125x80xi32, #tpu.memory_space<vmem>>)
    %dma_wait3A_29 = arith.constant 1 : i32
    %dma_wait3A_30 = arith.constant 0 : i32
    %dma_wait3A_31 = tpu.memref_slice %arg3[%dma_wait3A_29, %mul3A_10, %dma_wait3A_30] : memref<2x4000x80xi32, #tpu.memory_space<hbm>> -> memref<1x125x80xi32, #tpu.memory_space<hbm>>
    %dma_wait3A_32 = tpu.memref_squeeze %dma_wait3A_31 : memref<1x125x80xi32, #tpu.memory_space<hbm>> -> memref<125x80xi32, #tpu.memory_space<hbm>>
    %dma_wait3A_33 = arith.constant 0 : i32
    %dma_wait3A_34 = tpu.memref_slice %arg3[%dma_wait3A_29, %mul3A_10, %dma_wait3A_33] : memref<2x4000x80xi32, #tpu.memory_space<hbm>> -> memref<1x125x80xi32, #tpu.memory_space<hbm>>
    %dma_wait3A_35 = tpu.memref_squeeze %dma_wait3A_34 : memref<1x125x80xi32, #tpu.memory_space<hbm>> -> memref<125x80xi32, #tpu.memory_space<hbm>>
    tpu.wait_dma2 semaphore(%arg16 : memref<!tpu.dma_semaphore, #tpu.memory_space<semaphore_mem>>) src(%dma_wait3A_35 : memref<125x80xi32, #tpu.memory_space<hbm>>) dst(%arg7 : memref<125x80xi32, #tpu.memory_space<vmem>>)
    %barrier3A = arith.constant 0 : index
    tpu.barrier barrier_id(%barrier3A)
    %dma_start3A_36 = arith.constant 0 : i32
    %dma_start3A_37 = arith.constant 0 : i32
    %dma_start3A_38 = tpu.memref_slice %arg6[%dma_start3A_36, %dma_start3A_37] : memref<125x80xi32, #tpu.memory_space<vmem>> -> memref<1x80xi32, #tpu.memory_space<vmem>>
    %dma_start3A_39 = tpu.memref_squeeze %dma_start3A_38 : memref<1x80xi32, #tpu.memory_space<vmem>> -> memref<80xi32, #tpu.memory_space<vmem>>
    %dma_start3A_40 = arith.constant 0 : i32
    %dma_start3A_41 = arith.constant 0 : i32
    %dma_start3A_42 = tpu.memref_slice %arg2[%dma_start3A_40, %dma_start3A_41] : memref<10000x128xbf16, #tpu.memory_space<hbm>> -> memref<10000x128xbf16, #tpu.memory_space<hbm>>
    tpu.enqueue_indirect_dma source(%dma_start3A_42 : memref<10000x128xbf16, #tpu.memory_space<hbm>>) target(%arg8 : memref<80x128xbf16, #tpu.memory_space<vmem>>) offsets(%dma_start3A_39 : memref<80xi32, #tpu.memory_space<vmem>>) semaphore(%arg15 : memref<!tpu.dma_semaphore, #tpu.memory_space<semaphore_mem>>)
    %dma_start3A_43 = arith.constant 1 : i32
    %dma_start3A_44 = arith.constant 0 : i32
    %dma_start3A_45 = tpu.memref_slice %arg6[%dma_start3A_43, %dma_start3A_44] : memref<125x80xi32, #tpu.memory_space<vmem>> -> memref<1x80xi32, #tpu.memory_space<vmem>>
    %dma_start3A_46 = tpu.memref_squeeze %dma_start3A_45 : memref<1x80xi32, #tpu.memory_space<vmem>> -> memref<80xi32, #tpu.memory_space<vmem>>
    %dma_start3A_47 = arith.constant 0 : i32
    %dma_start3A_48 = arith.constant 0 : i32
    %dma_start3A_49 = tpu.memref_slice %arg2[%dma_start3A_47, %dma_start3A_48] : memref<10000x128xbf16, #tpu.memory_space<hbm>> -> memref<10000x128xbf16, #tpu.memory_space<hbm>>
    tpu.enqueue_indirect_dma source(%dma_start3A_49 : memref<10000x128xbf16, #tpu.memory_space<hbm>>) target(%arg9 : memref<80x128xbf16, #tpu.memory_space<vmem>>) offsets(%dma_start3A_46 : memref<80xi32, #tpu.memory_space<vmem>>) semaphore(%arg16 : memref<!tpu.dma_semaphore, #tpu.memory_space<semaphore_mem>>)
    %dma_start3A_50 = arith.constant 2 : i32
    %dma_start3A_51 = arith.constant 0 : i32
    %dma_start3A_52 = tpu.memref_slice %arg6[%dma_start3A_50, %dma_start3A_51] : memref<125x80xi32, #tpu.memory_space<vmem>> -> memref<1x80xi32, #tpu.memory_space<vmem>>
    %dma_start3A_53 = tpu.memref_squeeze %dma_start3A_52 : memref<1x80xi32, #tpu.memory_space<vmem>> -> memref<80xi32, #tpu.memory_space<vmem>>
    %dma_start3A_54 = arith.constant 0 : i32
    %dma_start3A_55 = arith.constant 0 : i32
    %dma_start3A_56 = tpu.memref_slice %arg2[%dma_start3A_54, %dma_start3A_55] : memref<10000x128xbf16, #tpu.memory_space<hbm>> -> memref<10000x128xbf16, #tpu.memory_space<hbm>>
    tpu.enqueue_indirect_dma source(%dma_start3A_56 : memref<10000x128xbf16, #tpu.memory_space<hbm>>) target(%arg10 : memref<80x128xbf16, #tpu.memory_space<vmem>>) offsets(%dma_start3A_53 : memref<80xi32, #tpu.memory_space<vmem>>) semaphore(%arg17 : memref<!tpu.dma_semaphore, #tpu.memory_space<semaphore_mem>>)
    %dma_start3A_57 = arith.constant 3 : i32
    %dma_start3A_58 = arith.constant 0 : i32
    %dma_start3A_59 = tpu.memref_slice %arg6[%dma_start3A_57, %dma_start3A_58] : memref<125x80xi32, #tpu.memory_space<vmem>> -> memref<1x80xi32, #tpu.memory_space<vmem>>
    %dma_start3A_60 = tpu.memref_squeeze %dma_start3A_59 : memref<1x80xi32, #tpu.memory_space<vmem>> -> memref<80xi32, #tpu.memory_space<vmem>>
    %dma_start3A_61 = arith.constant 0 : i32
    %dma_start3A_62 = arith.constant 0 : i32
    %dma_start3A_63 = tpu.memref_slice %arg2[%dma_start3A_61, %dma_start3A_62] : memref<10000x128xbf16, #tpu.memory_space<hbm>> -> memref<10000x128xbf16, #tpu.memory_space<hbm>>
    tpu.enqueue_indirect_dma source(%dma_start3A_63 : memref<10000x128xbf16, #tpu.memory_space<hbm>>) target(%arg11 : memref<80x128xbf16, #tpu.memory_space<vmem>>) offsets(%dma_start3A_60 : memref<80xi32, #tpu.memory_space<vmem>>) semaphore(%arg18 : memref<!tpu.dma_semaphore, #tpu.memory_space<semaphore_mem>>)
    %dma_start3A_64 = arith.constant 4 : i32
    %dma_start3A_65 = arith.constant 0 : i32
    %dma_start3A_66 = tpu.memref_slice %arg6[%dma_start3A_64, %dma_start3A_65] : memref<125x80xi32, #tpu.memory_space<vmem>> -> memref<1x80xi32, #tpu.memory_space<vmem>>
    %dma_start3A_67 = tpu.memref_squeeze %dma_start3A_66 : memref<1x80xi32, #tpu.memory_space<vmem>> -> memref<80xi32, #tpu.memory_space<vmem>>
    %dma_start3A_68 = arith.constant 0 : i32
    %dma_start3A_69 = arith.constant 0 : i32
    %dma_start3A_70 = tpu.memref_slice %arg2[%dma_start3A_68, %dma_start3A_69] : memref<10000x128xbf16, #tpu.memory_space<hbm>> -> memref<10000x128xbf16, #tpu.memory_space<hbm>>
    tpu.enqueue_indirect_dma source(%dma_start3A_70 : memref<10000x128xbf16, #tpu.memory_space<hbm>>) target(%arg12 : memref<80x128xbf16, #tpu.memory_space<vmem>>) offsets(%dma_start3A_67 : memref<80xi32, #tpu.memory_space<vmem>>) semaphore(%arg19 : memref<!tpu.dma_semaphore, #tpu.memory_space<semaphore_mem>>)
    %dma_start3A_71 = arith.constant 5 : i32
    %dma_start3A_72 = arith.constant 0 : i32
    %dma_start3A_73 = tpu.memref_slice %arg6[%dma_start3A_71, %dma_start3A_72] : memref<125x80xi32, #tpu.memory_space<vmem>> -> memref<1x80xi32, #tpu.memory_space<vmem>>
    %dma_start3A_74 = tpu.memref_squeeze %dma_start3A_73 : memref<1x80xi32, #tpu.memory_space<vmem>> -> memref<80xi32, #tpu.memory_space<vmem>>
    %dma_start3A_75 = arith.constant 0 : i32
    %dma_start3A_76 = arith.constant 0 : i32
    %dma_start3A_77 = tpu.memref_slice %arg2[%dma_start3A_75, %dma_start3A_76] : memref<10000x128xbf16, #tpu.memory_space<hbm>> -> memref<10000x128xbf16, #tpu.memory_space<hbm>>
    tpu.enqueue_indirect_dma source(%dma_start3A_77 : memref<10000x128xbf16, #tpu.memory_space<hbm>>) target(%arg13 : memref<80x128xbf16, #tpu.memory_space<vmem>>) offsets(%dma_start3A_74 : memref<80xi32, #tpu.memory_space<vmem>>) semaphore(%arg20 : memref<!tpu.dma_semaphore, #tpu.memory_space<semaphore_mem>>)
    %scan3A_78 = arith.constant 0 : i32
    %scan3A_79 = arith.constant 0 : i32
    %scan3A_80 = arith.constant 20 : i32
    %scan3A_81 = arith.addi %scan3A_79, %scan3A_80 : i32
    %scan3A_82 = arith.constant 1 : i32
    scf.for %scan3A_203 = %scan3A_79 to %scan3A_81 step %scan3A_82  : i32 {
      %mul3A_204 = arith.constant 6 : i32
      %mul3A_205 = arith.muli %mul3A_204, %scan3A_203 : i32
      %add3A_206 = arith.constant 0 : i32
      %add3A_207 = arith.addi %mul3A_205, %add3A_206 : i32
      %dma_wait3A_208 = arith.constant 0 : i32
      %dma_wait3A_209 = tpu.memref_slice %arg6[%add3A_207, %dma_wait3A_208] : memref<125x80xi32, #tpu.memory_space<vmem>> -> memref<1x80xi32, #tpu.memory_space<vmem>>
      %dma_wait3A_210 = tpu.memref_squeeze %dma_wait3A_209 : memref<1x80xi32, #tpu.memory_space<vmem>> -> memref<80xi32, #tpu.memory_space<vmem>>
      %dma_wait3A_211 = arith.constant 0 : i32
      %dma_wait3A_212 = arith.constant 0 : i32
      %dma_wait3A_213 = tpu.memref_slice %arg2[%dma_wait3A_211, %dma_wait3A_212] : memref<10000x128xbf16, #tpu.memory_space<hbm>> -> memref<10000x128xbf16, #tpu.memory_space<hbm>>
      tpu.wait_indirect_dma semaphore(%arg15 : memref<!tpu.dma_semaphore, #tpu.memory_space<semaphore_mem>>) src(%dma_wait3A_213 : memref<10000x128xbf16, #tpu.memory_space<hbm>>) dst(%arg8 : memref<80x128xbf16, #tpu.memory_space<vmem>>)
      %dma_start3A_214 = arith.constant 0 : i32
      %dma_start3A_215 = tpu.memref_slice %arg7[%add3A_207, %dma_start3A_214] : memref<125x80xi32, #tpu.memory_space<vmem>> -> memref<1x80xi32, #tpu.memory_space<vmem>>
      %dma_start3A_216 = tpu.memref_squeeze %dma_start3A_215 : memref<1x80xi32, #tpu.memory_space<vmem>> -> memref<80xi32, #tpu.memory_space<vmem>>
      %dma_start3A_217 = arith.constant 0 : i32
      %dma_start3A_218 = arith.constant 0 : i32
      %dma_start3A_219 = tpu.memref_slice %arg14[%dma_start3A_217, %dma_start3A_218] : memref<10000x128xbf16, #tpu.memory_space<vmem_shared>> -> memref<10000x128xbf16, #tpu.memory_space<vmem_shared>>
      tpu.enqueue_indirect_dma source(%arg8 : memref<80x128xbf16, #tpu.memory_space<vmem>>) target(%dma_start3A_219 : memref<10000x128xbf16, #tpu.memory_space<vmem_shared>>) offsets(%dma_start3A_216 : memref<80xi32, #tpu.memory_space<vmem>>) semaphore(%arg21 : memref<!tpu.dma_semaphore, #tpu.memory_space<semaphore_mem>>) {add = true}
      %add3A_220 = arith.constant 1 : i32
      %add3A_221 = arith.addi %mul3A_205, %add3A_220 : i32
      %dma_wait3A_222 = arith.constant 0 : i32
      %dma_wait3A_223 = tpu.memref_slice %arg6[%add3A_221, %dma_wait3A_222] : memref<125x80xi32, #tpu.memory_space<vmem>> -> memref<1x80xi32, #tpu.memory_space<vmem>>
      %dma_wait3A_224 = tpu.memref_squeeze %dma_wait3A_223 : memref<1x80xi32, #tpu.memory_space<vmem>> -> memref<80xi32, #tpu.memory_space<vmem>>
      %dma_wait3A_225 = arith.constant 0 : i32
      %dma_wait3A_226 = arith.constant 0 : i32
      %dma_wait3A_227 = tpu.memref_slice %arg2[%dma_wait3A_225, %dma_wait3A_226] : memref<10000x128xbf16, #tpu.memory_space<hbm>> -> memref<10000x128xbf16, #tpu.memory_space<hbm>>
      tpu.wait_indirect_dma semaphore(%arg16 : memref<!tpu.dma_semaphore, #tpu.memory_space<semaphore_mem>>) src(%dma_wait3A_227 : memref<10000x128xbf16, #tpu.memory_space<hbm>>) dst(%arg9 : memref<80x128xbf16, #tpu.memory_space<vmem>>)
      %dma_start3A_228 = arith.constant 0 : i32
      %dma_start3A_229 = tpu.memref_slice %arg7[%add3A_221, %dma_start3A_228] : memref<125x80xi32, #tpu.memory_space<vmem>> -> memref<1x80xi32, #tpu.memory_space<vmem>>
      %dma_start3A_230 = tpu.memref_squeeze %dma_start3A_229 : memref<1x80xi32, #tpu.memory_space<vmem>> -> memref<80xi32, #tpu.memory_space<vmem>>
      %dma_start3A_231 = arith.constant 0 : i32
      %dma_start3A_232 = arith.constant 0 : i32
      %dma_start3A_233 = tpu.memref_slice %arg14[%dma_start3A_231, %dma_start3A_232] : memref<10000x128xbf16, #tpu.memory_space<vmem_shared>> -> memref<10000x128xbf16, #tpu.memory_space<vmem_shared>>
      tpu.enqueue_indirect_dma source(%arg9 : memref<80x128xbf16, #tpu.memory_space<vmem>>) target(%dma_start3A_233 : memref<10000x128xbf16, #tpu.memory_space<vmem_shared>>) offsets(%dma_start3A_230 : memref<80xi32, #tpu.memory_space<vmem>>) semaphore(%arg22 : memref<!tpu.dma_semaphore, #tpu.memory_space<semaphore_mem>>) {add = true}
      %add3A_234 = arith.constant 2 : i32
      %add3A_235 = arith.addi %mul3A_205, %add3A_234 : i32
      %dma_wait3A_236 = arith.constant 0 : i32
      %dma_wait3A_237 = tpu.memref_slice %arg6[%add3A_235, %dma_wait3A_236] : memref<125x80xi32, #tpu.memory_space<vmem>> -> memref<1x80xi32, #tpu.memory_space<vmem>>
      %dma_wait3A_238 = tpu.memref_squeeze %dma_wait3A_237 : memref<1x80xi32, #tpu.memory_space<vmem>> -> memref<80xi32, #tpu.memory_space<vmem>>
      %dma_wait3A_239 = arith.constant 0 : i32
      %dma_wait3A_240 = arith.constant 0 : i32
      %dma_wait3A_241 = tpu.memref_slice %arg2[%dma_wait3A_239, %dma_wait3A_240] : memref<10000x128xbf16, #tpu.memory_space<hbm>> -> memref<10000x128xbf16, #tpu.memory_space<hbm>>
      tpu.wait_indirect_dma semaphore(%arg17 : memref<!tpu.dma_semaphore, #tpu.memory_space<semaphore_mem>>) src(%dma_wait3A_241 : memref<10000x128xbf16, #tpu.memory_space<hbm>>) dst(%arg10 : memref<80x128xbf16, #tpu.memory_space<vmem>>)
      %dma_start3A_242 = arith.constant 0 : i32
      %dma_start3A_243 = tpu.memref_slice %arg7[%add3A_235, %dma_start3A_242] : memref<125x80xi32, #tpu.memory_space<vmem>> -> memref<1x80xi32, #tpu.memory_space<vmem>>
      %dma_start3A_244 = tpu.memref_squeeze %dma_start3A_243 : memref<1x80xi32, #tpu.memory_space<vmem>> -> memref<80xi32, #tpu.memory_space<vmem>>
      %dma_start3A_245 = arith.constant 0 : i32
      %dma_start3A_246 = arith.constant 0 : i32
      %dma_start3A_247 = tpu.memref_slice %arg14[%dma_start3A_245, %dma_start3A_246] : memref<10000x128xbf16, #tpu.memory_space<vmem_shared>> -> memref<10000x128xbf16, #tpu.memory_space<vmem_shared>>
      tpu.enqueue_indirect_dma source(%arg10 : memref<80x128xbf16, #tpu.memory_space<vmem>>) target(%dma_start3A_247 : memref<10000x128xbf16, #tpu.memory_space<vmem_shared>>) offsets(%dma_start3A_244 : memref<80xi32, #tpu.memory_space<vmem>>) semaphore(%arg23 : memref<!tpu.dma_semaphore, #tpu.memory_space<semaphore_mem>>) {add = true}
      %add3A_248 = arith.constant 3 : i32
      %add3A_249 = arith.addi %mul3A_205, %add3A_248 : i32
      %dma_wait3A_250 = arith.constant 0 : i32
      %dma_wait3A_251 = tpu.memref_slice %arg6[%add3A_249, %dma_wait3A_250] : memref<125x80xi32, #tpu.memory_space<vmem>> -> memref<1x80xi32, #tpu.memory_space<vmem>>
      %dma_wait3A_252 = tpu.memref_squeeze %dma_wait3A_251 : memref<1x80xi32, #tpu.memory_space<vmem>> -> memref<80xi32, #tpu.memory_space<vmem>>
      %dma_wait3A_253 = arith.constant 0 : i32
      %dma_wait3A_254 = arith.constant 0 : i32
      %dma_wait3A_255 = tpu.memref_slice %arg2[%dma_wait3A_253, %dma_wait3A_254] : memref<10000x128xbf16, #tpu.memory_space<hbm>> -> memref<10000x128xbf16, #tpu.memory_space<hbm>>
      tpu.wait_indirect_dma semaphore(%arg18 : memref<!tpu.dma_semaphore, #tpu.memory_space<semaphore_mem>>) src(%dma_wait3A_255 : memref<10000x128xbf16, #tpu.memory_space<hbm>>) dst(%arg11 : memref<80x128xbf16, #tpu.memory_space<vmem>>)
      %dma_start3A_256 = arith.constant 0 : i32
      %dma_start3A_257 = tpu.memref_slice %arg7[%add3A_249, %dma_start3A_256] : memref<125x80xi32, #tpu.memory_space<vmem>> -> memref<1x80xi32, #tpu.memory_space<vmem>>
      %dma_start3A_258 = tpu.memref_squeeze %dma_start3A_257 : memref<1x80xi32, #tpu.memory_space<vmem>> -> memref<80xi32, #tpu.memory_space<vmem>>
      %dma_start3A_259 = arith.constant 0 : i32
      %dma_start3A_260 = arith.constant 0 : i32
      %dma_start3A_261 = tpu.memref_slice %arg14[%dma_start3A_259, %dma_start3A_260] : memref<10000x128xbf16, #tpu.memory_space<vmem_shared>> -> memref<10000x128xbf16, #tpu.memory_space<vmem_shared>>
      tpu.enqueue_indirect_dma source(%arg11 : memref<80x128xbf16, #tpu.memory_space<vmem>>) target(%dma_start3A_261 : memref<10000x128xbf16, #tpu.memory_space<vmem_shared>>) offsets(%dma_start3A_258 : memref<80xi32, #tpu.memory_space<vmem>>) semaphore(%arg24 : memref<!tpu.dma_semaphore, #tpu.memory_space<semaphore_mem>>) {add = true}
      %add3A_262 = arith.constant 4 : i32
      %add3A_263 = arith.addi %mul3A_205, %add3A_262 : i32
      %dma_wait3A_264 = arith.constant 0 : i32
      %dma_wait3A_265 = tpu.memref_slice %arg6[%add3A_263, %dma_wait3A_264] : memref<125x80xi32, #tpu.memory_space<vmem>> -> memref<1x80xi32, #tpu.memory_space<vmem>>
      %dma_wait3A_266 = tpu.memref_squeeze %dma_wait3A_265 : memref<1x80xi32, #tpu.memory_space<vmem>> -> memref<80xi32, #tpu.memory_space<vmem>>
      %dma_wait3A_267 = arith.constant 0 : i32
      %dma_wait3A_268 = arith.constant 0 : i32
      %dma_wait3A_269 = tpu.memref_slice %arg2[%dma_wait3A_267, %dma_wait3A_268] : memref<10000x128xbf16, #tpu.memory_space<hbm>> -> memref<10000x128xbf16, #tpu.memory_space<hbm>>
      tpu.wait_indirect_dma semaphore(%arg19 : memref<!tpu.dma_semaphore, #tpu.memory_space<semaphore_mem>>) src(%dma_wait3A_269 : memref<10000x128xbf16, #tpu.memory_space<hbm>>) dst(%arg12 : memref<80x128xbf16, #tpu.memory_space<vmem>>)
      %dma_start3A_270 = arith.constant 0 : i32
      %dma_start3A_271 = tpu.memref_slice %arg7[%add3A_263, %dma_start3A_270] : memref<125x80xi32, #tpu.memory_space<vmem>> -> memref<1x80xi32, #tpu.memory_space<vmem>>
      %dma_start3A_272 = tpu.memref_squeeze %dma_start3A_271 : memref<1x80xi32, #tpu.memory_space<vmem>> -> memref<80xi32, #tpu.memory_space<vmem>>
      %dma_start3A_273 = arith.constant 0 : i32
      %dma_start3A_274 = arith.constant 0 : i32
      %dma_start3A_275 = tpu.memref_slice %arg14[%dma_start3A_273, %dma_start3A_274] : memref<10000x128xbf16, #tpu.memory_space<vmem_shared>> -> memref<10000x128xbf16, #tpu.memory_space<vmem_shared>>
      tpu.enqueue_indirect_dma source(%arg12 : memref<80x128xbf16, #tpu.memory_space<vmem>>) target(%dma_start3A_275 : memref<10000x128xbf16, #tpu.memory_space<vmem_shared>>) offsets(%dma_start3A_272 : memref<80xi32, #tpu.memory_space<vmem>>) semaphore(%arg25 : memref<!tpu.dma_semaphore, #tpu.memory_space<semaphore_mem>>) {add = true}
      %add3A_276 = arith.constant 5 : i32
      %add3A_277 = arith.addi %mul3A_205, %add3A_276 : i32
      %dma_wait3A_278 = arith.constant 0 : i32
      %dma_wait3A_279 = tpu.memref_slice %arg6[%add3A_277, %dma_wait3A_278] : memref<125x80xi32, #tpu.memory_space<vmem>> -> memref<1x80xi32, #tpu.memory_space<vmem>>
      %dma_wait3A_280 = tpu.memref_squeeze %dma_wait3A_279 : memref<1x80xi32, #tpu.memory_space<vmem>> -> memref<80xi32, #tpu.memory_space<vmem>>
      %dma_wait3A_281 = arith.constant 0 : i32
      %dma_wait3A_282 = arith.constant 0 : i32
      %dma_wait3A_283 = tpu.memref_slice %arg2[%dma_wait3A_281, %dma_wait3A_282] : memref<10000x128xbf16, #tpu.memory_space<hbm>> -> memref<10000x128xbf16, #tpu.memory_space<hbm>>
      tpu.wait_indirect_dma semaphore(%arg20 : memref<!tpu.dma_semaphore, #tpu.memory_space<semaphore_mem>>) src(%dma_wait3A_283 : memref<10000x128xbf16, #tpu.memory_space<hbm>>) dst(%arg13 : memref<80x128xbf16, #tpu.memory_space<vmem>>)
      %dma_start3A_284 = arith.constant 0 : i32
      %dma_start3A_285 = tpu.memref_slice %arg7[%add3A_277, %dma_start3A_284] : memref<125x80xi32, #tpu.memory_space<vmem>> -> memref<1x80xi32, #tpu.memory_space<vmem>>
      %dma_start3A_286 = tpu.memref_squeeze %dma_start3A_285 : memref<1x80xi32, #tpu.memory_space<vmem>> -> memref<80xi32, #tpu.memory_space<vmem>>
      %dma_start3A_287 = arith.constant 0 : i32
      %dma_start3A_288 = arith.constant 0 : i32
      %dma_start3A_289 = tpu.memref_slice %arg14[%dma_start3A_287, %dma_start3A_288] : memref<10000x128xbf16, #tpu.memory_space<vmem_shared>> -> memref<10000x128xbf16, #tpu.memory_space<vmem_shared>>
      tpu.enqueue_indirect_dma source(%arg13 : memref<80x128xbf16, #tpu.memory_space<vmem>>) target(%dma_start3A_289 : memref<10000x128xbf16, #tpu.memory_space<vmem_shared>>) offsets(%dma_start3A_286 : memref<80xi32, #tpu.memory_space<vmem>>) semaphore(%arg26 : memref<!tpu.dma_semaphore, #tpu.memory_space<semaphore_mem>>) {add = true}
      %add3A_290 = arith.constant 0 : i32
      %add3A_291 = arith.addi %mul3A_205, %add3A_290 : i32
      %add3A_292 = arith.constant 6 : i32
      %add3A_293 = arith.addi %add3A_291, %add3A_292 : i32
      %lt3A = arith.constant 125 : i32
      %lt3A_294 = arith.cmpi slt, %add3A_293, %lt3A : i32
      %convert_element_type3A = arith.extui %lt3A_294 : i1 to i32
      %cond3A = arith.constant 0 : i32
      %cond3A_295 = arith.cmpi ne, %convert_element_type3A, %cond3A : i32
      scf.if %cond3A_295 {
        %dma_wait3A_341 = arith.constant 0 : i32
        %dma_wait3A_342 = tpu.memref_slice %arg7[%add3A_291, %dma_wait3A_341] : memref<125x80xi32, #tpu.memory_space<vmem>> -> memref<1x80xi32, #tpu.memory_space<vmem>>
        %dma_wait3A_343 = tpu.memref_squeeze %dma_wait3A_342 : memref<1x80xi32, #tpu.memory_space<vmem>> -> memref<80xi32, #tpu.memory_space<vmem>>
        %dma_wait3A_344 = arith.constant 0 : i32
        %dma_wait3A_345 = arith.constant 0 : i32
        %dma_wait3A_346 = tpu.memref_slice %arg14[%dma_wait3A_344, %dma_wait3A_345] : memref<10000x128xbf16, #tpu.memory_space<vmem_shared>> -> memref<10000x128xbf16, #tpu.memory_space<vmem_shared>>
        tpu.wait_indirect_dma semaphore(%arg21 : memref<!tpu.dma_semaphore, #tpu.memory_space<semaphore_mem>>) src(%arg8 : memref<80x128xbf16, #tpu.memory_space<vmem>>) dst(%dma_wait3A_346 : memref<10000x128xbf16, #tpu.memory_space<vmem_shared>>)
        %add3A_347 = arith.constant 6 : i32
        %add3A_348 = arith.addi %add3A_291, %add3A_347 : i32
        %dma_start3A_349 = arith.constant 0 : i32
        %dma_start3A_350 = tpu.memref_slice %arg6[%add3A_348, %dma_start3A_349] : memref<125x80xi32, #tpu.memory_space<vmem>> -> memref<1x80xi32, #tpu.memory_space<vmem>>
        %dma_start3A_351 = tpu.memref_squeeze %dma_start3A_350 : memref<1x80xi32, #tpu.memory_space<vmem>> -> memref<80xi32, #tpu.memory_space<vmem>>
        %dma_start3A_352 = arith.constant 0 : i32
        %dma_start3A_353 = arith.constant 0 : i32
        %dma_start3A_354 = tpu.memref_slice %arg2[%dma_start3A_352, %dma_start3A_353] : memref<10000x128xbf16, #tpu.memory_space<hbm>> -> memref<10000x128xbf16, #tpu.memory_space<hbm>>
        tpu.enqueue_indirect_dma source(%dma_start3A_354 : memref<10000x128xbf16, #tpu.memory_space<hbm>>) target(%arg8 : memref<80x128xbf16, #tpu.memory_space<vmem>>) offsets(%dma_start3A_351 : memref<80xi32, #tpu.memory_space<vmem>>) semaphore(%arg15 : memref<!tpu.dma_semaphore, #tpu.memory_space<semaphore_mem>>)
      } else {
      }
      %add3A_296 = arith.constant 1 : i32
      %add3A_297 = arith.addi %mul3A_205, %add3A_296 : i32
      %add3A_298 = arith.constant 6 : i32
      %add3A_299 = arith.addi %add3A_297, %add3A_298 : i32
      %lt3A_300 = arith.constant 125 : i32
      %lt3A_301 = arith.cmpi slt, %add3A_299, %lt3A_300 : i32
      %convert_element_type3A_302 = arith.extui %lt3A_301 : i1 to i32
      %cond3A_303 = arith.constant 0 : i32
      %cond3A_304 = arith.cmpi ne, %convert_element_type3A_302, %cond3A_303 : i32
      scf.if %cond3A_304 {
        %dma_wait3A_341 = arith.constant 0 : i32
        %dma_wait3A_342 = tpu.memref_slice %arg7[%add3A_297, %dma_wait3A_341] : memref<125x80xi32, #tpu.memory_space<vmem>> -> memref<1x80xi32, #tpu.memory_space<vmem>>
        %dma_wait3A_343 = tpu.memref_squeeze %dma_wait3A_342 : memref<1x80xi32, #tpu.memory_space<vmem>> -> memref<80xi32, #tpu.memory_space<vmem>>
        %dma_wait3A_344 = arith.constant 0 : i32
        %dma_wait3A_345 = arith.constant 0 : i32
        %dma_wait3A_346 = tpu.memref_slice %arg14[%dma_wait3A_344, %dma_wait3A_345] : memref<10000x128xbf16, #tpu.memory_space<vmem_shared>> -> memref<10000x128xbf16, #tpu.memory_space<vmem_shared>>
        tpu.wait_indirect_dma semaphore(%arg22 : memref<!tpu.dma_semaphore, #tpu.memory_space<semaphore_mem>>) src(%arg9 : memref<80x128xbf16, #tpu.memory_space<vmem>>) dst(%dma_wait3A_346 : memref<10000x128xbf16, #tpu.memory_space<vmem_shared>>)
        %add3A_347 = arith.constant 6 : i32
        %add3A_348 = arith.addi %add3A_297, %add3A_347 : i32
        %dma_start3A_349 = arith.constant 0 : i32
        %dma_start3A_350 = tpu.memref_slice %arg6[%add3A_348, %dma_start3A_349] : memref<125x80xi32, #tpu.memory_space<vmem>> -> memref<1x80xi32, #tpu.memory_space<vmem>>
        %dma_start3A_351 = tpu.memref_squeeze %dma_start3A_350 : memref<1x80xi32, #tpu.memory_space<vmem>> -> memref<80xi32, #tpu.memory_space<vmem>>
        %dma_start3A_352 = arith.constant 0 : i32
        %dma_start3A_353 = arith.constant 0 : i32
        %dma_start3A_354 = tpu.memref_slice %arg2[%dma_start3A_352, %dma_start3A_353] : memref<10000x128xbf16, #tpu.memory_space<hbm>> -> memref<10000x128xbf16, #tpu.memory_space<hbm>>
        tpu.enqueue_indirect_dma source(%dma_start3A_354 : memref<10000x128xbf16, #tpu.memory_space<hbm>>) target(%arg9 : memref<80x128xbf16, #tpu.memory_space<vmem>>) offsets(%dma_start3A_351 : memref<80xi32, #tpu.memory_space<vmem>>) semaphore(%arg16 : memref<!tpu.dma_semaphore, #tpu.memory_space<semaphore_mem>>)
      } else {
      }
      %add3A_305 = arith.constant 2 : i32
      %add3A_306 = arith.addi %mul3A_205, %add3A_305 : i32
      %add3A_307 = arith.constant 6 : i32
      %add3A_308 = arith.addi %add3A_306, %add3A_307 : i32
      %lt3A_309 = arith.constant 125 : i32
      %lt3A_310 = arith.cmpi slt, %add3A_308, %lt3A_309 : i32
      %convert_element_type3A_311 = arith.extui %lt3A_310 : i1 to i32
      %cond3A_312 = arith.constant 0 : i32
      %cond3A_313 = arith.cmpi ne, %convert_element_type3A_311, %cond3A_312 : i32
      scf.if %cond3A_313 {
        %dma_wait3A_341 = arith.constant 0 : i32
        %dma_wait3A_342 = tpu.memref_slice %arg7[%add3A_306, %dma_wait3A_341] : memref<125x80xi32, #tpu.memory_space<vmem>> -> memref<1x80xi32, #tpu.memory_space<vmem>>
        %dma_wait3A_343 = tpu.memref_squeeze %dma_wait3A_342 : memref<1x80xi32, #tpu.memory_space<vmem>> -> memref<80xi32, #tpu.memory_space<vmem>>
        %dma_wait3A_344 = arith.constant 0 : i32
        %dma_wait3A_345 = arith.constant 0 : i32
        %dma_wait3A_346 = tpu.memref_slice %arg14[%dma_wait3A_344, %dma_wait3A_345] : memref<10000x128xbf16, #tpu.memory_space<vmem_shared>> -> memref<10000x128xbf16, #tpu.memory_space<vmem_shared>>
        tpu.wait_indirect_dma semaphore(%arg23 : memref<!tpu.dma_semaphore, #tpu.memory_space<semaphore_mem>>) src(%arg10 : memref<80x128xbf16, #tpu.memory_space<vmem>>) dst(%dma_wait3A_346 : memref<10000x128xbf16, #tpu.memory_space<vmem_shared>>)
        %add3A_347 = arith.constant 6 : i32
        %add3A_348 = arith.addi %add3A_306, %add3A_347 : i32
        %dma_start3A_349 = arith.constant 0 : i32
        %dma_start3A_350 = tpu.memref_slice %arg6[%add3A_348, %dma_start3A_349] : memref<125x80xi32, #tpu.memory_space<vmem>> -> memref<1x80xi32, #tpu.memory_space<vmem>>
        %dma_start3A_351 = tpu.memref_squeeze %dma_start3A_350 : memref<1x80xi32, #tpu.memory_space<vmem>> -> memref<80xi32, #tpu.memory_space<vmem>>
        %dma_start3A_352 = arith.constant 0 : i32
        %dma_start3A_353 = arith.constant 0 : i32
        %dma_start3A_354 = tpu.memref_slice %arg2[%dma_start3A_352, %dma_start3A_353] : memref<10000x128xbf16, #tpu.memory_space<hbm>> -> memref<10000x128xbf16, #tpu.memory_space<hbm>>
        tpu.enqueue_indirect_dma source(%dma_start3A_354 : memref<10000x128xbf16, #tpu.memory_space<hbm>>) target(%arg10 : memref<80x128xbf16, #tpu.memory_space<vmem>>) offsets(%dma_start3A_351 : memref<80xi32, #tpu.memory_space<vmem>>) semaphore(%arg17 : memref<!tpu.dma_semaphore, #tpu.memory_space<semaphore_mem>>)
      } else {
      }
      %add3A_314 = arith.constant 3 : i32
      %add3A_315 = arith.addi %mul3A_205, %add3A_314 : i32
      %add3A_316 = arith.constant 6 : i32
      %add3A_317 = arith.addi %add3A_315, %add3A_316 : i32
      %lt3A_318 = arith.constant 125 : i32
      %lt3A_319 = arith.cmpi slt, %add3A_317, %lt3A_318 : i32
      %convert_element_type3A_320 = arith.extui %lt3A_319 : i1 to i32
      %cond3A_321 = arith.constant 0 : i32
      %cond3A_322 = arith.cmpi ne, %convert_element_type3A_320, %cond3A_321 : i32
      scf.if %cond3A_322 {
        %dma_wait3A_341 = arith.constant 0 : i32
        %dma_wait3A_342 = tpu.memref_slice %arg7[%add3A_315, %dma_wait3A_341] : memref<125x80xi32, #tpu.memory_space<vmem>> -> memref<1x80xi32, #tpu.memory_space<vmem>>
        %dma_wait3A_343 = tpu.memref_squeeze %dma_wait3A_342 : memref<1x80xi32, #tpu.memory_space<vmem>> -> memref<80xi32, #tpu.memory_space<vmem>>
        %dma_wait3A_344 = arith.constant 0 : i32
        %dma_wait3A_345 = arith.constant 0 : i32
        %dma_wait3A_346 = tpu.memref_slice %arg14[%dma_wait3A_344, %dma_wait3A_345] : memref<10000x128xbf16, #tpu.memory_space<vmem_shared>> -> memref<10000x128xbf16, #tpu.memory_space<vmem_shared>>
        tpu.wait_indirect_dma semaphore(%arg24 : memref<!tpu.dma_semaphore, #tpu.memory_space<semaphore_mem>>) src(%arg11 : memref<80x128xbf16, #tpu.memory_space<vmem>>) dst(%dma_wait3A_346 : memref<10000x128xbf16, #tpu.memory_space<vmem_shared>>)
        %add3A_347 = arith.constant 6 : i32
        %add3A_348 = arith.addi %add3A_315, %add3A_347 : i32
        %dma_start3A_349 = arith.constant 0 : i32
        %dma_start3A_350 = tpu.memref_slice %arg6[%add3A_348, %dma_start3A_349] : memref<125x80xi32, #tpu.memory_space<vmem>> -> memref<1x80xi32, #tpu.memory_space<vmem>>
        %dma_start3A_351 = tpu.memref_squeeze %dma_start3A_350 : memref<1x80xi32, #tpu.memory_space<vmem>> -> memref<80xi32, #tpu.memory_space<vmem>>
        %dma_start3A_352 = arith.constant 0 : i32
        %dma_start3A_353 = arith.constant 0 : i32
        %dma_start3A_354 = tpu.memref_slice %arg2[%dma_start3A_352, %dma_start3A_353] : memref<10000x128xbf16, #tpu.memory_space<hbm>> -> memref<10000x128xbf16, #tpu.memory_space<hbm>>
        tpu.enqueue_indirect_dma source(%dma_start3A_354 : memref<10000x128xbf16, #tpu.memory_space<hbm>>) target(%arg11 : memref<80x128xbf16, #tpu.memory_space<vmem>>) offsets(%dma_start3A_351 : memref<80xi32, #tpu.memory_space<vmem>>) semaphore(%arg18 : memref<!tpu.dma_semaphore, #tpu.memory_space<semaphore_mem>>)
      } else {
      }
      %add3A_323 = arith.constant 4 : i32
      %add3A_324 = arith.addi %mul3A_205, %add3A_323 : i32
      %add3A_325 = arith.constant 6 : i32
      %add3A_326 = arith.addi %add3A_324, %add3A_325 : i32
      %lt3A_327 = arith.constant 125 : i32
      %lt3A_328 = arith.cmpi slt, %add3A_326, %lt3A_327 : i32
      %convert_element_type3A_329 = arith.extui %lt3A_328 : i1 to i32
      %cond3A_330 = arith.constant 0 : i32
      %cond3A_331 = arith.cmpi ne, %convert_element_type3A_329, %cond3A_330 : i32
      scf.if %cond3A_331 {
        %dma_wait3A_341 = arith.constant 0 : i32
        %dma_wait3A_342 = tpu.memref_slice %arg7[%add3A_324, %dma_wait3A_341] : memref<125x80xi32, #tpu.memory_space<vmem>> -> memref<1x80xi32, #tpu.memory_space<vmem>>
        %dma_wait3A_343 = tpu.memref_squeeze %dma_wait3A_342 : memref<1x80xi32, #tpu.memory_space<vmem>> -> memref<80xi32, #tpu.memory_space<vmem>>
        %dma_wait3A_344 = arith.constant 0 : i32
        %dma_wait3A_345 = arith.constant 0 : i32
        %dma_wait3A_346 = tpu.memref_slice %arg14[%dma_wait3A_344, %dma_wait3A_345] : memref<10000x128xbf16, #tpu.memory_space<vmem_shared>> -> memref<10000x128xbf16, #tpu.memory_space<vmem_shared>>
        tpu.wait_indirect_dma semaphore(%arg25 : memref<!tpu.dma_semaphore, #tpu.memory_space<semaphore_mem>>) src(%arg12 : memref<80x128xbf16, #tpu.memory_space<vmem>>) dst(%dma_wait3A_346 : memref<10000x128xbf16, #tpu.memory_space<vmem_shared>>)
        %add3A_347 = arith.constant 6 : i32
        %add3A_348 = arith.addi %add3A_324, %add3A_347 : i32
        %dma_start3A_349 = arith.constant 0 : i32
        %dma_start3A_350 = tpu.memref_slice %arg6[%add3A_348, %dma_start3A_349] : memref<125x80xi32, #tpu.memory_space<vmem>> -> memref<1x80xi32, #tpu.memory_space<vmem>>
        %dma_start3A_351 = tpu.memref_squeeze %dma_start3A_350 : memref<1x80xi32, #tpu.memory_space<vmem>> -> memref<80xi32, #tpu.memory_space<vmem>>
        %dma_start3A_352 = arith.constant 0 : i32
        %dma_start3A_353 = arith.constant 0 : i32
        %dma_start3A_354 = tpu.memref_slice %arg2[%dma_start3A_352, %dma_start3A_353] : memref<10000x128xbf16, #tpu.memory_space<hbm>> -> memref<10000x128xbf16, #tpu.memory_space<hbm>>
        tpu.enqueue_indirect_dma source(%dma_start3A_354 : memref<10000x128xbf16, #tpu.memory_space<hbm>>) target(%arg12 : memref<80x128xbf16, #tpu.memory_space<vmem>>) offsets(%dma_start3A_351 : memref<80xi32, #tpu.memory_space<vmem>>) semaphore(%arg19 : memref<!tpu.dma_semaphore, #tpu.memory_space<semaphore_mem>>)
      } else {
      }
      %add3A_332 = arith.constant 5 : i32
      %add3A_333 = arith.addi %mul3A_205, %add3A_332 : i32
      %add3A_334 = arith.constant 6 : i32
      %add3A_335 = arith.addi %add3A_333, %add3A_334 : i32
      %lt3A_336 = arith.constant 125 : i32
      %lt3A_337 = arith.cmpi slt, %add3A_335, %lt3A_336 : i32
      %convert_element_type3A_338 = arith.extui %lt3A_337 : i1 to i32
      %cond3A_339 = arith.constant 0 : i32
      %cond3A_340 = arith.cmpi ne, %convert_element_type3A_338, %cond3A_339 : i32
      scf.if %cond3A_340 {
        %dma_wait3A_341 = arith.constant 0 : i32
        %dma_wait3A_342 = tpu.memref_slice %arg7[%add3A_333, %dma_wait3A_341] : memref<125x80xi32, #tpu.memory_space<vmem>> -> memref<1x80xi32, #tpu.memory_space<vmem>>
        %dma_wait3A_343 = tpu.memref_squeeze %dma_wait3A_342 : memref<1x80xi32, #tpu.memory_space<vmem>> -> memref<80xi32, #tpu.memory_space<vmem>>
        %dma_wait3A_344 = arith.constant 0 : i32
        %dma_wait3A_345 = arith.constant 0 : i32
        %dma_wait3A_346 = tpu.memref_slice %arg14[%dma_wait3A_344, %dma_wait3A_345] : memref<10000x128xbf16, #tpu.memory_space<vmem_shared>> -> memref<10000x128xbf16, #tpu.memory_space<vmem_shared>>
        tpu.wait_indirect_dma semaphore(%arg26 : memref<!tpu.dma_semaphore, #tpu.memory_space<semaphore_mem>>) src(%arg13 : memref<80x128xbf16, #tpu.memory_space<vmem>>) dst(%dma_wait3A_346 : memref<10000x128xbf16, #tpu.memory_space<vmem_shared>>)
        %add3A_347 = arith.constant 6 : i32
        %add3A_348 = arith.addi %add3A_333, %add3A_347 : i32
        %dma_start3A_349 = arith.constant 0 : i32
        %dma_start3A_350 = tpu.memref_slice %arg6[%add3A_348, %dma_start3A_349] : memref<125x80xi32, #tpu.memory_space<vmem>> -> memref<1x80xi32, #tpu.memory_space<vmem>>
        %dma_start3A_351 = tpu.memref_squeeze %dma_start3A_350 : memref<1x80xi32, #tpu.memory_space<vmem>> -> memref<80xi32, #tpu.memory_space<vmem>>
        %dma_start3A_352 = arith.constant 0 : i32
        %dma_start3A_353 = arith.constant 0 : i32
        %dma_start3A_354 = tpu.memref_slice %arg2[%dma_start3A_352, %dma_start3A_353] : memref<10000x128xbf16, #tpu.memory_space<hbm>> -> memref<10000x128xbf16, #tpu.memory_space<hbm>>
        tpu.enqueue_indirect_dma source(%dma_start3A_354 : memref<10000x128xbf16, #tpu.memory_space<hbm>>) target(%arg13 : memref<80x128xbf16, #tpu.memory_space<vmem>>) offsets(%dma_start3A_351 : memref<80xi32, #tpu.memory_space<vmem>>) semaphore(%arg20 : memref<!tpu.dma_semaphore, #tpu.memory_space<semaphore_mem>>)
      } else {
      }
    }
    %scan3A_83 = arith.constant 20 : i32
    %dma_wait3A_84 = arith.constant 120 : i32
    %dma_wait3A_85 = arith.constant 0 : i32
    %dma_wait3A_86 = tpu.memref_slice %arg6[%dma_wait3A_84, %dma_wait3A_85] : memref<125x80xi32, #tpu.memory_space<vmem>> -> memref<1x80xi32, #tpu.memory_space<vmem>>
    %dma_wait3A_87 = tpu.memref_squeeze %dma_wait3A_86 : memref<1x80xi32, #tpu.memory_space<vmem>> -> memref<80xi32, #tpu.memory_space<vmem>>
    %dma_wait3A_88 = arith.constant 0 : i32
    %dma_wait3A_89 = arith.constant 0 : i32
    %dma_wait3A_90 = tpu.memref_slice %arg2[%dma_wait3A_88, %dma_wait3A_89] : memref<10000x128xbf16, #tpu.memory_space<hbm>> -> memref<10000x128xbf16, #tpu.memory_space<hbm>>
    tpu.wait_indirect_dma semaphore(%arg15 : memref<!tpu.dma_semaphore, #tpu.memory_space<semaphore_mem>>) src(%dma_wait3A_90 : memref<10000x128xbf16, #tpu.memory_space<hbm>>) dst(%arg8 : memref<80x128xbf16, #tpu.memory_space<vmem>>)
    %dma_start3A_91 = arith.constant 120 : i32
    %dma_start3A_92 = arith.constant 0 : i32
    %dma_start3A_93 = tpu.memref_slice %arg7[%dma_start3A_91, %dma_start3A_92] : memref<125x80xi32, #tpu.memory_space<vmem>> -> memref<1x80xi32, #tpu.memory_space<vmem>>
    %dma_start3A_94 = tpu.memref_squeeze %dma_start3A_93 : memref<1x80xi32, #tpu.memory_space<vmem>> -> memref<80xi32, #tpu.memory_space<vmem>>
    %dma_start3A_95 = arith.constant 0 : i32
    %dma_start3A_96 = arith.constant 0 : i32
    %dma_start3A_97 = tpu.memref_slice %arg14[%dma_start3A_95, %dma_start3A_96] : memref<10000x128xbf16, #tpu.memory_space<vmem_shared>> -> memref<10000x128xbf16, #tpu.memory_space<vmem_shared>>
    tpu.enqueue_indirect_dma source(%arg8 : memref<80x128xbf16, #tpu.memory_space<vmem>>) target(%dma_start3A_97 : memref<10000x128xbf16, #tpu.memory_space<vmem_shared>>) offsets(%dma_start3A_94 : memref<80xi32, #tpu.memory_space<vmem>>) semaphore(%arg21 : memref<!tpu.dma_semaphore, #tpu.memory_space<semaphore_mem>>) {add = true}
    %dma_wait3A_98 = arith.constant 121 : i32
    %dma_wait3A_99 = arith.constant 0 : i32
    %dma_wait3A_100 = tpu.memref_slice %arg6[%dma_wait3A_98, %dma_wait3A_99] : memref<125x80xi32, #tpu.memory_space<vmem>> -> memref<1x80xi32, #tpu.memory_space<vmem>>
    %dma_wait3A_101 = tpu.memref_squeeze %dma_wait3A_100 : memref<1x80xi32, #tpu.memory_space<vmem>> -> memref<80xi32, #tpu.memory_space<vmem>>
    %dma_wait3A_102 = arith.constant 0 : i32
    %dma_wait3A_103 = arith.constant 0 : i32
    %dma_wait3A_104 = tpu.memref_slice %arg2[%dma_wait3A_102, %dma_wait3A_103] : memref<10000x128xbf16, #tpu.memory_space<hbm>> -> memref<10000x128xbf16, #tpu.memory_space<hbm>>
    tpu.wait_indirect_dma semaphore(%arg16 : memref<!tpu.dma_semaphore, #tpu.memory_space<semaphore_mem>>) src(%dma_wait3A_104 : memref<10000x128xbf16, #tpu.memory_space<hbm>>) dst(%arg9 : memref<80x128xbf16, #tpu.memory_space<vmem>>)
    %dma_start3A_105 = arith.constant 121 : i32
    %dma_start3A_106 = arith.constant 0 : i32
    %dma_start3A_107 = tpu.memref_slice %arg7[%dma_start3A_105, %dma_start3A_106] : memref<125x80xi32, #tpu.memory_space<vmem>> -> memref<1x80xi32, #tpu.memory_space<vmem>>
    %dma_start3A_108 = tpu.memref_squeeze %dma_start3A_107 : memref<1x80xi32, #tpu.memory_space<vmem>> -> memref<80xi32, #tpu.memory_space<vmem>>
    %dma_start3A_109 = arith.constant 0 : i32
    %dma_start3A_110 = arith.constant 0 : i32
    %dma_start3A_111 = tpu.memref_slice %arg14[%dma_start3A_109, %dma_start3A_110] : memref<10000x128xbf16, #tpu.memory_space<vmem_shared>> -> memref<10000x128xbf16, #tpu.memory_space<vmem_shared>>
    tpu.enqueue_indirect_dma source(%arg9 : memref<80x128xbf16, #tpu.memory_space<vmem>>) target(%dma_start3A_111 : memref<10000x128xbf16, #tpu.memory_space<vmem_shared>>) offsets(%dma_start3A_108 : memref<80xi32, #tpu.memory_space<vmem>>) semaphore(%arg22 : memref<!tpu.dma_semaphore, #tpu.memory_space<semaphore_mem>>) {add = true}
    %dma_wait3A_112 = arith.constant 122 : i32
    %dma_wait3A_113 = arith.constant 0 : i32
    %dma_wait3A_114 = tpu.memref_slice %arg6[%dma_wait3A_112, %dma_wait3A_113] : memref<125x80xi32, #tpu.memory_space<vmem>> -> memref<1x80xi32, #tpu.memory_space<vmem>>
    %dma_wait3A_115 = tpu.memref_squeeze %dma_wait3A_114 : memref<1x80xi32, #tpu.memory_space<vmem>> -> memref<80xi32, #tpu.memory_space<vmem>>
    %dma_wait3A_116 = arith.constant 0 : i32
    %dma_wait3A_117 = arith.constant 0 : i32
    %dma_wait3A_118 = tpu.memref_slice %arg2[%dma_wait3A_116, %dma_wait3A_117] : memref<10000x128xbf16, #tpu.memory_space<hbm>> -> memref<10000x128xbf16, #tpu.memory_space<hbm>>
    tpu.wait_indirect_dma semaphore(%arg17 : memref<!tpu.dma_semaphore, #tpu.memory_space<semaphore_mem>>) src(%dma_wait3A_118 : memref<10000x128xbf16, #tpu.memory_space<hbm>>) dst(%arg10 : memref<80x128xbf16, #tpu.memory_space<vmem>>)
    %dma_start3A_119 = arith.constant 122 : i32
    %dma_start3A_120 = arith.constant 0 : i32
    %dma_start3A_121 = tpu.memref_slice %arg7[%dma_start3A_119, %dma_start3A_120] : memref<125x80xi32, #tpu.memory_space<vmem>> -> memref<1x80xi32, #tpu.memory_space<vmem>>
    %dma_start3A_122 = tpu.memref_squeeze %dma_start3A_121 : memref<1x80xi32, #tpu.memory_space<vmem>> -> memref<80xi32, #tpu.memory_space<vmem>>
    %dma_start3A_123 = arith.constant 0 : i32
    %dma_start3A_124 = arith.constant 0 : i32
    %dma_start3A_125 = tpu.memref_slice %arg14[%dma_start3A_123, %dma_start3A_124] : memref<10000x128xbf16, #tpu.memory_space<vmem_shared>> -> memref<10000x128xbf16, #tpu.memory_space<vmem_shared>>
    tpu.enqueue_indirect_dma source(%arg10 : memref<80x128xbf16, #tpu.memory_space<vmem>>) target(%dma_start3A_125 : memref<10000x128xbf16, #tpu.memory_space<vmem_shared>>) offsets(%dma_start3A_122 : memref<80xi32, #tpu.memory_space<vmem>>) semaphore(%arg23 : memref<!tpu.dma_semaphore, #tpu.memory_space<semaphore_mem>>) {add = true}
    %dma_wait3A_126 = arith.constant 123 : i32
    %dma_wait3A_127 = arith.constant 0 : i32
    %dma_wait3A_128 = tpu.memref_slice %arg6[%dma_wait3A_126, %dma_wait3A_127] : memref<125x80xi32, #tpu.memory_space<vmem>> -> memref<1x80xi32, #tpu.memory_space<vmem>>
    %dma_wait3A_129 = tpu.memref_squeeze %dma_wait3A_128 : memref<1x80xi32, #tpu.memory_space<vmem>> -> memref<80xi32, #tpu.memory_space<vmem>>
    %dma_wait3A_130 = arith.constant 0 : i32
    %dma_wait3A_131 = arith.constant 0 : i32
    %dma_wait3A_132 = tpu.memref_slice %arg2[%dma_wait3A_130, %dma_wait3A_131] : memref<10000x128xbf16, #tpu.memory_space<hbm>> -> memref<10000x128xbf16, #tpu.memory_space<hbm>>
    tpu.wait_indirect_dma semaphore(%arg18 : memref<!tpu.dma_semaphore, #tpu.memory_space<semaphore_mem>>) src(%dma_wait3A_132 : memref<10000x128xbf16, #tpu.memory_space<hbm>>) dst(%arg11 : memref<80x128xbf16, #tpu.memory_space<vmem>>)
    %dma_start3A_133 = arith.constant 123 : i32
    %dma_start3A_134 = arith.constant 0 : i32
    %dma_start3A_135 = tpu.memref_slice %arg7[%dma_start3A_133, %dma_start3A_134] : memref<125x80xi32, #tpu.memory_space<vmem>> -> memref<1x80xi32, #tpu.memory_space<vmem>>
    %dma_start3A_136 = tpu.memref_squeeze %dma_start3A_135 : memref<1x80xi32, #tpu.memory_space<vmem>> -> memref<80xi32, #tpu.memory_space<vmem>>
    %dma_start3A_137 = arith.constant 0 : i32
    %dma_start3A_138 = arith.constant 0 : i32
    %dma_start3A_139 = tpu.memref_slice %arg14[%dma_start3A_137, %dma_start3A_138] : memref<10000x128xbf16, #tpu.memory_space<vmem_shared>> -> memref<10000x128xbf16, #tpu.memory_space<vmem_shared>>
    tpu.enqueue_indirect_dma source(%arg11 : memref<80x128xbf16, #tpu.memory_space<vmem>>) target(%dma_start3A_139 : memref<10000x128xbf16, #tpu.memory_space<vmem_shared>>) offsets(%dma_start3A_136 : memref<80xi32, #tpu.memory_space<vmem>>) semaphore(%arg24 : memref<!tpu.dma_semaphore, #tpu.memory_space<semaphore_mem>>) {add = true}
    %dma_wait3A_140 = arith.constant 124 : i32
    %dma_wait3A_141 = arith.constant 0 : i32
    %dma_wait3A_142 = tpu.memref_slice %arg6[%dma_wait3A_140, %dma_wait3A_141] : memref<125x80xi32, #tpu.memory_space<vmem>> -> memref<1x80xi32, #tpu.memory_space<vmem>>
    %dma_wait3A_143 = tpu.memref_squeeze %dma_wait3A_142 : memref<1x80xi32, #tpu.memory_space<vmem>> -> memref<80xi32, #tpu.memory_space<vmem>>
    %dma_wait3A_144 = arith.constant 0 : i32
    %dma_wait3A_145 = arith.constant 0 : i32
    %dma_wait3A_146 = tpu.memref_slice %arg2[%dma_wait3A_144, %dma_wait3A_145] : memref<10000x128xbf16, #tpu.memory_space<hbm>> -> memref<10000x128xbf16, #tpu.memory_space<hbm>>
    tpu.wait_indirect_dma semaphore(%arg19 : memref<!tpu.dma_semaphore, #tpu.memory_space<semaphore_mem>>) src(%dma_wait3A_146 : memref<10000x128xbf16, #tpu.memory_space<hbm>>) dst(%arg12 : memref<80x128xbf16, #tpu.memory_space<vmem>>)
    %dma_start3A_147 = arith.constant 124 : i32
    %dma_start3A_148 = arith.constant 0 : i32
    %dma_start3A_149 = tpu.memref_slice %arg7[%dma_start3A_147, %dma_start3A_148] : memref<125x80xi32, #tpu.memory_space<vmem>> -> memref<1x80xi32, #tpu.memory_space<vmem>>
    %dma_start3A_150 = tpu.memref_squeeze %dma_start3A_149 : memref<1x80xi32, #tpu.memory_space<vmem>> -> memref<80xi32, #tpu.memory_space<vmem>>
    %dma_start3A_151 = arith.constant 0 : i32
    %dma_start3A_152 = arith.constant 0 : i32
    %dma_start3A_153 = tpu.memref_slice %arg14[%dma_start3A_151, %dma_start3A_152] : memref<10000x128xbf16, #tpu.memory_space<vmem_shared>> -> memref<10000x128xbf16, #tpu.memory_space<vmem_shared>>
    tpu.enqueue_indirect_dma source(%arg12 : memref<80x128xbf16, #tpu.memory_space<vmem>>) target(%dma_start3A_153 : memref<10000x128xbf16, #tpu.memory_space<vmem_shared>>) offsets(%dma_start3A_150 : memref<80xi32, #tpu.memory_space<vmem>>) semaphore(%arg25 : memref<!tpu.dma_semaphore, #tpu.memory_space<semaphore_mem>>) {add = true}
    %dma_wait3A_154 = arith.constant 119 : i32
    %dma_wait3A_155 = arith.constant 0 : i32
    %dma_wait3A_156 = tpu.memref_slice %arg7[%dma_wait3A_154, %dma_wait3A_155] : memref<125x80xi32, #tpu.memory_space<vmem>> -> memref<1x80xi32, #tpu.memory_space<vmem>>
    %dma_wait3A_157 = tpu.memref_squeeze %dma_wait3A_156 : memref<1x80xi32, #tpu.memory_space<vmem>> -> memref<80xi32, #tpu.memory_space<vmem>>
    %dma_wait3A_158 = arith.constant 0 : i32
    %dma_wait3A_159 = arith.constant 0 : i32
    %dma_wait3A_160 = tpu.memref_slice %arg14[%dma_wait3A_158, %dma_wait3A_159] : memref<10000x128xbf16, #tpu.memory_space<vmem_shared>> -> memref<10000x128xbf16, #tpu.memory_space<vmem_shared>>
    tpu.wait_indirect_dma semaphore(%arg26 : memref<!tpu.dma_semaphore, #tpu.memory_space<semaphore_mem>>) src(%arg13 : memref<80x128xbf16, #tpu.memory_space<vmem>>) dst(%dma_wait3A_160 : memref<10000x128xbf16, #tpu.memory_space<vmem_shared>>)
    %dma_wait3A_161 = arith.constant 120 : i32
    %dma_wait3A_162 = arith.constant 0 : i32
    %dma_wait3A_163 = tpu.memref_slice %arg7[%dma_wait3A_161, %dma_wait3A_162] : memref<125x80xi32, #tpu.memory_space<vmem>> -> memref<1x80xi32, #tpu.memory_space<vmem>>
    %dma_wait3A_164 = tpu.memref_squeeze %dma_wait3A_163 : memref<1x80xi32, #tpu.memory_space<vmem>> -> memref<80xi32, #tpu.memory_space<vmem>>
    %dma_wait3A_165 = arith.constant 0 : i32
    %dma_wait3A_166 = arith.constant 0 : i32
    %dma_wait3A_167 = tpu.memref_slice %arg14[%dma_wait3A_165, %dma_wait3A_166] : memref<10000x128xbf16, #tpu.memory_space<vmem_shared>> -> memref<10000x128xbf16, #tpu.memory_space<vmem_shared>>
    tpu.wait_indirect_dma semaphore(%arg21 : memref<!tpu.dma_semaphore, #tpu.memory_space<semaphore_mem>>) src(%arg8 : memref<80x128xbf16, #tpu.memory_space<vmem>>) dst(%dma_wait3A_167 : memref<10000x128xbf16, #tpu.memory_space<vmem_shared>>)
    %dma_wait3A_168 = arith.constant 121 : i32
    %dma_wait3A_169 = arith.constant 0 : i32
    %dma_wait3A_170 = tpu.memref_slice %arg7[%dma_wait3A_168, %dma_wait3A_169] : memref<125x80xi32, #tpu.memory_space<vmem>> -> memref<1x80xi32, #tpu.memory_space<vmem>>
    %dma_wait3A_171 = tpu.memref_squeeze %dma_wait3A_170 : memref<1x80xi32, #tpu.memory_space<vmem>> -> memref<80xi32, #tpu.memory_space<vmem>>
    %dma_wait3A_172 = arith.constant 0 : i32
    %dma_wait3A_173 = arith.constant 0 : i32
    %dma_wait3A_174 = tpu.memref_slice %arg14[%dma_wait3A_172, %dma_wait3A_173] : memref<10000x128xbf16, #tpu.memory_space<vmem_shared>> -> memref<10000x128xbf16, #tpu.memory_space<vmem_shared>>
    tpu.wait_indirect_dma semaphore(%arg22 : memref<!tpu.dma_semaphore, #tpu.memory_space<semaphore_mem>>) src(%arg9 : memref<80x128xbf16, #tpu.memory_space<vmem>>) dst(%dma_wait3A_174 : memref<10000x128xbf16, #tpu.memory_space<vmem_shared>>)
    %dma_wait3A_175 = arith.constant 122 : i32
    %dma_wait3A_176 = arith.constant 0 : i32
    %dma_wait3A_177 = tpu.memref_slice %arg7[%dma_wait3A_175, %dma_wait3A_176] : memref<125x80xi32, #tpu.memory_space<vmem>> -> memref<1x80xi32, #tpu.memory_space<vmem>>
    %dma_wait3A_178 = tpu.memref_squeeze %dma_wait3A_177 : memref<1x80xi32, #tpu.memory_space<vmem>> -> memref<80xi32, #tpu.memory_space<vmem>>
    %dma_wait3A_179 = arith.constant 0 : i32
    %dma_wait3A_180 = arith.constant 0 : i32
    %dma_wait3A_181 = tpu.memref_slice %arg14[%dma_wait3A_179, %dma_wait3A_180] : memref<10000x128xbf16, #tpu.memory_space<vmem_shared>> -> memref<10000x128xbf16, #tpu.memory_space<vmem_shared>>
    tpu.wait_indirect_dma semaphore(%arg23 : memref<!tpu.dma_semaphore, #tpu.memory_space<semaphore_mem>>) src(%arg10 : memref<80x128xbf16, #tpu.memory_space<vmem>>) dst(%dma_wait3A_181 : memref<10000x128xbf16, #tpu.memory_space<vmem_shared>>)
    %dma_wait3A_182 = arith.constant 123 : i32
    %dma_wait3A_183 = arith.constant 0 : i32
    %dma_wait3A_184 = tpu.memref_slice %arg7[%dma_wait3A_182, %dma_wait3A_183] : memref<125x80xi32, #tpu.memory_space<vmem>> -> memref<1x80xi32, #tpu.memory_space<vmem>>
    %dma_wait3A_185 = tpu.memref_squeeze %dma_wait3A_184 : memref<1x80xi32, #tpu.memory_space<vmem>> -> memref<80xi32, #tpu.memory_space<vmem>>
    %dma_wait3A_186 = arith.constant 0 : i32
    %dma_wait3A_187 = arith.constant 0 : i32
    %dma_wait3A_188 = tpu.memref_slice %arg14[%dma_wait3A_186, %dma_wait3A_187] : memref<10000x128xbf16, #tpu.memory_space<vmem_shared>> -> memref<10000x128xbf16, #tpu.memory_space<vmem_shared>>
    tpu.wait_indirect_dma semaphore(%arg24 : memref<!tpu.dma_semaphore, #tpu.memory_space<semaphore_mem>>) src(%arg11 : memref<80x128xbf16, #tpu.memory_space<vmem>>) dst(%dma_wait3A_188 : memref<10000x128xbf16, #tpu.memory_space<vmem_shared>>)
    %dma_wait3A_189 = arith.constant 124 : i32
    %dma_wait3A_190 = arith.constant 0 : i32
    %dma_wait3A_191 = tpu.memref_slice %arg7[%dma_wait3A_189, %dma_wait3A_190] : memref<125x80xi32, #tpu.memory_space<vmem>> -> memref<1x80xi32, #tpu.memory_space<vmem>>
    %dma_wait3A_192 = tpu.memref_squeeze %dma_wait3A_191 : memref<1x80xi32, #tpu.memory_space<vmem>> -> memref<80xi32, #tpu.memory_space<vmem>>
    %dma_wait3A_193 = arith.constant 0 : i32
    %dma_wait3A_194 = arith.constant 0 : i32
    %dma_wait3A_195 = tpu.memref_slice %arg14[%dma_wait3A_193, %dma_wait3A_194] : memref<10000x128xbf16, #tpu.memory_space<vmem_shared>> -> memref<10000x128xbf16, #tpu.memory_space<vmem_shared>>
    tpu.wait_indirect_dma semaphore(%arg25 : memref<!tpu.dma_semaphore, #tpu.memory_space<semaphore_mem>>) src(%arg12 : memref<80x128xbf16, #tpu.memory_space<vmem>>) dst(%dma_wait3A_195 : memref<10000x128xbf16, #tpu.memory_space<vmem_shared>>)
    %barrier3A_196 = arith.constant 0 : index
    tpu.barrier barrier_id(%barrier3A_196)
    %scan3A_197 = arith.constant 0 : i32
    %scan3A_198 = arith.constant 0 : i32
    %scan3A_199 = arith.constant 8 : i32
    %scan3A_200 = arith.addi %scan3A_198, %scan3A_199 : i32
    %scan3A_201 = arith.constant 1 : i32
    scf.for %scan3A_203 = %scan3A_198 to %scan3A_200 step %scan3A_201  : i32 {
      %mul3A_204 = arith.constant 16 : i32
      %mul3A_205 = arith.muli %scan3A_203, %mul3A_204 : i32
      %add3A_206 = arith.addi %arg1, %mul3A_205 : i32
      %lt3A = arith.constant 125 : i32
      %lt3A_207 = arith.cmpi slt, %add3A_206, %lt3A : i32
      %convert_element_type3A = arith.extui %lt3A_207 : i1 to i32
      %cond3A = arith.constant 0 : i32
      %cond3A_208 = arith.cmpi ne, %convert_element_type3A, %cond3A : i32
      scf.if %cond3A_208 {
        %mul3A_209 = arith.constant 80 : i32
        %mul3A_210 = arith.muli %add3A_206, %mul3A_209 : i32
        "tpu.region"() ({
          %run_scoped3A = tpu.sem_alloc : memref<!tpu.dma_semaphore, #tpu.memory_space<semaphore_mem>>
          %dma_start3A_213 = arith.constant 0 : i32
          %dma_start3A_214 = tpu.memref_slice %arg14[%mul3A_210, %dma_start3A_213] : memref<10000x128xbf16, #tpu.memory_space<vmem_shared>> -> memref<80x128xbf16, #tpu.memory_space<vmem_shared>>
          %dma_start3A_215 = arith.constant 0 : i32
          %dma_start3A_216 = tpu.memref_slice %arg14[%mul3A_210, %dma_start3A_215] : memref<10000x128xbf16, #tpu.memory_space<vmem_shared>> -> memref<80x128xbf16, #tpu.memory_space<vmem_shared>>
          tpu.enqueue_dma source(%dma_start3A_216 : memref<80x128xbf16, #tpu.memory_space<vmem_shared>>) target(%arg8 : memref<80x128xbf16, #tpu.memory_space<vmem>>) target_semaphore(%run_scoped3A : memref<!tpu.dma_semaphore, #tpu.memory_space<semaphore_mem>>)
          %dma_wait3A_217 = arith.constant 0 : i32
          %dma_wait3A_218 = tpu.memref_slice %arg14[%mul3A_210, %dma_wait3A_217] : memref<10000x128xbf16, #tpu.memory_space<vmem_shared>> -> memref<80x128xbf16, #tpu.memory_space<vmem_shared>>
          %dma_wait3A_219 = arith.constant 0 : i32
          %dma_wait3A_220 = tpu.memref_slice %arg14[%mul3A_210, %dma_wait3A_219] : memref<10000x128xbf16, #tpu.memory_space<vmem_shared>> -> memref<80x128xbf16, #tpu.memory_space<vmem_shared>>
          tpu.wait_dma2 semaphore(%run_scoped3A : memref<!tpu.dma_semaphore, #tpu.memory_space<semaphore_mem>>) src(%dma_wait3A_220 : memref<80x128xbf16, #tpu.memory_space<vmem_shared>>) dst(%arg8 : memref<80x128xbf16, #tpu.memory_space<vmem>>)
          tpu.yield
        }) : () -> ()
        %mul3A_211 = arith.constant 80 : i32
        %mul3A_212 = arith.muli %add3A_206, %mul3A_211 : i32
        "tpu.region"() ({
          %run_scoped3A = tpu.sem_alloc : memref<!tpu.dma_semaphore, #tpu.memory_space<semaphore_mem>>
          %dma_start3A_213 = arith.constant 0 : i32
          %dma_start3A_214 = tpu.memref_slice %arg5[%arg0, %mul3A_212, %dma_start3A_213] : memref<2x10000x128xbf16, #tpu.memory_space<hbm>> -> memref<1x80x128xbf16, #tpu.memory_space<hbm>>
          %dma_start3A_215 = tpu.memref_squeeze %dma_start3A_214 : memref<1x80x128xbf16, #tpu.memory_space<hbm>> -> memref<80x128xbf16, #tpu.memory_space<hbm>>
          %dma_start3A_216 = arith.constant 0 : i32
          %dma_start3A_217 = tpu.memref_slice %arg5[%arg0, %mul3A_212, %dma_start3A_216] : memref<2x10000x128xbf16, #tpu.memory_space<hbm>> -> memref<1x80x128xbf16, #tpu.memory_space<hbm>>
          %dma_start3A_218 = tpu.memref_squeeze %dma_start3A_217 : memref<1x80x128xbf16, #tpu.memory_space<hbm>> -> memref<80x128xbf16, #tpu.memory_space<hbm>>
          tpu.enqueue_dma source(%arg8 : memref<80x128xbf16, #tpu.memory_space<vmem>>) target(%dma_start3A_218 : memref<80x128xbf16, #tpu.memory_space<hbm>>) target_semaphore(%run_scoped3A : memref<!tpu.dma_semaphore, #tpu.memory_space<semaphore_mem>>)
          %dma_wait3A_219 = arith.constant 0 : i32
          %dma_wait3A_220 = tpu.memref_slice %arg5[%arg0, %mul3A_212, %dma_wait3A_219] : memref<2x10000x128xbf16, #tpu.memory_space<hbm>> -> memref<1x80x128xbf16, #tpu.memory_space<hbm>>
          %dma_wait3A_221 = tpu.memref_squeeze %dma_wait3A_220 : memref<1x80x128xbf16, #tpu.memory_space<hbm>> -> memref<80x128xbf16, #tpu.memory_space<hbm>>
          %dma_wait3A_222 = arith.constant 0 : i32
          %dma_wait3A_223 = tpu.memref_slice %arg5[%arg0, %mul3A_212, %dma_wait3A_222] : memref<2x10000x128xbf16, #tpu.memory_space<hbm>> -> memref<1x80x128xbf16, #tpu.memory_space<hbm>>
          %dma_wait3A_224 = tpu.memref_squeeze %dma_wait3A_223 : memref<1x80x128xbf16, #tpu.memory_space<hbm>> -> memref<80x128xbf16, #tpu.memory_space<hbm>>
          tpu.wait_dma2 semaphore(%run_scoped3A : memref<!tpu.dma_semaphore, #tpu.memory_space<semaphore_mem>>) src(%arg8 : memref<80x128xbf16, #tpu.memory_space<vmem>>) dst(%dma_wait3A_224 : memref<80x128xbf16, #tpu.memory_space<hbm>>)
          tpu.yield
        }) : () -> ()
      } else {
      }
    }
    %scan3A_202 = arith.constant 8 : i32
    return
  }
}

#map = affine_map<(d0, d1) -> (0, 0)>
#map1 = affine_map<(d0, d1) -> (0, 0, 0)>
module attributes {stable_mosaic.version = 14 : i64} {
  func.func @_agg_body(%arg0: i32, %arg1: i32, %arg2: memref<10000x64xbf16, #tpu.memory_space<hbm>>, %arg3: memref<2x4000x80xi32, #tpu.memory_space<hbm>>, %arg4: memref<80x64xbf16, #tpu.memory_space<hbm>>, %arg5: memref<2x10000x64xbf16, #tpu.memory_space<hbm>>, %arg6: memref<125x80xi32, #tpu.memory_space<vmem>>, %arg7: memref<125x80xi32, #tpu.memory_space<vmem>>, %arg8: memref<80x64xbf16, #tpu.memory_space<vmem>>, %arg9: memref<80x64xbf16, #tpu.memory_space<vmem>>, %arg10: memref<80x64xbf16, #tpu.memory_space<vmem>>, %arg11: memref<80x64xbf16, #tpu.memory_space<vmem>>, %arg12: memref<80x64xbf16, #tpu.memory_space<vmem>>, %arg13: memref<80x64xbf16, #tpu.memory_space<vmem>>, %arg14: memref<10000x64xbf16, #tpu.memory_space<vmem_shared>>, %arg15: memref<!tpu.dma_semaphore, #tpu.memory_space<semaphore_mem>>, %arg16: memref<!tpu.dma_semaphore, #tpu.memory_space<semaphore_mem>>, %arg17: memref<!tpu.dma_semaphore, #tpu.memory_space<semaphore_mem>>, %arg18: memref<!tpu.dma_semaphore, #tpu.memory_space<semaphore_mem>>, %arg19: memref<!tpu.dma_semaphore, #tpu.memory_space<semaphore_mem>>, %arg20: memref<!tpu.dma_semaphore, #tpu.memory_space<semaphore_mem>>, %arg21: memref<!tpu.dma_semaphore, #tpu.memory_space<semaphore_mem>>, %arg22: memref<!tpu.dma_semaphore, #tpu.memory_space<semaphore_mem>>, %arg23: memref<!tpu.dma_semaphore, #tpu.memory_space<semaphore_mem>>, %arg24: memref<!tpu.dma_semaphore, #tpu.memory_space<semaphore_mem>>, %arg25: memref<!tpu.dma_semaphore, #tpu.memory_space<semaphore_mem>>, %arg26: memref<!tpu.dma_semaphore, #tpu.memory_space<semaphore_mem>>) attributes {dimension_semantics = [#tpu.dimension_semantics<core_parallel>, #tpu.dimension_semantics<subcore_parallel>], iteration_bounds = array<i64: 2, 16>, scalar_prefetch = 0 : i64, scratch_operands = 21 : i64, tpu.core_type = #tpu.core_type<sc_vector_subcore>, window_params = [{transform_indices = #map}, {transform_indices = #map1}, {transform_indices = #map}, {transform_indices = #map1}]} {
    %mul3A = arith.constant 16 : i32
    %mul3A_0 = arith.muli %arg0, %mul3A : i32
    %add3A = arith.addi %mul3A_0, %arg1 : i32
    %mul3A_1 = arith.constant 125 : i32
    %mul3A_2 = arith.muli %add3A, %mul3A_1 : i32
    %dma_start3A = arith.constant 0 : i32
    %dma_start3A_3 = arith.constant 0 : i32
    %dma_start3A_4 = tpu.memref_slice %arg3[%dma_start3A, %mul3A_2, %dma_start3A_3] : memref<2x4000x80xi32, #tpu.memory_space<hbm>> -> memref<1x125x80xi32, #tpu.memory_space<hbm>>
    %dma_start3A_5 = tpu.memref_squeeze %dma_start3A_4 : memref<1x125x80xi32, #tpu.memory_space<hbm>> -> memref<125x80xi32, #tpu.memory_space<hbm>>
    %dma_start3A_6 = arith.constant 0 : i32
    %dma_start3A_7 = tpu.memref_slice %arg3[%dma_start3A, %mul3A_2, %dma_start3A_6] : memref<2x4000x80xi32, #tpu.memory_space<hbm>> -> memref<1x125x80xi32, #tpu.memory_space<hbm>>
    %dma_start3A_8 = tpu.memref_squeeze %dma_start3A_7 : memref<1x125x80xi32, #tpu.memory_space<hbm>> -> memref<125x80xi32, #tpu.memory_space<hbm>>
    tpu.enqueue_dma source(%dma_start3A_8 : memref<125x80xi32, #tpu.memory_space<hbm>>) target(%arg6 : memref<125x80xi32, #tpu.memory_space<vmem>>) target_semaphore(%arg15 : memref<!tpu.dma_semaphore, #tpu.memory_space<semaphore_mem>>)
    %mul3A_9 = arith.constant 125 : i32
    %mul3A_10 = arith.muli %add3A, %mul3A_9 : i32
    %dma_start3A_11 = arith.constant 1 : i32
    %dma_start3A_12 = arith.constant 0 : i32
    %dma_start3A_13 = tpu.memref_slice %arg3[%dma_start3A_11, %mul3A_10, %dma_start3A_12] : memref<2x4000x80xi32, #tpu.memory_space<hbm>> -> memref<1x125x80xi32, #tpu.memory_space<hbm>>
    %dma_start3A_14 = tpu.memref_squeeze %dma_start3A_13 : memref<1x125x80xi32, #tpu.memory_space<hbm>> -> memref<125x80xi32, #tpu.memory_space<hbm>>
    %dma_start3A_15 = arith.constant 0 : i32
    %dma_start3A_16 = tpu.memref_slice %arg3[%dma_start3A_11, %mul3A_10, %dma_start3A_15] : memref<2x4000x80xi32, #tpu.memory_space<hbm>> -> memref<1x125x80xi32, #tpu.memory_space<hbm>>
    %dma_start3A_17 = tpu.memref_squeeze %dma_start3A_16 : memref<1x125x80xi32, #tpu.memory_space<hbm>> -> memref<125x80xi32, #tpu.memory_space<hbm>>
    tpu.enqueue_dma source(%dma_start3A_17 : memref<125x80xi32, #tpu.memory_space<hbm>>) target(%arg7 : memref<125x80xi32, #tpu.memory_space<vmem>>) target_semaphore(%arg16 : memref<!tpu.dma_semaphore, #tpu.memory_space<semaphore_mem>>)
    "tpu.region"() ({
      %run_scoped3A = tpu.sem_alloc : memref<!tpu.dma_semaphore, #tpu.memory_space<semaphore_mem>>
      tpu.enqueue_dma source(%arg4 : memref<80x64xbf16, #tpu.memory_space<hbm>>) target(%arg8 : memref<80x64xbf16, #tpu.memory_space<vmem>>) target_semaphore(%run_scoped3A : memref<!tpu.dma_semaphore, #tpu.memory_space<semaphore_mem>>)
      tpu.wait_dma2 semaphore(%run_scoped3A : memref<!tpu.dma_semaphore, #tpu.memory_space<semaphore_mem>>) src(%arg4 : memref<80x64xbf16, #tpu.memory_space<hbm>>) dst(%arg8 : memref<80x64xbf16, #tpu.memory_space<vmem>>)
      tpu.yield
    }) : () -> ()
    %scan3A = arith.constant 0 : i32
    %scan3A_18 = arith.constant 0 : i32
    %scan3A_19 = arith.constant 8 : i32
    %scan3A_20 = arith.addi %scan3A_18, %scan3A_19 : i32
    %scan3A_21 = arith.constant 1 : i32
    scf.for %scan3A_203 = %scan3A_18 to %scan3A_20 step %scan3A_21  : i32 {
      %mul3A_204 = arith.constant 16 : i32
      %mul3A_205 = arith.muli %scan3A_203, %mul3A_204 : i32
      %add3A_206 = arith.addi %arg1, %mul3A_205 : i32
      %lt3A = arith.constant 125 : i32
      %lt3A_207 = arith.cmpi slt, %add3A_206, %lt3A : i32
      %convert_element_type3A = arith.extui %lt3A_207 : i1 to i32
      %cond3A = arith.constant 0 : i32
      %cond3A_208 = arith.cmpi ne, %convert_element_type3A, %cond3A : i32
      scf.if %cond3A_208 {
        %mul3A_209 = arith.constant 80 : i32
        %mul3A_210 = arith.muli %add3A_206, %mul3A_209 : i32
        "tpu.region"() ({
          %run_scoped3A = tpu.sem_alloc : memref<!tpu.dma_semaphore, #tpu.memory_space<semaphore_mem>>
          %dma_start3A_211 = arith.constant 0 : i32
          %dma_start3A_212 = tpu.memref_slice %arg14[%mul3A_210, %dma_start3A_211] : memref<10000x64xbf16, #tpu.memory_space<vmem_shared>> -> memref<80x64xbf16, #tpu.memory_space<vmem_shared>>
          %dma_start3A_213 = arith.constant 0 : i32
          %dma_start3A_214 = tpu.memref_slice %arg14[%mul3A_210, %dma_start3A_213] : memref<10000x64xbf16, #tpu.memory_space<vmem_shared>> -> memref<80x64xbf16, #tpu.memory_space<vmem_shared>>
          tpu.enqueue_dma source(%arg8 : memref<80x64xbf16, #tpu.memory_space<vmem>>) target(%dma_start3A_214 : memref<80x64xbf16, #tpu.memory_space<vmem_shared>>) target_semaphore(%run_scoped3A : memref<!tpu.dma_semaphore, #tpu.memory_space<semaphore_mem>>)
          %dma_wait3A_215 = arith.constant 0 : i32
          %dma_wait3A_216 = tpu.memref_slice %arg14[%mul3A_210, %dma_wait3A_215] : memref<10000x64xbf16, #tpu.memory_space<vmem_shared>> -> memref<80x64xbf16, #tpu.memory_space<vmem_shared>>
          %dma_wait3A_217 = arith.constant 0 : i32
          %dma_wait3A_218 = tpu.memref_slice %arg14[%mul3A_210, %dma_wait3A_217] : memref<10000x64xbf16, #tpu.memory_space<vmem_shared>> -> memref<80x64xbf16, #tpu.memory_space<vmem_shared>>
          tpu.wait_dma2 semaphore(%run_scoped3A : memref<!tpu.dma_semaphore, #tpu.memory_space<semaphore_mem>>) src(%arg8 : memref<80x64xbf16, #tpu.memory_space<vmem>>) dst(%dma_wait3A_218 : memref<80x64xbf16, #tpu.memory_space<vmem_shared>>)
          tpu.yield
        }) : () -> ()
      } else {
      }
    }
    %scan3A_22 = arith.constant 8 : i32
    %dma_wait3A = arith.constant 0 : i32
    %dma_wait3A_23 = arith.constant 0 : i32
    %dma_wait3A_24 = tpu.memref_slice %arg3[%dma_wait3A, %mul3A_2, %dma_wait3A_23] : memref<2x4000x80xi32, #tpu.memory_space<hbm>> -> memref<1x125x80xi32, #tpu.memory_space<hbm>>
    %dma_wait3A_25 = tpu.memref_squeeze %dma_wait3A_24 : memref<1x125x80xi32, #tpu.memory_space<hbm>> -> memref<125x80xi32, #tpu.memory_space<hbm>>
    %dma_wait3A_26 = arith.constant 0 : i32
    %dma_wait3A_27 = tpu.memref_slice %arg3[%dma_wait3A, %mul3A_2, %dma_wait3A_26] : memref<2x4000x80xi32, #tpu.memory_space<hbm>> -> memref<1x125x80xi32, #tpu.memory_space<hbm>>
    %dma_wait3A_28 = tpu.memref_squeeze %dma_wait3A_27 : memref<1x125x80xi32, #tpu.memory_space<hbm>> -> memref<125x80xi32, #tpu.memory_space<hbm>>
    tpu.wait_dma2 semaphore(%arg15 : memref<!tpu.dma_semaphore, #tpu.memory_space<semaphore_mem>>) src(%dma_wait3A_28 : memref<125x80xi32, #tpu.memory_space<hbm>>) dst(%arg6 : memref<125x80xi32, #tpu.memory_space<vmem>>)
    %dma_wait3A_29 = arith.constant 1 : i32
    %dma_wait3A_30 = arith.constant 0 : i32
    %dma_wait3A_31 = tpu.memref_slice %arg3[%dma_wait3A_29, %mul3A_10, %dma_wait3A_30] : memref<2x4000x80xi32, #tpu.memory_space<hbm>> -> memref<1x125x80xi32, #tpu.memory_space<hbm>>
    %dma_wait3A_32 = tpu.memref_squeeze %dma_wait3A_31 : memref<1x125x80xi32, #tpu.memory_space<hbm>> -> memref<125x80xi32, #tpu.memory_space<hbm>>
    %dma_wait3A_33 = arith.constant 0 : i32
    %dma_wait3A_34 = tpu.memref_slice %arg3[%dma_wait3A_29, %mul3A_10, %dma_wait3A_33] : memref<2x4000x80xi32, #tpu.memory_space<hbm>> -> memref<1x125x80xi32, #tpu.memory_space<hbm>>
    %dma_wait3A_35 = tpu.memref_squeeze %dma_wait3A_34 : memref<1x125x80xi32, #tpu.memory_space<hbm>> -> memref<125x80xi32, #tpu.memory_space<hbm>>
    tpu.wait_dma2 semaphore(%arg16 : memref<!tpu.dma_semaphore, #tpu.memory_space<semaphore_mem>>) src(%dma_wait3A_35 : memref<125x80xi32, #tpu.memory_space<hbm>>) dst(%arg7 : memref<125x80xi32, #tpu.memory_space<vmem>>)
    %barrier3A = arith.constant 0 : index
    tpu.barrier barrier_id(%barrier3A)
    %dma_start3A_36 = arith.constant 0 : i32
    %dma_start3A_37 = arith.constant 0 : i32
    %dma_start3A_38 = tpu.memref_slice %arg6[%dma_start3A_36, %dma_start3A_37] : memref<125x80xi32, #tpu.memory_space<vmem>> -> memref<1x80xi32, #tpu.memory_space<vmem>>
    %dma_start3A_39 = tpu.memref_squeeze %dma_start3A_38 : memref<1x80xi32, #tpu.memory_space<vmem>> -> memref<80xi32, #tpu.memory_space<vmem>>
    %dma_start3A_40 = arith.constant 0 : i32
    %dma_start3A_41 = arith.constant 0 : i32
    %dma_start3A_42 = tpu.memref_slice %arg2[%dma_start3A_40, %dma_start3A_41] : memref<10000x64xbf16, #tpu.memory_space<hbm>> -> memref<10000x64xbf16, #tpu.memory_space<hbm>>
    tpu.enqueue_indirect_dma source(%dma_start3A_42 : memref<10000x64xbf16, #tpu.memory_space<hbm>>) target(%arg8 : memref<80x64xbf16, #tpu.memory_space<vmem>>) offsets(%dma_start3A_39 : memref<80xi32, #tpu.memory_space<vmem>>) semaphore(%arg15 : memref<!tpu.dma_semaphore, #tpu.memory_space<semaphore_mem>>)
    %dma_start3A_43 = arith.constant 1 : i32
    %dma_start3A_44 = arith.constant 0 : i32
    %dma_start3A_45 = tpu.memref_slice %arg6[%dma_start3A_43, %dma_start3A_44] : memref<125x80xi32, #tpu.memory_space<vmem>> -> memref<1x80xi32, #tpu.memory_space<vmem>>
    %dma_start3A_46 = tpu.memref_squeeze %dma_start3A_45 : memref<1x80xi32, #tpu.memory_space<vmem>> -> memref<80xi32, #tpu.memory_space<vmem>>
    %dma_start3A_47 = arith.constant 0 : i32
    %dma_start3A_48 = arith.constant 0 : i32
    %dma_start3A_49 = tpu.memref_slice %arg2[%dma_start3A_47, %dma_start3A_48] : memref<10000x64xbf16, #tpu.memory_space<hbm>> -> memref<10000x64xbf16, #tpu.memory_space<hbm>>
    tpu.enqueue_indirect_dma source(%dma_start3A_49 : memref<10000x64xbf16, #tpu.memory_space<hbm>>) target(%arg9 : memref<80x64xbf16, #tpu.memory_space<vmem>>) offsets(%dma_start3A_46 : memref<80xi32, #tpu.memory_space<vmem>>) semaphore(%arg16 : memref<!tpu.dma_semaphore, #tpu.memory_space<semaphore_mem>>)
    %dma_start3A_50 = arith.constant 2 : i32
    %dma_start3A_51 = arith.constant 0 : i32
    %dma_start3A_52 = tpu.memref_slice %arg6[%dma_start3A_50, %dma_start3A_51] : memref<125x80xi32, #tpu.memory_space<vmem>> -> memref<1x80xi32, #tpu.memory_space<vmem>>
    %dma_start3A_53 = tpu.memref_squeeze %dma_start3A_52 : memref<1x80xi32, #tpu.memory_space<vmem>> -> memref<80xi32, #tpu.memory_space<vmem>>
    %dma_start3A_54 = arith.constant 0 : i32
    %dma_start3A_55 = arith.constant 0 : i32
    %dma_start3A_56 = tpu.memref_slice %arg2[%dma_start3A_54, %dma_start3A_55] : memref<10000x64xbf16, #tpu.memory_space<hbm>> -> memref<10000x64xbf16, #tpu.memory_space<hbm>>
    tpu.enqueue_indirect_dma source(%dma_start3A_56 : memref<10000x64xbf16, #tpu.memory_space<hbm>>) target(%arg10 : memref<80x64xbf16, #tpu.memory_space<vmem>>) offsets(%dma_start3A_53 : memref<80xi32, #tpu.memory_space<vmem>>) semaphore(%arg17 : memref<!tpu.dma_semaphore, #tpu.memory_space<semaphore_mem>>)
    %dma_start3A_57 = arith.constant 3 : i32
    %dma_start3A_58 = arith.constant 0 : i32
    %dma_start3A_59 = tpu.memref_slice %arg6[%dma_start3A_57, %dma_start3A_58] : memref<125x80xi32, #tpu.memory_space<vmem>> -> memref<1x80xi32, #tpu.memory_space<vmem>>
    %dma_start3A_60 = tpu.memref_squeeze %dma_start3A_59 : memref<1x80xi32, #tpu.memory_space<vmem>> -> memref<80xi32, #tpu.memory_space<vmem>>
    %dma_start3A_61 = arith.constant 0 : i32
    %dma_start3A_62 = arith.constant 0 : i32
    %dma_start3A_63 = tpu.memref_slice %arg2[%dma_start3A_61, %dma_start3A_62] : memref<10000x64xbf16, #tpu.memory_space<hbm>> -> memref<10000x64xbf16, #tpu.memory_space<hbm>>
    tpu.enqueue_indirect_dma source(%dma_start3A_63 : memref<10000x64xbf16, #tpu.memory_space<hbm>>) target(%arg11 : memref<80x64xbf16, #tpu.memory_space<vmem>>) offsets(%dma_start3A_60 : memref<80xi32, #tpu.memory_space<vmem>>) semaphore(%arg18 : memref<!tpu.dma_semaphore, #tpu.memory_space<semaphore_mem>>)
    %dma_start3A_64 = arith.constant 4 : i32
    %dma_start3A_65 = arith.constant 0 : i32
    %dma_start3A_66 = tpu.memref_slice %arg6[%dma_start3A_64, %dma_start3A_65] : memref<125x80xi32, #tpu.memory_space<vmem>> -> memref<1x80xi32, #tpu.memory_space<vmem>>
    %dma_start3A_67 = tpu.memref_squeeze %dma_start3A_66 : memref<1x80xi32, #tpu.memory_space<vmem>> -> memref<80xi32, #tpu.memory_space<vmem>>
    %dma_start3A_68 = arith.constant 0 : i32
    %dma_start3A_69 = arith.constant 0 : i32
    %dma_start3A_70 = tpu.memref_slice %arg2[%dma_start3A_68, %dma_start3A_69] : memref<10000x64xbf16, #tpu.memory_space<hbm>> -> memref<10000x64xbf16, #tpu.memory_space<hbm>>
    tpu.enqueue_indirect_dma source(%dma_start3A_70 : memref<10000x64xbf16, #tpu.memory_space<hbm>>) target(%arg12 : memref<80x64xbf16, #tpu.memory_space<vmem>>) offsets(%dma_start3A_67 : memref<80xi32, #tpu.memory_space<vmem>>) semaphore(%arg19 : memref<!tpu.dma_semaphore, #tpu.memory_space<semaphore_mem>>)
    %dma_start3A_71 = arith.constant 5 : i32
    %dma_start3A_72 = arith.constant 0 : i32
    %dma_start3A_73 = tpu.memref_slice %arg6[%dma_start3A_71, %dma_start3A_72] : memref<125x80xi32, #tpu.memory_space<vmem>> -> memref<1x80xi32, #tpu.memory_space<vmem>>
    %dma_start3A_74 = tpu.memref_squeeze %dma_start3A_73 : memref<1x80xi32, #tpu.memory_space<vmem>> -> memref<80xi32, #tpu.memory_space<vmem>>
    %dma_start3A_75 = arith.constant 0 : i32
    %dma_start3A_76 = arith.constant 0 : i32
    %dma_start3A_77 = tpu.memref_slice %arg2[%dma_start3A_75, %dma_start3A_76] : memref<10000x64xbf16, #tpu.memory_space<hbm>> -> memref<10000x64xbf16, #tpu.memory_space<hbm>>
    tpu.enqueue_indirect_dma source(%dma_start3A_77 : memref<10000x64xbf16, #tpu.memory_space<hbm>>) target(%arg13 : memref<80x64xbf16, #tpu.memory_space<vmem>>) offsets(%dma_start3A_74 : memref<80xi32, #tpu.memory_space<vmem>>) semaphore(%arg20 : memref<!tpu.dma_semaphore, #tpu.memory_space<semaphore_mem>>)
    %scan3A_78 = arith.constant 0 : i32
    %scan3A_79 = arith.constant 0 : i32
    %scan3A_80 = arith.constant 20 : i32
    %scan3A_81 = arith.addi %scan3A_79, %scan3A_80 : i32
    %scan3A_82 = arith.constant 1 : i32
    scf.for %scan3A_203 = %scan3A_79 to %scan3A_81 step %scan3A_82  : i32 {
      %mul3A_204 = arith.constant 6 : i32
      %mul3A_205 = arith.muli %mul3A_204, %scan3A_203 : i32
      %add3A_206 = arith.constant 0 : i32
      %add3A_207 = arith.addi %mul3A_205, %add3A_206 : i32
      %dma_wait3A_208 = arith.constant 0 : i32
      %dma_wait3A_209 = tpu.memref_slice %arg6[%add3A_207, %dma_wait3A_208] : memref<125x80xi32, #tpu.memory_space<vmem>> -> memref<1x80xi32, #tpu.memory_space<vmem>>
      %dma_wait3A_210 = tpu.memref_squeeze %dma_wait3A_209 : memref<1x80xi32, #tpu.memory_space<vmem>> -> memref<80xi32, #tpu.memory_space<vmem>>
      %dma_wait3A_211 = arith.constant 0 : i32
      %dma_wait3A_212 = arith.constant 0 : i32
      %dma_wait3A_213 = tpu.memref_slice %arg2[%dma_wait3A_211, %dma_wait3A_212] : memref<10000x64xbf16, #tpu.memory_space<hbm>> -> memref<10000x64xbf16, #tpu.memory_space<hbm>>
      tpu.wait_indirect_dma semaphore(%arg15 : memref<!tpu.dma_semaphore, #tpu.memory_space<semaphore_mem>>) src(%dma_wait3A_213 : memref<10000x64xbf16, #tpu.memory_space<hbm>>) dst(%arg8 : memref<80x64xbf16, #tpu.memory_space<vmem>>)
      %dma_start3A_214 = arith.constant 0 : i32
      %dma_start3A_215 = tpu.memref_slice %arg7[%add3A_207, %dma_start3A_214] : memref<125x80xi32, #tpu.memory_space<vmem>> -> memref<1x80xi32, #tpu.memory_space<vmem>>
      %dma_start3A_216 = tpu.memref_squeeze %dma_start3A_215 : memref<1x80xi32, #tpu.memory_space<vmem>> -> memref<80xi32, #tpu.memory_space<vmem>>
      %dma_start3A_217 = arith.constant 0 : i32
      %dma_start3A_218 = arith.constant 0 : i32
      %dma_start3A_219 = tpu.memref_slice %arg14[%dma_start3A_217, %dma_start3A_218] : memref<10000x64xbf16, #tpu.memory_space<vmem_shared>> -> memref<10000x64xbf16, #tpu.memory_space<vmem_shared>>
      tpu.enqueue_indirect_dma source(%arg8 : memref<80x64xbf16, #tpu.memory_space<vmem>>) target(%dma_start3A_219 : memref<10000x64xbf16, #tpu.memory_space<vmem_shared>>) offsets(%dma_start3A_216 : memref<80xi32, #tpu.memory_space<vmem>>) semaphore(%arg21 : memref<!tpu.dma_semaphore, #tpu.memory_space<semaphore_mem>>) {add = true}
      %add3A_220 = arith.constant 1 : i32
      %add3A_221 = arith.addi %mul3A_205, %add3A_220 : i32
      %dma_wait3A_222 = arith.constant 0 : i32
      %dma_wait3A_223 = tpu.memref_slice %arg6[%add3A_221, %dma_wait3A_222] : memref<125x80xi32, #tpu.memory_space<vmem>> -> memref<1x80xi32, #tpu.memory_space<vmem>>
      %dma_wait3A_224 = tpu.memref_squeeze %dma_wait3A_223 : memref<1x80xi32, #tpu.memory_space<vmem>> -> memref<80xi32, #tpu.memory_space<vmem>>
      %dma_wait3A_225 = arith.constant 0 : i32
      %dma_wait3A_226 = arith.constant 0 : i32
      %dma_wait3A_227 = tpu.memref_slice %arg2[%dma_wait3A_225, %dma_wait3A_226] : memref<10000x64xbf16, #tpu.memory_space<hbm>> -> memref<10000x64xbf16, #tpu.memory_space<hbm>>
      tpu.wait_indirect_dma semaphore(%arg16 : memref<!tpu.dma_semaphore, #tpu.memory_space<semaphore_mem>>) src(%dma_wait3A_227 : memref<10000x64xbf16, #tpu.memory_space<hbm>>) dst(%arg9 : memref<80x64xbf16, #tpu.memory_space<vmem>>)
      %dma_start3A_228 = arith.constant 0 : i32
      %dma_start3A_229 = tpu.memref_slice %arg7[%add3A_221, %dma_start3A_228] : memref<125x80xi32, #tpu.memory_space<vmem>> -> memref<1x80xi32, #tpu.memory_space<vmem>>
      %dma_start3A_230 = tpu.memref_squeeze %dma_start3A_229 : memref<1x80xi32, #tpu.memory_space<vmem>> -> memref<80xi32, #tpu.memory_space<vmem>>
      %dma_start3A_231 = arith.constant 0 : i32
      %dma_start3A_232 = arith.constant 0 : i32
      %dma_start3A_233 = tpu.memref_slice %arg14[%dma_start3A_231, %dma_start3A_232] : memref<10000x64xbf16, #tpu.memory_space<vmem_shared>> -> memref<10000x64xbf16, #tpu.memory_space<vmem_shared>>
      tpu.enqueue_indirect_dma source(%arg9 : memref<80x64xbf16, #tpu.memory_space<vmem>>) target(%dma_start3A_233 : memref<10000x64xbf16, #tpu.memory_space<vmem_shared>>) offsets(%dma_start3A_230 : memref<80xi32, #tpu.memory_space<vmem>>) semaphore(%arg22 : memref<!tpu.dma_semaphore, #tpu.memory_space<semaphore_mem>>) {add = true}
      %add3A_234 = arith.constant 2 : i32
      %add3A_235 = arith.addi %mul3A_205, %add3A_234 : i32
      %dma_wait3A_236 = arith.constant 0 : i32
      %dma_wait3A_237 = tpu.memref_slice %arg6[%add3A_235, %dma_wait3A_236] : memref<125x80xi32, #tpu.memory_space<vmem>> -> memref<1x80xi32, #tpu.memory_space<vmem>>
      %dma_wait3A_238 = tpu.memref_squeeze %dma_wait3A_237 : memref<1x80xi32, #tpu.memory_space<vmem>> -> memref<80xi32, #tpu.memory_space<vmem>>
      %dma_wait3A_239 = arith.constant 0 : i32
      %dma_wait3A_240 = arith.constant 0 : i32
      %dma_wait3A_241 = tpu.memref_slice %arg2[%dma_wait3A_239, %dma_wait3A_240] : memref<10000x64xbf16, #tpu.memory_space<hbm>> -> memref<10000x64xbf16, #tpu.memory_space<hbm>>
      tpu.wait_indirect_dma semaphore(%arg17 : memref<!tpu.dma_semaphore, #tpu.memory_space<semaphore_mem>>) src(%dma_wait3A_241 : memref<10000x64xbf16, #tpu.memory_space<hbm>>) dst(%arg10 : memref<80x64xbf16, #tpu.memory_space<vmem>>)
      %dma_start3A_242 = arith.constant 0 : i32
      %dma_start3A_243 = tpu.memref_slice %arg7[%add3A_235, %dma_start3A_242] : memref<125x80xi32, #tpu.memory_space<vmem>> -> memref<1x80xi32, #tpu.memory_space<vmem>>
      %dma_start3A_244 = tpu.memref_squeeze %dma_start3A_243 : memref<1x80xi32, #tpu.memory_space<vmem>> -> memref<80xi32, #tpu.memory_space<vmem>>
      %dma_start3A_245 = arith.constant 0 : i32
      %dma_start3A_246 = arith.constant 0 : i32
      %dma_start3A_247 = tpu.memref_slice %arg14[%dma_start3A_245, %dma_start3A_246] : memref<10000x64xbf16, #tpu.memory_space<vmem_shared>> -> memref<10000x64xbf16, #tpu.memory_space<vmem_shared>>
      tpu.enqueue_indirect_dma source(%arg10 : memref<80x64xbf16, #tpu.memory_space<vmem>>) target(%dma_start3A_247 : memref<10000x64xbf16, #tpu.memory_space<vmem_shared>>) offsets(%dma_start3A_244 : memref<80xi32, #tpu.memory_space<vmem>>) semaphore(%arg23 : memref<!tpu.dma_semaphore, #tpu.memory_space<semaphore_mem>>) {add = true}
      %add3A_248 = arith.constant 3 : i32
      %add3A_249 = arith.addi %mul3A_205, %add3A_248 : i32
      %dma_wait3A_250 = arith.constant 0 : i32
      %dma_wait3A_251 = tpu.memref_slice %arg6[%add3A_249, %dma_wait3A_250] : memref<125x80xi32, #tpu.memory_space<vmem>> -> memref<1x80xi32, #tpu.memory_space<vmem>>
      %dma_wait3A_252 = tpu.memref_squeeze %dma_wait3A_251 : memref<1x80xi32, #tpu.memory_space<vmem>> -> memref<80xi32, #tpu.memory_space<vmem>>
      %dma_wait3A_253 = arith.constant 0 : i32
      %dma_wait3A_254 = arith.constant 0 : i32
      %dma_wait3A_255 = tpu.memref_slice %arg2[%dma_wait3A_253, %dma_wait3A_254] : memref<10000x64xbf16, #tpu.memory_space<hbm>> -> memref<10000x64xbf16, #tpu.memory_space<hbm>>
      tpu.wait_indirect_dma semaphore(%arg18 : memref<!tpu.dma_semaphore, #tpu.memory_space<semaphore_mem>>) src(%dma_wait3A_255 : memref<10000x64xbf16, #tpu.memory_space<hbm>>) dst(%arg11 : memref<80x64xbf16, #tpu.memory_space<vmem>>)
      %dma_start3A_256 = arith.constant 0 : i32
      %dma_start3A_257 = tpu.memref_slice %arg7[%add3A_249, %dma_start3A_256] : memref<125x80xi32, #tpu.memory_space<vmem>> -> memref<1x80xi32, #tpu.memory_space<vmem>>
      %dma_start3A_258 = tpu.memref_squeeze %dma_start3A_257 : memref<1x80xi32, #tpu.memory_space<vmem>> -> memref<80xi32, #tpu.memory_space<vmem>>
      %dma_start3A_259 = arith.constant 0 : i32
      %dma_start3A_260 = arith.constant 0 : i32
      %dma_start3A_261 = tpu.memref_slice %arg14[%dma_start3A_259, %dma_start3A_260] : memref<10000x64xbf16, #tpu.memory_space<vmem_shared>> -> memref<10000x64xbf16, #tpu.memory_space<vmem_shared>>
      tpu.enqueue_indirect_dma source(%arg11 : memref<80x64xbf16, #tpu.memory_space<vmem>>) target(%dma_start3A_261 : memref<10000x64xbf16, #tpu.memory_space<vmem_shared>>) offsets(%dma_start3A_258 : memref<80xi32, #tpu.memory_space<vmem>>) semaphore(%arg24 : memref<!tpu.dma_semaphore, #tpu.memory_space<semaphore_mem>>) {add = true}
      %add3A_262 = arith.constant 4 : i32
      %add3A_263 = arith.addi %mul3A_205, %add3A_262 : i32
      %dma_wait3A_264 = arith.constant 0 : i32
      %dma_wait3A_265 = tpu.memref_slice %arg6[%add3A_263, %dma_wait3A_264] : memref<125x80xi32, #tpu.memory_space<vmem>> -> memref<1x80xi32, #tpu.memory_space<vmem>>
      %dma_wait3A_266 = tpu.memref_squeeze %dma_wait3A_265 : memref<1x80xi32, #tpu.memory_space<vmem>> -> memref<80xi32, #tpu.memory_space<vmem>>
      %dma_wait3A_267 = arith.constant 0 : i32
      %dma_wait3A_268 = arith.constant 0 : i32
      %dma_wait3A_269 = tpu.memref_slice %arg2[%dma_wait3A_267, %dma_wait3A_268] : memref<10000x64xbf16, #tpu.memory_space<hbm>> -> memref<10000x64xbf16, #tpu.memory_space<hbm>>
      tpu.wait_indirect_dma semaphore(%arg19 : memref<!tpu.dma_semaphore, #tpu.memory_space<semaphore_mem>>) src(%dma_wait3A_269 : memref<10000x64xbf16, #tpu.memory_space<hbm>>) dst(%arg12 : memref<80x64xbf16, #tpu.memory_space<vmem>>)
      %dma_start3A_270 = arith.constant 0 : i32
      %dma_start3A_271 = tpu.memref_slice %arg7[%add3A_263, %dma_start3A_270] : memref<125x80xi32, #tpu.memory_space<vmem>> -> memref<1x80xi32, #tpu.memory_space<vmem>>
      %dma_start3A_272 = tpu.memref_squeeze %dma_start3A_271 : memref<1x80xi32, #tpu.memory_space<vmem>> -> memref<80xi32, #tpu.memory_space<vmem>>
      %dma_start3A_273 = arith.constant 0 : i32
      %dma_start3A_274 = arith.constant 0 : i32
      %dma_start3A_275 = tpu.memref_slice %arg14[%dma_start3A_273, %dma_start3A_274] : memref<10000x64xbf16, #tpu.memory_space<vmem_shared>> -> memref<10000x64xbf16, #tpu.memory_space<vmem_shared>>
      tpu.enqueue_indirect_dma source(%arg12 : memref<80x64xbf16, #tpu.memory_space<vmem>>) target(%dma_start3A_275 : memref<10000x64xbf16, #tpu.memory_space<vmem_shared>>) offsets(%dma_start3A_272 : memref<80xi32, #tpu.memory_space<vmem>>) semaphore(%arg25 : memref<!tpu.dma_semaphore, #tpu.memory_space<semaphore_mem>>) {add = true}
      %add3A_276 = arith.constant 5 : i32
      %add3A_277 = arith.addi %mul3A_205, %add3A_276 : i32
      %dma_wait3A_278 = arith.constant 0 : i32
      %dma_wait3A_279 = tpu.memref_slice %arg6[%add3A_277, %dma_wait3A_278] : memref<125x80xi32, #tpu.memory_space<vmem>> -> memref<1x80xi32, #tpu.memory_space<vmem>>
      %dma_wait3A_280 = tpu.memref_squeeze %dma_wait3A_279 : memref<1x80xi32, #tpu.memory_space<vmem>> -> memref<80xi32, #tpu.memory_space<vmem>>
      %dma_wait3A_281 = arith.constant 0 : i32
      %dma_wait3A_282 = arith.constant 0 : i32
      %dma_wait3A_283 = tpu.memref_slice %arg2[%dma_wait3A_281, %dma_wait3A_282] : memref<10000x64xbf16, #tpu.memory_space<hbm>> -> memref<10000x64xbf16, #tpu.memory_space<hbm>>
      tpu.wait_indirect_dma semaphore(%arg20 : memref<!tpu.dma_semaphore, #tpu.memory_space<semaphore_mem>>) src(%dma_wait3A_283 : memref<10000x64xbf16, #tpu.memory_space<hbm>>) dst(%arg13 : memref<80x64xbf16, #tpu.memory_space<vmem>>)
      %dma_start3A_284 = arith.constant 0 : i32
      %dma_start3A_285 = tpu.memref_slice %arg7[%add3A_277, %dma_start3A_284] : memref<125x80xi32, #tpu.memory_space<vmem>> -> memref<1x80xi32, #tpu.memory_space<vmem>>
      %dma_start3A_286 = tpu.memref_squeeze %dma_start3A_285 : memref<1x80xi32, #tpu.memory_space<vmem>> -> memref<80xi32, #tpu.memory_space<vmem>>
      %dma_start3A_287 = arith.constant 0 : i32
      %dma_start3A_288 = arith.constant 0 : i32
      %dma_start3A_289 = tpu.memref_slice %arg14[%dma_start3A_287, %dma_start3A_288] : memref<10000x64xbf16, #tpu.memory_space<vmem_shared>> -> memref<10000x64xbf16, #tpu.memory_space<vmem_shared>>
      tpu.enqueue_indirect_dma source(%arg13 : memref<80x64xbf16, #tpu.memory_space<vmem>>) target(%dma_start3A_289 : memref<10000x64xbf16, #tpu.memory_space<vmem_shared>>) offsets(%dma_start3A_286 : memref<80xi32, #tpu.memory_space<vmem>>) semaphore(%arg26 : memref<!tpu.dma_semaphore, #tpu.memory_space<semaphore_mem>>) {add = true}
      %add3A_290 = arith.constant 0 : i32
      %add3A_291 = arith.addi %mul3A_205, %add3A_290 : i32
      %add3A_292 = arith.constant 6 : i32
      %add3A_293 = arith.addi %add3A_291, %add3A_292 : i32
      %lt3A = arith.constant 125 : i32
      %lt3A_294 = arith.cmpi slt, %add3A_293, %lt3A : i32
      %convert_element_type3A = arith.extui %lt3A_294 : i1 to i32
      %cond3A = arith.constant 0 : i32
      %cond3A_295 = arith.cmpi ne, %convert_element_type3A, %cond3A : i32
      scf.if %cond3A_295 {
        %dma_wait3A_341 = arith.constant 0 : i32
        %dma_wait3A_342 = tpu.memref_slice %arg7[%add3A_291, %dma_wait3A_341] : memref<125x80xi32, #tpu.memory_space<vmem>> -> memref<1x80xi32, #tpu.memory_space<vmem>>
        %dma_wait3A_343 = tpu.memref_squeeze %dma_wait3A_342 : memref<1x80xi32, #tpu.memory_space<vmem>> -> memref<80xi32, #tpu.memory_space<vmem>>
        %dma_wait3A_344 = arith.constant 0 : i32
        %dma_wait3A_345 = arith.constant 0 : i32
        %dma_wait3A_346 = tpu.memref_slice %arg14[%dma_wait3A_344, %dma_wait3A_345] : memref<10000x64xbf16, #tpu.memory_space<vmem_shared>> -> memref<10000x64xbf16, #tpu.memory_space<vmem_shared>>
        tpu.wait_indirect_dma semaphore(%arg21 : memref<!tpu.dma_semaphore, #tpu.memory_space<semaphore_mem>>) src(%arg8 : memref<80x64xbf16, #tpu.memory_space<vmem>>) dst(%dma_wait3A_346 : memref<10000x64xbf16, #tpu.memory_space<vmem_shared>>)
        %add3A_347 = arith.constant 6 : i32
        %add3A_348 = arith.addi %add3A_291, %add3A_347 : i32
        %dma_start3A_349 = arith.constant 0 : i32
        %dma_start3A_350 = tpu.memref_slice %arg6[%add3A_348, %dma_start3A_349] : memref<125x80xi32, #tpu.memory_space<vmem>> -> memref<1x80xi32, #tpu.memory_space<vmem>>
        %dma_start3A_351 = tpu.memref_squeeze %dma_start3A_350 : memref<1x80xi32, #tpu.memory_space<vmem>> -> memref<80xi32, #tpu.memory_space<vmem>>
        %dma_start3A_352 = arith.constant 0 : i32
        %dma_start3A_353 = arith.constant 0 : i32
        %dma_start3A_354 = tpu.memref_slice %arg2[%dma_start3A_352, %dma_start3A_353] : memref<10000x64xbf16, #tpu.memory_space<hbm>> -> memref<10000x64xbf16, #tpu.memory_space<hbm>>
        tpu.enqueue_indirect_dma source(%dma_start3A_354 : memref<10000x64xbf16, #tpu.memory_space<hbm>>) target(%arg8 : memref<80x64xbf16, #tpu.memory_space<vmem>>) offsets(%dma_start3A_351 : memref<80xi32, #tpu.memory_space<vmem>>) semaphore(%arg15 : memref<!tpu.dma_semaphore, #tpu.memory_space<semaphore_mem>>)
      } else {
      }
      %add3A_296 = arith.constant 1 : i32
      %add3A_297 = arith.addi %mul3A_205, %add3A_296 : i32
      %add3A_298 = arith.constant 6 : i32
      %add3A_299 = arith.addi %add3A_297, %add3A_298 : i32
      %lt3A_300 = arith.constant 125 : i32
      %lt3A_301 = arith.cmpi slt, %add3A_299, %lt3A_300 : i32
      %convert_element_type3A_302 = arith.extui %lt3A_301 : i1 to i32
      %cond3A_303 = arith.constant 0 : i32
      %cond3A_304 = arith.cmpi ne, %convert_element_type3A_302, %cond3A_303 : i32
      scf.if %cond3A_304 {
        %dma_wait3A_341 = arith.constant 0 : i32
        %dma_wait3A_342 = tpu.memref_slice %arg7[%add3A_297, %dma_wait3A_341] : memref<125x80xi32, #tpu.memory_space<vmem>> -> memref<1x80xi32, #tpu.memory_space<vmem>>
        %dma_wait3A_343 = tpu.memref_squeeze %dma_wait3A_342 : memref<1x80xi32, #tpu.memory_space<vmem>> -> memref<80xi32, #tpu.memory_space<vmem>>
        %dma_wait3A_344 = arith.constant 0 : i32
        %dma_wait3A_345 = arith.constant 0 : i32
        %dma_wait3A_346 = tpu.memref_slice %arg14[%dma_wait3A_344, %dma_wait3A_345] : memref<10000x64xbf16, #tpu.memory_space<vmem_shared>> -> memref<10000x64xbf16, #tpu.memory_space<vmem_shared>>
        tpu.wait_indirect_dma semaphore(%arg22 : memref<!tpu.dma_semaphore, #tpu.memory_space<semaphore_mem>>) src(%arg9 : memref<80x64xbf16, #tpu.memory_space<vmem>>) dst(%dma_wait3A_346 : memref<10000x64xbf16, #tpu.memory_space<vmem_shared>>)
        %add3A_347 = arith.constant 6 : i32
        %add3A_348 = arith.addi %add3A_297, %add3A_347 : i32
        %dma_start3A_349 = arith.constant 0 : i32
        %dma_start3A_350 = tpu.memref_slice %arg6[%add3A_348, %dma_start3A_349] : memref<125x80xi32, #tpu.memory_space<vmem>> -> memref<1x80xi32, #tpu.memory_space<vmem>>
        %dma_start3A_351 = tpu.memref_squeeze %dma_start3A_350 : memref<1x80xi32, #tpu.memory_space<vmem>> -> memref<80xi32, #tpu.memory_space<vmem>>
        %dma_start3A_352 = arith.constant 0 : i32
        %dma_start3A_353 = arith.constant 0 : i32
        %dma_start3A_354 = tpu.memref_slice %arg2[%dma_start3A_352, %dma_start3A_353] : memref<10000x64xbf16, #tpu.memory_space<hbm>> -> memref<10000x64xbf16, #tpu.memory_space<hbm>>
        tpu.enqueue_indirect_dma source(%dma_start3A_354 : memref<10000x64xbf16, #tpu.memory_space<hbm>>) target(%arg9 : memref<80x64xbf16, #tpu.memory_space<vmem>>) offsets(%dma_start3A_351 : memref<80xi32, #tpu.memory_space<vmem>>) semaphore(%arg16 : memref<!tpu.dma_semaphore, #tpu.memory_space<semaphore_mem>>)
      } else {
      }
      %add3A_305 = arith.constant 2 : i32
      %add3A_306 = arith.addi %mul3A_205, %add3A_305 : i32
      %add3A_307 = arith.constant 6 : i32
      %add3A_308 = arith.addi %add3A_306, %add3A_307 : i32
      %lt3A_309 = arith.constant 125 : i32
      %lt3A_310 = arith.cmpi slt, %add3A_308, %lt3A_309 : i32
      %convert_element_type3A_311 = arith.extui %lt3A_310 : i1 to i32
      %cond3A_312 = arith.constant 0 : i32
      %cond3A_313 = arith.cmpi ne, %convert_element_type3A_311, %cond3A_312 : i32
      scf.if %cond3A_313 {
        %dma_wait3A_341 = arith.constant 0 : i32
        %dma_wait3A_342 = tpu.memref_slice %arg7[%add3A_306, %dma_wait3A_341] : memref<125x80xi32, #tpu.memory_space<vmem>> -> memref<1x80xi32, #tpu.memory_space<vmem>>
        %dma_wait3A_343 = tpu.memref_squeeze %dma_wait3A_342 : memref<1x80xi32, #tpu.memory_space<vmem>> -> memref<80xi32, #tpu.memory_space<vmem>>
        %dma_wait3A_344 = arith.constant 0 : i32
        %dma_wait3A_345 = arith.constant 0 : i32
        %dma_wait3A_346 = tpu.memref_slice %arg14[%dma_wait3A_344, %dma_wait3A_345] : memref<10000x64xbf16, #tpu.memory_space<vmem_shared>> -> memref<10000x64xbf16, #tpu.memory_space<vmem_shared>>
        tpu.wait_indirect_dma semaphore(%arg23 : memref<!tpu.dma_semaphore, #tpu.memory_space<semaphore_mem>>) src(%arg10 : memref<80x64xbf16, #tpu.memory_space<vmem>>) dst(%dma_wait3A_346 : memref<10000x64xbf16, #tpu.memory_space<vmem_shared>>)
        %add3A_347 = arith.constant 6 : i32
        %add3A_348 = arith.addi %add3A_306, %add3A_347 : i32
        %dma_start3A_349 = arith.constant 0 : i32
        %dma_start3A_350 = tpu.memref_slice %arg6[%add3A_348, %dma_start3A_349] : memref<125x80xi32, #tpu.memory_space<vmem>> -> memref<1x80xi32, #tpu.memory_space<vmem>>
        %dma_start3A_351 = tpu.memref_squeeze %dma_start3A_350 : memref<1x80xi32, #tpu.memory_space<vmem>> -> memref<80xi32, #tpu.memory_space<vmem>>
        %dma_start3A_352 = arith.constant 0 : i32
        %dma_start3A_353 = arith.constant 0 : i32
        %dma_start3A_354 = tpu.memref_slice %arg2[%dma_start3A_352, %dma_start3A_353] : memref<10000x64xbf16, #tpu.memory_space<hbm>> -> memref<10000x64xbf16, #tpu.memory_space<hbm>>
        tpu.enqueue_indirect_dma source(%dma_start3A_354 : memref<10000x64xbf16, #tpu.memory_space<hbm>>) target(%arg10 : memref<80x64xbf16, #tpu.memory_space<vmem>>) offsets(%dma_start3A_351 : memref<80xi32, #tpu.memory_space<vmem>>) semaphore(%arg17 : memref<!tpu.dma_semaphore, #tpu.memory_space<semaphore_mem>>)
      } else {
      }
      %add3A_314 = arith.constant 3 : i32
      %add3A_315 = arith.addi %mul3A_205, %add3A_314 : i32
      %add3A_316 = arith.constant 6 : i32
      %add3A_317 = arith.addi %add3A_315, %add3A_316 : i32
      %lt3A_318 = arith.constant 125 : i32
      %lt3A_319 = arith.cmpi slt, %add3A_317, %lt3A_318 : i32
      %convert_element_type3A_320 = arith.extui %lt3A_319 : i1 to i32
      %cond3A_321 = arith.constant 0 : i32
      %cond3A_322 = arith.cmpi ne, %convert_element_type3A_320, %cond3A_321 : i32
      scf.if %cond3A_322 {
        %dma_wait3A_341 = arith.constant 0 : i32
        %dma_wait3A_342 = tpu.memref_slice %arg7[%add3A_315, %dma_wait3A_341] : memref<125x80xi32, #tpu.memory_space<vmem>> -> memref<1x80xi32, #tpu.memory_space<vmem>>
        %dma_wait3A_343 = tpu.memref_squeeze %dma_wait3A_342 : memref<1x80xi32, #tpu.memory_space<vmem>> -> memref<80xi32, #tpu.memory_space<vmem>>
        %dma_wait3A_344 = arith.constant 0 : i32
        %dma_wait3A_345 = arith.constant 0 : i32
        %dma_wait3A_346 = tpu.memref_slice %arg14[%dma_wait3A_344, %dma_wait3A_345] : memref<10000x64xbf16, #tpu.memory_space<vmem_shared>> -> memref<10000x64xbf16, #tpu.memory_space<vmem_shared>>
        tpu.wait_indirect_dma semaphore(%arg24 : memref<!tpu.dma_semaphore, #tpu.memory_space<semaphore_mem>>) src(%arg11 : memref<80x64xbf16, #tpu.memory_space<vmem>>) dst(%dma_wait3A_346 : memref<10000x64xbf16, #tpu.memory_space<vmem_shared>>)
        %add3A_347 = arith.constant 6 : i32
        %add3A_348 = arith.addi %add3A_315, %add3A_347 : i32
        %dma_start3A_349 = arith.constant 0 : i32
        %dma_start3A_350 = tpu.memref_slice %arg6[%add3A_348, %dma_start3A_349] : memref<125x80xi32, #tpu.memory_space<vmem>> -> memref<1x80xi32, #tpu.memory_space<vmem>>
        %dma_start3A_351 = tpu.memref_squeeze %dma_start3A_350 : memref<1x80xi32, #tpu.memory_space<vmem>> -> memref<80xi32, #tpu.memory_space<vmem>>
        %dma_start3A_352 = arith.constant 0 : i32
        %dma_start3A_353 = arith.constant 0 : i32
        %dma_start3A_354 = tpu.memref_slice %arg2[%dma_start3A_352, %dma_start3A_353] : memref<10000x64xbf16, #tpu.memory_space<hbm>> -> memref<10000x64xbf16, #tpu.memory_space<hbm>>
        tpu.enqueue_indirect_dma source(%dma_start3A_354 : memref<10000x64xbf16, #tpu.memory_space<hbm>>) target(%arg11 : memref<80x64xbf16, #tpu.memory_space<vmem>>) offsets(%dma_start3A_351 : memref<80xi32, #tpu.memory_space<vmem>>) semaphore(%arg18 : memref<!tpu.dma_semaphore, #tpu.memory_space<semaphore_mem>>)
      } else {
      }
      %add3A_323 = arith.constant 4 : i32
      %add3A_324 = arith.addi %mul3A_205, %add3A_323 : i32
      %add3A_325 = arith.constant 6 : i32
      %add3A_326 = arith.addi %add3A_324, %add3A_325 : i32
      %lt3A_327 = arith.constant 125 : i32
      %lt3A_328 = arith.cmpi slt, %add3A_326, %lt3A_327 : i32
      %convert_element_type3A_329 = arith.extui %lt3A_328 : i1 to i32
      %cond3A_330 = arith.constant 0 : i32
      %cond3A_331 = arith.cmpi ne, %convert_element_type3A_329, %cond3A_330 : i32
      scf.if %cond3A_331 {
        %dma_wait3A_341 = arith.constant 0 : i32
        %dma_wait3A_342 = tpu.memref_slice %arg7[%add3A_324, %dma_wait3A_341] : memref<125x80xi32, #tpu.memory_space<vmem>> -> memref<1x80xi32, #tpu.memory_space<vmem>>
        %dma_wait3A_343 = tpu.memref_squeeze %dma_wait3A_342 : memref<1x80xi32, #tpu.memory_space<vmem>> -> memref<80xi32, #tpu.memory_space<vmem>>
        %dma_wait3A_344 = arith.constant 0 : i32
        %dma_wait3A_345 = arith.constant 0 : i32
        %dma_wait3A_346 = tpu.memref_slice %arg14[%dma_wait3A_344, %dma_wait3A_345] : memref<10000x64xbf16, #tpu.memory_space<vmem_shared>> -> memref<10000x64xbf16, #tpu.memory_space<vmem_shared>>
        tpu.wait_indirect_dma semaphore(%arg25 : memref<!tpu.dma_semaphore, #tpu.memory_space<semaphore_mem>>) src(%arg12 : memref<80x64xbf16, #tpu.memory_space<vmem>>) dst(%dma_wait3A_346 : memref<10000x64xbf16, #tpu.memory_space<vmem_shared>>)
        %add3A_347 = arith.constant 6 : i32
        %add3A_348 = arith.addi %add3A_324, %add3A_347 : i32
        %dma_start3A_349 = arith.constant 0 : i32
        %dma_start3A_350 = tpu.memref_slice %arg6[%add3A_348, %dma_start3A_349] : memref<125x80xi32, #tpu.memory_space<vmem>> -> memref<1x80xi32, #tpu.memory_space<vmem>>
        %dma_start3A_351 = tpu.memref_squeeze %dma_start3A_350 : memref<1x80xi32, #tpu.memory_space<vmem>> -> memref<80xi32, #tpu.memory_space<vmem>>
        %dma_start3A_352 = arith.constant 0 : i32
        %dma_start3A_353 = arith.constant 0 : i32
        %dma_start3A_354 = tpu.memref_slice %arg2[%dma_start3A_352, %dma_start3A_353] : memref<10000x64xbf16, #tpu.memory_space<hbm>> -> memref<10000x64xbf16, #tpu.memory_space<hbm>>
        tpu.enqueue_indirect_dma source(%dma_start3A_354 : memref<10000x64xbf16, #tpu.memory_space<hbm>>) target(%arg12 : memref<80x64xbf16, #tpu.memory_space<vmem>>) offsets(%dma_start3A_351 : memref<80xi32, #tpu.memory_space<vmem>>) semaphore(%arg19 : memref<!tpu.dma_semaphore, #tpu.memory_space<semaphore_mem>>)
      } else {
      }
      %add3A_332 = arith.constant 5 : i32
      %add3A_333 = arith.addi %mul3A_205, %add3A_332 : i32
      %add3A_334 = arith.constant 6 : i32
      %add3A_335 = arith.addi %add3A_333, %add3A_334 : i32
      %lt3A_336 = arith.constant 125 : i32
      %lt3A_337 = arith.cmpi slt, %add3A_335, %lt3A_336 : i32
      %convert_element_type3A_338 = arith.extui %lt3A_337 : i1 to i32
      %cond3A_339 = arith.constant 0 : i32
      %cond3A_340 = arith.cmpi ne, %convert_element_type3A_338, %cond3A_339 : i32
      scf.if %cond3A_340 {
        %dma_wait3A_341 = arith.constant 0 : i32
        %dma_wait3A_342 = tpu.memref_slice %arg7[%add3A_333, %dma_wait3A_341] : memref<125x80xi32, #tpu.memory_space<vmem>> -> memref<1x80xi32, #tpu.memory_space<vmem>>
        %dma_wait3A_343 = tpu.memref_squeeze %dma_wait3A_342 : memref<1x80xi32, #tpu.memory_space<vmem>> -> memref<80xi32, #tpu.memory_space<vmem>>
        %dma_wait3A_344 = arith.constant 0 : i32
        %dma_wait3A_345 = arith.constant 0 : i32
        %dma_wait3A_346 = tpu.memref_slice %arg14[%dma_wait3A_344, %dma_wait3A_345] : memref<10000x64xbf16, #tpu.memory_space<vmem_shared>> -> memref<10000x64xbf16, #tpu.memory_space<vmem_shared>>
        tpu.wait_indirect_dma semaphore(%arg26 : memref<!tpu.dma_semaphore, #tpu.memory_space<semaphore_mem>>) src(%arg13 : memref<80x64xbf16, #tpu.memory_space<vmem>>) dst(%dma_wait3A_346 : memref<10000x64xbf16, #tpu.memory_space<vmem_shared>>)
        %add3A_347 = arith.constant 6 : i32
        %add3A_348 = arith.addi %add3A_333, %add3A_347 : i32
        %dma_start3A_349 = arith.constant 0 : i32
        %dma_start3A_350 = tpu.memref_slice %arg6[%add3A_348, %dma_start3A_349] : memref<125x80xi32, #tpu.memory_space<vmem>> -> memref<1x80xi32, #tpu.memory_space<vmem>>
        %dma_start3A_351 = tpu.memref_squeeze %dma_start3A_350 : memref<1x80xi32, #tpu.memory_space<vmem>> -> memref<80xi32, #tpu.memory_space<vmem>>
        %dma_start3A_352 = arith.constant 0 : i32
        %dma_start3A_353 = arith.constant 0 : i32
        %dma_start3A_354 = tpu.memref_slice %arg2[%dma_start3A_352, %dma_start3A_353] : memref<10000x64xbf16, #tpu.memory_space<hbm>> -> memref<10000x64xbf16, #tpu.memory_space<hbm>>
        tpu.enqueue_indirect_dma source(%dma_start3A_354 : memref<10000x64xbf16, #tpu.memory_space<hbm>>) target(%arg13 : memref<80x64xbf16, #tpu.memory_space<vmem>>) offsets(%dma_start3A_351 : memref<80xi32, #tpu.memory_space<vmem>>) semaphore(%arg20 : memref<!tpu.dma_semaphore, #tpu.memory_space<semaphore_mem>>)
      } else {
      }
    }
    %scan3A_83 = arith.constant 20 : i32
    %dma_wait3A_84 = arith.constant 120 : i32
    %dma_wait3A_85 = arith.constant 0 : i32
    %dma_wait3A_86 = tpu.memref_slice %arg6[%dma_wait3A_84, %dma_wait3A_85] : memref<125x80xi32, #tpu.memory_space<vmem>> -> memref<1x80xi32, #tpu.memory_space<vmem>>
    %dma_wait3A_87 = tpu.memref_squeeze %dma_wait3A_86 : memref<1x80xi32, #tpu.memory_space<vmem>> -> memref<80xi32, #tpu.memory_space<vmem>>
    %dma_wait3A_88 = arith.constant 0 : i32
    %dma_wait3A_89 = arith.constant 0 : i32
    %dma_wait3A_90 = tpu.memref_slice %arg2[%dma_wait3A_88, %dma_wait3A_89] : memref<10000x64xbf16, #tpu.memory_space<hbm>> -> memref<10000x64xbf16, #tpu.memory_space<hbm>>
    tpu.wait_indirect_dma semaphore(%arg15 : memref<!tpu.dma_semaphore, #tpu.memory_space<semaphore_mem>>) src(%dma_wait3A_90 : memref<10000x64xbf16, #tpu.memory_space<hbm>>) dst(%arg8 : memref<80x64xbf16, #tpu.memory_space<vmem>>)
    %dma_start3A_91 = arith.constant 120 : i32
    %dma_start3A_92 = arith.constant 0 : i32
    %dma_start3A_93 = tpu.memref_slice %arg7[%dma_start3A_91, %dma_start3A_92] : memref<125x80xi32, #tpu.memory_space<vmem>> -> memref<1x80xi32, #tpu.memory_space<vmem>>
    %dma_start3A_94 = tpu.memref_squeeze %dma_start3A_93 : memref<1x80xi32, #tpu.memory_space<vmem>> -> memref<80xi32, #tpu.memory_space<vmem>>
    %dma_start3A_95 = arith.constant 0 : i32
    %dma_start3A_96 = arith.constant 0 : i32
    %dma_start3A_97 = tpu.memref_slice %arg14[%dma_start3A_95, %dma_start3A_96] : memref<10000x64xbf16, #tpu.memory_space<vmem_shared>> -> memref<10000x64xbf16, #tpu.memory_space<vmem_shared>>
    tpu.enqueue_indirect_dma source(%arg8 : memref<80x64xbf16, #tpu.memory_space<vmem>>) target(%dma_start3A_97 : memref<10000x64xbf16, #tpu.memory_space<vmem_shared>>) offsets(%dma_start3A_94 : memref<80xi32, #tpu.memory_space<vmem>>) semaphore(%arg21 : memref<!tpu.dma_semaphore, #tpu.memory_space<semaphore_mem>>) {add = true}
    %dma_wait3A_98 = arith.constant 121 : i32
    %dma_wait3A_99 = arith.constant 0 : i32
    %dma_wait3A_100 = tpu.memref_slice %arg6[%dma_wait3A_98, %dma_wait3A_99] : memref<125x80xi32, #tpu.memory_space<vmem>> -> memref<1x80xi32, #tpu.memory_space<vmem>>
    %dma_wait3A_101 = tpu.memref_squeeze %dma_wait3A_100 : memref<1x80xi32, #tpu.memory_space<vmem>> -> memref<80xi32, #tpu.memory_space<vmem>>
    %dma_wait3A_102 = arith.constant 0 : i32
    %dma_wait3A_103 = arith.constant 0 : i32
    %dma_wait3A_104 = tpu.memref_slice %arg2[%dma_wait3A_102, %dma_wait3A_103] : memref<10000x64xbf16, #tpu.memory_space<hbm>> -> memref<10000x64xbf16, #tpu.memory_space<hbm>>
    tpu.wait_indirect_dma semaphore(%arg16 : memref<!tpu.dma_semaphore, #tpu.memory_space<semaphore_mem>>) src(%dma_wait3A_104 : memref<10000x64xbf16, #tpu.memory_space<hbm>>) dst(%arg9 : memref<80x64xbf16, #tpu.memory_space<vmem>>)
    %dma_start3A_105 = arith.constant 121 : i32
    %dma_start3A_106 = arith.constant 0 : i32
    %dma_start3A_107 = tpu.memref_slice %arg7[%dma_start3A_105, %dma_start3A_106] : memref<125x80xi32, #tpu.memory_space<vmem>> -> memref<1x80xi32, #tpu.memory_space<vmem>>
    %dma_start3A_108 = tpu.memref_squeeze %dma_start3A_107 : memref<1x80xi32, #tpu.memory_space<vmem>> -> memref<80xi32, #tpu.memory_space<vmem>>
    %dma_start3A_109 = arith.constant 0 : i32
    %dma_start3A_110 = arith.constant 0 : i32
    %dma_start3A_111 = tpu.memref_slice %arg14[%dma_start3A_109, %dma_start3A_110] : memref<10000x64xbf16, #tpu.memory_space<vmem_shared>> -> memref<10000x64xbf16, #tpu.memory_space<vmem_shared>>
    tpu.enqueue_indirect_dma source(%arg9 : memref<80x64xbf16, #tpu.memory_space<vmem>>) target(%dma_start3A_111 : memref<10000x64xbf16, #tpu.memory_space<vmem_shared>>) offsets(%dma_start3A_108 : memref<80xi32, #tpu.memory_space<vmem>>) semaphore(%arg22 : memref<!tpu.dma_semaphore, #tpu.memory_space<semaphore_mem>>) {add = true}
    %dma_wait3A_112 = arith.constant 122 : i32
    %dma_wait3A_113 = arith.constant 0 : i32
    %dma_wait3A_114 = tpu.memref_slice %arg6[%dma_wait3A_112, %dma_wait3A_113] : memref<125x80xi32, #tpu.memory_space<vmem>> -> memref<1x80xi32, #tpu.memory_space<vmem>>
    %dma_wait3A_115 = tpu.memref_squeeze %dma_wait3A_114 : memref<1x80xi32, #tpu.memory_space<vmem>> -> memref<80xi32, #tpu.memory_space<vmem>>
    %dma_wait3A_116 = arith.constant 0 : i32
    %dma_wait3A_117 = arith.constant 0 : i32
    %dma_wait3A_118 = tpu.memref_slice %arg2[%dma_wait3A_116, %dma_wait3A_117] : memref<10000x64xbf16, #tpu.memory_space<hbm>> -> memref<10000x64xbf16, #tpu.memory_space<hbm>>
    tpu.wait_indirect_dma semaphore(%arg17 : memref<!tpu.dma_semaphore, #tpu.memory_space<semaphore_mem>>) src(%dma_wait3A_118 : memref<10000x64xbf16, #tpu.memory_space<hbm>>) dst(%arg10 : memref<80x64xbf16, #tpu.memory_space<vmem>>)
    %dma_start3A_119 = arith.constant 122 : i32
    %dma_start3A_120 = arith.constant 0 : i32
    %dma_start3A_121 = tpu.memref_slice %arg7[%dma_start3A_119, %dma_start3A_120] : memref<125x80xi32, #tpu.memory_space<vmem>> -> memref<1x80xi32, #tpu.memory_space<vmem>>
    %dma_start3A_122 = tpu.memref_squeeze %dma_start3A_121 : memref<1x80xi32, #tpu.memory_space<vmem>> -> memref<80xi32, #tpu.memory_space<vmem>>
    %dma_start3A_123 = arith.constant 0 : i32
    %dma_start3A_124 = arith.constant 0 : i32
    %dma_start3A_125 = tpu.memref_slice %arg14[%dma_start3A_123, %dma_start3A_124] : memref<10000x64xbf16, #tpu.memory_space<vmem_shared>> -> memref<10000x64xbf16, #tpu.memory_space<vmem_shared>>
    tpu.enqueue_indirect_dma source(%arg10 : memref<80x64xbf16, #tpu.memory_space<vmem>>) target(%dma_start3A_125 : memref<10000x64xbf16, #tpu.memory_space<vmem_shared>>) offsets(%dma_start3A_122 : memref<80xi32, #tpu.memory_space<vmem>>) semaphore(%arg23 : memref<!tpu.dma_semaphore, #tpu.memory_space<semaphore_mem>>) {add = true}
    %dma_wait3A_126 = arith.constant 123 : i32
    %dma_wait3A_127 = arith.constant 0 : i32
    %dma_wait3A_128 = tpu.memref_slice %arg6[%dma_wait3A_126, %dma_wait3A_127] : memref<125x80xi32, #tpu.memory_space<vmem>> -> memref<1x80xi32, #tpu.memory_space<vmem>>
    %dma_wait3A_129 = tpu.memref_squeeze %dma_wait3A_128 : memref<1x80xi32, #tpu.memory_space<vmem>> -> memref<80xi32, #tpu.memory_space<vmem>>
    %dma_wait3A_130 = arith.constant 0 : i32
    %dma_wait3A_131 = arith.constant 0 : i32
    %dma_wait3A_132 = tpu.memref_slice %arg2[%dma_wait3A_130, %dma_wait3A_131] : memref<10000x64xbf16, #tpu.memory_space<hbm>> -> memref<10000x64xbf16, #tpu.memory_space<hbm>>
    tpu.wait_indirect_dma semaphore(%arg18 : memref<!tpu.dma_semaphore, #tpu.memory_space<semaphore_mem>>) src(%dma_wait3A_132 : memref<10000x64xbf16, #tpu.memory_space<hbm>>) dst(%arg11 : memref<80x64xbf16, #tpu.memory_space<vmem>>)
    %dma_start3A_133 = arith.constant 123 : i32
    %dma_start3A_134 = arith.constant 0 : i32
    %dma_start3A_135 = tpu.memref_slice %arg7[%dma_start3A_133, %dma_start3A_134] : memref<125x80xi32, #tpu.memory_space<vmem>> -> memref<1x80xi32, #tpu.memory_space<vmem>>
    %dma_start3A_136 = tpu.memref_squeeze %dma_start3A_135 : memref<1x80xi32, #tpu.memory_space<vmem>> -> memref<80xi32, #tpu.memory_space<vmem>>
    %dma_start3A_137 = arith.constant 0 : i32
    %dma_start3A_138 = arith.constant 0 : i32
    %dma_start3A_139 = tpu.memref_slice %arg14[%dma_start3A_137, %dma_start3A_138] : memref<10000x64xbf16, #tpu.memory_space<vmem_shared>> -> memref<10000x64xbf16, #tpu.memory_space<vmem_shared>>
    tpu.enqueue_indirect_dma source(%arg11 : memref<80x64xbf16, #tpu.memory_space<vmem>>) target(%dma_start3A_139 : memref<10000x64xbf16, #tpu.memory_space<vmem_shared>>) offsets(%dma_start3A_136 : memref<80xi32, #tpu.memory_space<vmem>>) semaphore(%arg24 : memref<!tpu.dma_semaphore, #tpu.memory_space<semaphore_mem>>) {add = true}
    %dma_wait3A_140 = arith.constant 124 : i32
    %dma_wait3A_141 = arith.constant 0 : i32
    %dma_wait3A_142 = tpu.memref_slice %arg6[%dma_wait3A_140, %dma_wait3A_141] : memref<125x80xi32, #tpu.memory_space<vmem>> -> memref<1x80xi32, #tpu.memory_space<vmem>>
    %dma_wait3A_143 = tpu.memref_squeeze %dma_wait3A_142 : memref<1x80xi32, #tpu.memory_space<vmem>> -> memref<80xi32, #tpu.memory_space<vmem>>
    %dma_wait3A_144 = arith.constant 0 : i32
    %dma_wait3A_145 = arith.constant 0 : i32
    %dma_wait3A_146 = tpu.memref_slice %arg2[%dma_wait3A_144, %dma_wait3A_145] : memref<10000x64xbf16, #tpu.memory_space<hbm>> -> memref<10000x64xbf16, #tpu.memory_space<hbm>>
    tpu.wait_indirect_dma semaphore(%arg19 : memref<!tpu.dma_semaphore, #tpu.memory_space<semaphore_mem>>) src(%dma_wait3A_146 : memref<10000x64xbf16, #tpu.memory_space<hbm>>) dst(%arg12 : memref<80x64xbf16, #tpu.memory_space<vmem>>)
    %dma_start3A_147 = arith.constant 124 : i32
    %dma_start3A_148 = arith.constant 0 : i32
    %dma_start3A_149 = tpu.memref_slice %arg7[%dma_start3A_147, %dma_start3A_148] : memref<125x80xi32, #tpu.memory_space<vmem>> -> memref<1x80xi32, #tpu.memory_space<vmem>>
    %dma_start3A_150 = tpu.memref_squeeze %dma_start3A_149 : memref<1x80xi32, #tpu.memory_space<vmem>> -> memref<80xi32, #tpu.memory_space<vmem>>
    %dma_start3A_151 = arith.constant 0 : i32
    %dma_start3A_152 = arith.constant 0 : i32
    %dma_start3A_153 = tpu.memref_slice %arg14[%dma_start3A_151, %dma_start3A_152] : memref<10000x64xbf16, #tpu.memory_space<vmem_shared>> -> memref<10000x64xbf16, #tpu.memory_space<vmem_shared>>
    tpu.enqueue_indirect_dma source(%arg12 : memref<80x64xbf16, #tpu.memory_space<vmem>>) target(%dma_start3A_153 : memref<10000x64xbf16, #tpu.memory_space<vmem_shared>>) offsets(%dma_start3A_150 : memref<80xi32, #tpu.memory_space<vmem>>) semaphore(%arg25 : memref<!tpu.dma_semaphore, #tpu.memory_space<semaphore_mem>>) {add = true}
    %dma_wait3A_154 = arith.constant 119 : i32
    %dma_wait3A_155 = arith.constant 0 : i32
    %dma_wait3A_156 = tpu.memref_slice %arg7[%dma_wait3A_154, %dma_wait3A_155] : memref<125x80xi32, #tpu.memory_space<vmem>> -> memref<1x80xi32, #tpu.memory_space<vmem>>
    %dma_wait3A_157 = tpu.memref_squeeze %dma_wait3A_156 : memref<1x80xi32, #tpu.memory_space<vmem>> -> memref<80xi32, #tpu.memory_space<vmem>>
    %dma_wait3A_158 = arith.constant 0 : i32
    %dma_wait3A_159 = arith.constant 0 : i32
    %dma_wait3A_160 = tpu.memref_slice %arg14[%dma_wait3A_158, %dma_wait3A_159] : memref<10000x64xbf16, #tpu.memory_space<vmem_shared>> -> memref<10000x64xbf16, #tpu.memory_space<vmem_shared>>
    tpu.wait_indirect_dma semaphore(%arg26 : memref<!tpu.dma_semaphore, #tpu.memory_space<semaphore_mem>>) src(%arg13 : memref<80x64xbf16, #tpu.memory_space<vmem>>) dst(%dma_wait3A_160 : memref<10000x64xbf16, #tpu.memory_space<vmem_shared>>)
    %dma_wait3A_161 = arith.constant 120 : i32
    %dma_wait3A_162 = arith.constant 0 : i32
    %dma_wait3A_163 = tpu.memref_slice %arg7[%dma_wait3A_161, %dma_wait3A_162] : memref<125x80xi32, #tpu.memory_space<vmem>> -> memref<1x80xi32, #tpu.memory_space<vmem>>
    %dma_wait3A_164 = tpu.memref_squeeze %dma_wait3A_163 : memref<1x80xi32, #tpu.memory_space<vmem>> -> memref<80xi32, #tpu.memory_space<vmem>>
    %dma_wait3A_165 = arith.constant 0 : i32
    %dma_wait3A_166 = arith.constant 0 : i32
    %dma_wait3A_167 = tpu.memref_slice %arg14[%dma_wait3A_165, %dma_wait3A_166] : memref<10000x64xbf16, #tpu.memory_space<vmem_shared>> -> memref<10000x64xbf16, #tpu.memory_space<vmem_shared>>
    tpu.wait_indirect_dma semaphore(%arg21 : memref<!tpu.dma_semaphore, #tpu.memory_space<semaphore_mem>>) src(%arg8 : memref<80x64xbf16, #tpu.memory_space<vmem>>) dst(%dma_wait3A_167 : memref<10000x64xbf16, #tpu.memory_space<vmem_shared>>)
    %dma_wait3A_168 = arith.constant 121 : i32
    %dma_wait3A_169 = arith.constant 0 : i32
    %dma_wait3A_170 = tpu.memref_slice %arg7[%dma_wait3A_168, %dma_wait3A_169] : memref<125x80xi32, #tpu.memory_space<vmem>> -> memref<1x80xi32, #tpu.memory_space<vmem>>
    %dma_wait3A_171 = tpu.memref_squeeze %dma_wait3A_170 : memref<1x80xi32, #tpu.memory_space<vmem>> -> memref<80xi32, #tpu.memory_space<vmem>>
    %dma_wait3A_172 = arith.constant 0 : i32
    %dma_wait3A_173 = arith.constant 0 : i32
    %dma_wait3A_174 = tpu.memref_slice %arg14[%dma_wait3A_172, %dma_wait3A_173] : memref<10000x64xbf16, #tpu.memory_space<vmem_shared>> -> memref<10000x64xbf16, #tpu.memory_space<vmem_shared>>
    tpu.wait_indirect_dma semaphore(%arg22 : memref<!tpu.dma_semaphore, #tpu.memory_space<semaphore_mem>>) src(%arg9 : memref<80x64xbf16, #tpu.memory_space<vmem>>) dst(%dma_wait3A_174 : memref<10000x64xbf16, #tpu.memory_space<vmem_shared>>)
    %dma_wait3A_175 = arith.constant 122 : i32
    %dma_wait3A_176 = arith.constant 0 : i32
    %dma_wait3A_177 = tpu.memref_slice %arg7[%dma_wait3A_175, %dma_wait3A_176] : memref<125x80xi32, #tpu.memory_space<vmem>> -> memref<1x80xi32, #tpu.memory_space<vmem>>
    %dma_wait3A_178 = tpu.memref_squeeze %dma_wait3A_177 : memref<1x80xi32, #tpu.memory_space<vmem>> -> memref<80xi32, #tpu.memory_space<vmem>>
    %dma_wait3A_179 = arith.constant 0 : i32
    %dma_wait3A_180 = arith.constant 0 : i32
    %dma_wait3A_181 = tpu.memref_slice %arg14[%dma_wait3A_179, %dma_wait3A_180] : memref<10000x64xbf16, #tpu.memory_space<vmem_shared>> -> memref<10000x64xbf16, #tpu.memory_space<vmem_shared>>
    tpu.wait_indirect_dma semaphore(%arg23 : memref<!tpu.dma_semaphore, #tpu.memory_space<semaphore_mem>>) src(%arg10 : memref<80x64xbf16, #tpu.memory_space<vmem>>) dst(%dma_wait3A_181 : memref<10000x64xbf16, #tpu.memory_space<vmem_shared>>)
    %dma_wait3A_182 = arith.constant 123 : i32
    %dma_wait3A_183 = arith.constant 0 : i32
    %dma_wait3A_184 = tpu.memref_slice %arg7[%dma_wait3A_182, %dma_wait3A_183] : memref<125x80xi32, #tpu.memory_space<vmem>> -> memref<1x80xi32, #tpu.memory_space<vmem>>
    %dma_wait3A_185 = tpu.memref_squeeze %dma_wait3A_184 : memref<1x80xi32, #tpu.memory_space<vmem>> -> memref<80xi32, #tpu.memory_space<vmem>>
    %dma_wait3A_186 = arith.constant 0 : i32
    %dma_wait3A_187 = arith.constant 0 : i32
    %dma_wait3A_188 = tpu.memref_slice %arg14[%dma_wait3A_186, %dma_wait3A_187] : memref<10000x64xbf16, #tpu.memory_space<vmem_shared>> -> memref<10000x64xbf16, #tpu.memory_space<vmem_shared>>
    tpu.wait_indirect_dma semaphore(%arg24 : memref<!tpu.dma_semaphore, #tpu.memory_space<semaphore_mem>>) src(%arg11 : memref<80x64xbf16, #tpu.memory_space<vmem>>) dst(%dma_wait3A_188 : memref<10000x64xbf16, #tpu.memory_space<vmem_shared>>)
    %dma_wait3A_189 = arith.constant 124 : i32
    %dma_wait3A_190 = arith.constant 0 : i32
    %dma_wait3A_191 = tpu.memref_slice %arg7[%dma_wait3A_189, %dma_wait3A_190] : memref<125x80xi32, #tpu.memory_space<vmem>> -> memref<1x80xi32, #tpu.memory_space<vmem>>
    %dma_wait3A_192 = tpu.memref_squeeze %dma_wait3A_191 : memref<1x80xi32, #tpu.memory_space<vmem>> -> memref<80xi32, #tpu.memory_space<vmem>>
    %dma_wait3A_193 = arith.constant 0 : i32
    %dma_wait3A_194 = arith.constant 0 : i32
    %dma_wait3A_195 = tpu.memref_slice %arg14[%dma_wait3A_193, %dma_wait3A_194] : memref<10000x64xbf16, #tpu.memory_space<vmem_shared>> -> memref<10000x64xbf16, #tpu.memory_space<vmem_shared>>
    tpu.wait_indirect_dma semaphore(%arg25 : memref<!tpu.dma_semaphore, #tpu.memory_space<semaphore_mem>>) src(%arg12 : memref<80x64xbf16, #tpu.memory_space<vmem>>) dst(%dma_wait3A_195 : memref<10000x64xbf16, #tpu.memory_space<vmem_shared>>)
    %barrier3A_196 = arith.constant 0 : index
    tpu.barrier barrier_id(%barrier3A_196)
    %scan3A_197 = arith.constant 0 : i32
    %scan3A_198 = arith.constant 0 : i32
    %scan3A_199 = arith.constant 8 : i32
    %scan3A_200 = arith.addi %scan3A_198, %scan3A_199 : i32
    %scan3A_201 = arith.constant 1 : i32
    scf.for %scan3A_203 = %scan3A_198 to %scan3A_200 step %scan3A_201  : i32 {
      %mul3A_204 = arith.constant 16 : i32
      %mul3A_205 = arith.muli %scan3A_203, %mul3A_204 : i32
      %add3A_206 = arith.addi %arg1, %mul3A_205 : i32
      %lt3A = arith.constant 125 : i32
      %lt3A_207 = arith.cmpi slt, %add3A_206, %lt3A : i32
      %convert_element_type3A = arith.extui %lt3A_207 : i1 to i32
      %cond3A = arith.constant 0 : i32
      %cond3A_208 = arith.cmpi ne, %convert_element_type3A, %cond3A : i32
      scf.if %cond3A_208 {
        %mul3A_209 = arith.constant 80 : i32
        %mul3A_210 = arith.muli %add3A_206, %mul3A_209 : i32
        "tpu.region"() ({
          %run_scoped3A = tpu.sem_alloc : memref<!tpu.dma_semaphore, #tpu.memory_space<semaphore_mem>>
          %dma_start3A_213 = arith.constant 0 : i32
          %dma_start3A_214 = tpu.memref_slice %arg14[%mul3A_210, %dma_start3A_213] : memref<10000x64xbf16, #tpu.memory_space<vmem_shared>> -> memref<80x64xbf16, #tpu.memory_space<vmem_shared>>
          %dma_start3A_215 = arith.constant 0 : i32
          %dma_start3A_216 = tpu.memref_slice %arg14[%mul3A_210, %dma_start3A_215] : memref<10000x64xbf16, #tpu.memory_space<vmem_shared>> -> memref<80x64xbf16, #tpu.memory_space<vmem_shared>>
          tpu.enqueue_dma source(%dma_start3A_216 : memref<80x64xbf16, #tpu.memory_space<vmem_shared>>) target(%arg8 : memref<80x64xbf16, #tpu.memory_space<vmem>>) target_semaphore(%run_scoped3A : memref<!tpu.dma_semaphore, #tpu.memory_space<semaphore_mem>>)
          %dma_wait3A_217 = arith.constant 0 : i32
          %dma_wait3A_218 = tpu.memref_slice %arg14[%mul3A_210, %dma_wait3A_217] : memref<10000x64xbf16, #tpu.memory_space<vmem_shared>> -> memref<80x64xbf16, #tpu.memory_space<vmem_shared>>
          %dma_wait3A_219 = arith.constant 0 : i32
          %dma_wait3A_220 = tpu.memref_slice %arg14[%mul3A_210, %dma_wait3A_219] : memref<10000x64xbf16, #tpu.memory_space<vmem_shared>> -> memref<80x64xbf16, #tpu.memory_space<vmem_shared>>
          tpu.wait_dma2 semaphore(%run_scoped3A : memref<!tpu.dma_semaphore, #tpu.memory_space<semaphore_mem>>) src(%dma_wait3A_220 : memref<80x64xbf16, #tpu.memory_space<vmem_shared>>) dst(%arg8 : memref<80x64xbf16, #tpu.memory_space<vmem>>)
          tpu.yield
        }) : () -> ()
        %mul3A_211 = arith.constant 80 : i32
        %mul3A_212 = arith.muli %add3A_206, %mul3A_211 : i32
        "tpu.region"() ({
          %run_scoped3A = tpu.sem_alloc : memref<!tpu.dma_semaphore, #tpu.memory_space<semaphore_mem>>
          %dma_start3A_213 = arith.constant 0 : i32
          %dma_start3A_214 = tpu.memref_slice %arg5[%arg0, %mul3A_212, %dma_start3A_213] : memref<2x10000x64xbf16, #tpu.memory_space<hbm>> -> memref<1x80x64xbf16, #tpu.memory_space<hbm>>
          %dma_start3A_215 = tpu.memref_squeeze %dma_start3A_214 : memref<1x80x64xbf16, #tpu.memory_space<hbm>> -> memref<80x64xbf16, #tpu.memory_space<hbm>>
          %dma_start3A_216 = arith.constant 0 : i32
          %dma_start3A_217 = tpu.memref_slice %arg5[%arg0, %mul3A_212, %dma_start3A_216] : memref<2x10000x64xbf16, #tpu.memory_space<hbm>> -> memref<1x80x64xbf16, #tpu.memory_space<hbm>>
          %dma_start3A_218 = tpu.memref_squeeze %dma_start3A_217 : memref<1x80x64xbf16, #tpu.memory_space<hbm>> -> memref<80x64xbf16, #tpu.memory_space<hbm>>
          tpu.enqueue_dma source(%arg8 : memref<80x64xbf16, #tpu.memory_space<vmem>>) target(%dma_start3A_218 : memref<80x64xbf16, #tpu.memory_space<hbm>>) target_semaphore(%run_scoped3A : memref<!tpu.dma_semaphore, #tpu.memory_space<semaphore_mem>>)
          %dma_wait3A_219 = arith.constant 0 : i32
          %dma_wait3A_220 = tpu.memref_slice %arg5[%arg0, %mul3A_212, %dma_wait3A_219] : memref<2x10000x64xbf16, #tpu.memory_space<hbm>> -> memref<1x80x64xbf16, #tpu.memory_space<hbm>>
          %dma_wait3A_221 = tpu.memref_squeeze %dma_wait3A_220 : memref<1x80x64xbf16, #tpu.memory_space<hbm>> -> memref<80x64xbf16, #tpu.memory_space<hbm>>
          %dma_wait3A_222 = arith.constant 0 : i32
          %dma_wait3A_223 = tpu.memref_slice %arg5[%arg0, %mul3A_212, %dma_wait3A_222] : memref<2x10000x64xbf16, #tpu.memory_space<hbm>> -> memref<1x80x64xbf16, #tpu.memory_space<hbm>>
          %dma_wait3A_224 = tpu.memref_squeeze %dma_wait3A_223 : memref<1x80x64xbf16, #tpu.memory_space<hbm>> -> memref<80x64xbf16, #tpu.memory_space<hbm>>
          tpu.wait_dma2 semaphore(%run_scoped3A : memref<!tpu.dma_semaphore, #tpu.memory_space<semaphore_mem>>) src(%arg8 : memref<80x64xbf16, #tpu.memory_space<vmem>>) dst(%dma_wait3A_224 : memref<80x64xbf16, #tpu.memory_space<hbm>>)
          tpu.yield
        }) : () -> ()
      } else {
      }
    }
    %scan3A_202 = arith.constant 8 : i32
    return
  }
}

#map = affine_map<(d0, d1) -> (0, 0, 0)>
#map1 = affine_map<(d0, d1) -> (0)>
module attributes {stable_mosaic.version = 14 : i64} {
  func.func @_deg_body(%arg0: i32, %arg1: i32, %arg2: memref<2x4000x80xi32, #tpu.memory_space<hbm>>, %arg3: memref<80xf32, #tpu.memory_space<hbm>>, %arg4: memref<1024xf32, #tpu.memory_space<hbm>>, %arg5: memref<20000xf32, #tpu.memory_space<hbm>>, %arg6: memref<125x80xi32, #tpu.memory_space<vmem>>, %arg7: memref<80xf32, #tpu.memory_space<vmem>>, %arg8: memref<640xf32, #tpu.memory_space<vmem>>, %arg9: memref<10000xf32, #tpu.memory_space<vmem_shared>>, %arg10: memref<!tpu.dma_semaphore, #tpu.memory_space<semaphore_mem>>, %arg11: memref<!tpu.dma_semaphore, #tpu.memory_space<semaphore_mem>>) attributes {dimension_semantics = [#tpu.dimension_semantics<core_parallel>, #tpu.dimension_semantics<subcore_parallel>], iteration_bounds = array<i64: 2, 16>, scalar_prefetch = 0 : i64, scratch_operands = 6 : i64, tpu.core_type = #tpu.core_type<sc_vector_subcore>, window_params = [{transform_indices = #map}, {transform_indices = #map1}, {transform_indices = #map1}, {transform_indices = #map1}]} {
    %mul3A = arith.constant 16 : i32
    %mul3A_0 = arith.muli %arg0, %mul3A : i32
    %add3A = arith.addi %mul3A_0, %arg1 : i32
    %mul3A_1 = arith.constant 125 : i32
    %mul3A_2 = arith.muli %add3A, %mul3A_1 : i32
    %dma_start3A = arith.constant 1 : i32
    %dma_start3A_3 = arith.constant 0 : i32
    %dma_start3A_4 = tpu.memref_slice %arg2[%dma_start3A, %mul3A_2, %dma_start3A_3] : memref<2x4000x80xi32, #tpu.memory_space<hbm>> -> memref<1x125x80xi32, #tpu.memory_space<hbm>>
    %dma_start3A_5 = tpu.memref_squeeze %dma_start3A_4 : memref<1x125x80xi32, #tpu.memory_space<hbm>> -> memref<125x80xi32, #tpu.memory_space<hbm>>
    %dma_start3A_6 = arith.constant 0 : i32
    %dma_start3A_7 = tpu.memref_slice %arg2[%dma_start3A, %mul3A_2, %dma_start3A_6] : memref<2x4000x80xi32, #tpu.memory_space<hbm>> -> memref<1x125x80xi32, #tpu.memory_space<hbm>>
    %dma_start3A_8 = tpu.memref_squeeze %dma_start3A_7 : memref<1x125x80xi32, #tpu.memory_space<hbm>> -> memref<125x80xi32, #tpu.memory_space<hbm>>
    tpu.enqueue_dma source(%dma_start3A_8 : memref<125x80xi32, #tpu.memory_space<hbm>>) target(%arg6 : memref<125x80xi32, #tpu.memory_space<vmem>>) target_semaphore(%arg10 : memref<!tpu.dma_semaphore, #tpu.memory_space<semaphore_mem>>)
    "tpu.region"() ({
      %run_scoped3A = tpu.sem_alloc : memref<!tpu.dma_semaphore, #tpu.memory_space<semaphore_mem>>
      tpu.enqueue_dma source(%arg3 : memref<80xf32, #tpu.memory_space<hbm>>) target(%arg7 : memref<80xf32, #tpu.memory_space<vmem>>) target_semaphore(%run_scoped3A : memref<!tpu.dma_semaphore, #tpu.memory_space<semaphore_mem>>)
      tpu.wait_dma2 semaphore(%run_scoped3A : memref<!tpu.dma_semaphore, #tpu.memory_space<semaphore_mem>>) src(%arg3 : memref<80xf32, #tpu.memory_space<hbm>>) dst(%arg7 : memref<80xf32, #tpu.memory_space<vmem>>)
      tpu.yield
    }) : () -> ()
    "tpu.region"() ({
      %run_scoped3A = tpu.sem_alloc : memref<!tpu.dma_semaphore, #tpu.memory_space<semaphore_mem>>
      %dma_start3A_43 = arith.constant 0 : i32
      %dma_start3A_44 = tpu.memref_slice %arg4[%dma_start3A_43] : memref<1024xf32, #tpu.memory_space<hbm>> -> memref<640xf32, #tpu.memory_space<hbm>>
      %dma_start3A_45 = arith.constant 0 : i32
      %dma_start3A_46 = tpu.memref_slice %arg4[%dma_start3A_45] : memref<1024xf32, #tpu.memory_space<hbm>> -> memref<640xf32, #tpu.memory_space<hbm>>
      tpu.enqueue_dma source(%dma_start3A_46 : memref<640xf32, #tpu.memory_space<hbm>>) target(%arg8 : memref<640xf32, #tpu.memory_space<vmem>>) target_semaphore(%run_scoped3A : memref<!tpu.dma_semaphore, #tpu.memory_space<semaphore_mem>>)
      %dma_wait3A_47 = arith.constant 0 : i32
      %dma_wait3A_48 = tpu.memref_slice %arg4[%dma_wait3A_47] : memref<1024xf32, #tpu.memory_space<hbm>> -> memref<640xf32, #tpu.memory_space<hbm>>
      %dma_wait3A_49 = arith.constant 0 : i32
      %dma_wait3A_50 = tpu.memref_slice %arg4[%dma_wait3A_49] : memref<1024xf32, #tpu.memory_space<hbm>> -> memref<640xf32, #tpu.memory_space<hbm>>
      tpu.wait_dma2 semaphore(%run_scoped3A : memref<!tpu.dma_semaphore, #tpu.memory_space<semaphore_mem>>) src(%dma_wait3A_50 : memref<640xf32, #tpu.memory_space<hbm>>) dst(%arg8 : memref<640xf32, #tpu.memory_space<vmem>>)
      tpu.yield
    }) : () -> ()
    %mul3A_9 = arith.constant 624 : i32
    %mul3A_10 = arith.muli %arg1, %mul3A_9 : i32
    "tpu.region"() ({
      %run_scoped3A = tpu.sem_alloc : memref<!tpu.dma_semaphore, #tpu.memory_space<semaphore_mem>>
      %dma_start3A_43 = arith.constant 0 : i32
      %dma_start3A_44 = tpu.memref_slice %arg8[%dma_start3A_43] : memref<640xf32, #tpu.memory_space<vmem>> -> memref<624xf32, #tpu.memory_space<vmem>>
      %dma_start3A_45 = tpu.memref_slice %arg9[%mul3A_10] : memref<10000xf32, #tpu.memory_space<vmem_shared>> -> memref<624xf32, #tpu.memory_space<vmem_shared>>
      %dma_start3A_46 = tpu.memref_slice %arg9[%mul3A_10] : memref<10000xf32, #tpu.memory_space<vmem_shared>> -> memref<624xf32, #tpu.memory_space<vmem_shared>>
      %dma_start3A_47 = arith.constant 0 : i32
      %dma_start3A_48 = tpu.memref_slice %arg8[%dma_start3A_47] : memref<640xf32, #tpu.memory_space<vmem>> -> memref<624xf32, #tpu.memory_space<vmem>>
      tpu.enqueue_dma source(%dma_start3A_48 : memref<624xf32, #tpu.memory_space<vmem>>) target(%dma_start3A_46 : memref<624xf32, #tpu.memory_space<vmem_shared>>) target_semaphore(%run_scoped3A : memref<!tpu.dma_semaphore, #tpu.memory_space<semaphore_mem>>)
      %dma_wait3A_49 = arith.constant 0 : i32
      %dma_wait3A_50 = tpu.memref_slice %arg8[%dma_wait3A_49] : memref<640xf32, #tpu.memory_space<vmem>> -> memref<624xf32, #tpu.memory_space<vmem>>
      %dma_wait3A_51 = tpu.memref_slice %arg9[%mul3A_10] : memref<10000xf32, #tpu.memory_space<vmem_shared>> -> memref<624xf32, #tpu.memory_space<vmem_shared>>
      %dma_wait3A_52 = tpu.memref_slice %arg9[%mul3A_10] : memref<10000xf32, #tpu.memory_space<vmem_shared>> -> memref<624xf32, #tpu.memory_space<vmem_shared>>
      %dma_wait3A_53 = arith.constant 0 : i32
      %dma_wait3A_54 = tpu.memref_slice %arg8[%dma_wait3A_53] : memref<640xf32, #tpu.memory_space<vmem>> -> memref<624xf32, #tpu.memory_space<vmem>>
      tpu.wait_dma2 semaphore(%run_scoped3A : memref<!tpu.dma_semaphore, #tpu.memory_space<semaphore_mem>>) src(%dma_wait3A_54 : memref<624xf32, #tpu.memory_space<vmem>>) dst(%dma_wait3A_52 : memref<624xf32, #tpu.memory_space<vmem_shared>>)
      tpu.yield
    }) : () -> ()
    %eq3A = arith.constant 0 : i32
    %eq3A_11 = arith.cmpi eq, %arg1, %eq3A : i32
    %convert_element_type3A = arith.extui %eq3A_11 : i1 to i32
    %cond3A = arith.constant 0 : i32
    %cond3A_12 = arith.cmpi ne, %convert_element_type3A, %cond3A : i32
    scf.if %cond3A_12 {
      "tpu.region"() ({
        %run_scoped3A = tpu.sem_alloc : memref<!tpu.dma_semaphore, #tpu.memory_space<semaphore_mem>>
        %dma_start3A_43 = arith.constant 0 : i32
        %dma_start3A_44 = tpu.memref_slice %arg8[%dma_start3A_43] : memref<640xf32, #tpu.memory_space<vmem>> -> memref<16xf32, #tpu.memory_space<vmem>>
        %dma_start3A_45 = arith.constant 9984 : i32
        %dma_start3A_46 = tpu.memref_slice %arg9[%dma_start3A_45] : memref<10000xf32, #tpu.memory_space<vmem_shared>> -> memref<16xf32, #tpu.memory_space<vmem_shared>>
        %dma_start3A_47 = arith.constant 9984 : i32
        %dma_start3A_48 = tpu.memref_slice %arg9[%dma_start3A_47] : memref<10000xf32, #tpu.memory_space<vmem_shared>> -> memref<16xf32, #tpu.memory_space<vmem_shared>>
        %dma_start3A_49 = arith.constant 0 : i32
        %dma_start3A_50 = tpu.memref_slice %arg8[%dma_start3A_49] : memref<640xf32, #tpu.memory_space<vmem>> -> memref<16xf32, #tpu.memory_space<vmem>>
        tpu.enqueue_dma source(%dma_start3A_50 : memref<16xf32, #tpu.memory_space<vmem>>) target(%dma_start3A_48 : memref<16xf32, #tpu.memory_space<vmem_shared>>) target_semaphore(%run_scoped3A : memref<!tpu.dma_semaphore, #tpu.memory_space<semaphore_mem>>)
        %dma_wait3A_51 = arith.constant 0 : i32
        %dma_wait3A_52 = tpu.memref_slice %arg8[%dma_wait3A_51] : memref<640xf32, #tpu.memory_space<vmem>> -> memref<16xf32, #tpu.memory_space<vmem>>
        %dma_wait3A_53 = arith.constant 9984 : i32
        %dma_wait3A_54 = tpu.memref_slice %arg9[%dma_wait3A_53] : memref<10000xf32, #tpu.memory_space<vmem_shared>> -> memref<16xf32, #tpu.memory_space<vmem_shared>>
        %dma_wait3A_55 = arith.constant 9984 : i32
        %dma_wait3A_56 = tpu.memref_slice %arg9[%dma_wait3A_55] : memref<10000xf32, #tpu.memory_space<vmem_shared>> -> memref<16xf32, #tpu.memory_space<vmem_shared>>
        %dma_wait3A_57 = arith.constant 0 : i32
        %dma_wait3A_58 = tpu.memref_slice %arg8[%dma_wait3A_57] : memref<640xf32, #tpu.memory_space<vmem>> -> memref<16xf32, #tpu.memory_space<vmem>>
        tpu.wait_dma2 semaphore(%run_scoped3A : memref<!tpu.dma_semaphore, #tpu.memory_space<semaphore_mem>>) src(%dma_wait3A_58 : memref<16xf32, #tpu.memory_space<vmem>>) dst(%dma_wait3A_56 : memref<16xf32, #tpu.memory_space<vmem_shared>>)
        tpu.yield
      }) : () -> ()
    } else {
    }
    %dma_wait3A = arith.constant 1 : i32
    %dma_wait3A_13 = arith.constant 0 : i32
    %dma_wait3A_14 = tpu.memref_slice %arg2[%dma_wait3A, %mul3A_2, %dma_wait3A_13] : memref<2x4000x80xi32, #tpu.memory_space<hbm>> -> memref<1x125x80xi32, #tpu.memory_space<hbm>>
    %dma_wait3A_15 = tpu.memref_squeeze %dma_wait3A_14 : memref<1x125x80xi32, #tpu.memory_space<hbm>> -> memref<125x80xi32, #tpu.memory_space<hbm>>
    %dma_wait3A_16 = arith.constant 0 : i32
    %dma_wait3A_17 = tpu.memref_slice %arg2[%dma_wait3A, %mul3A_2, %dma_wait3A_16] : memref<2x4000x80xi32, #tpu.memory_space<hbm>> -> memref<1x125x80xi32, #tpu.memory_space<hbm>>
    %dma_wait3A_18 = tpu.memref_squeeze %dma_wait3A_17 : memref<1x125x80xi32, #tpu.memory_space<hbm>> -> memref<125x80xi32, #tpu.memory_space<hbm>>
    tpu.wait_dma2 semaphore(%arg10 : memref<!tpu.dma_semaphore, #tpu.memory_space<semaphore_mem>>) src(%dma_wait3A_18 : memref<125x80xi32, #tpu.memory_space<hbm>>) dst(%arg6 : memref<125x80xi32, #tpu.memory_space<vmem>>)
    %barrier3A = arith.constant 0 : index
    tpu.barrier barrier_id(%barrier3A)
    %dma_start3A_19 = arith.constant 0 : i32
    %dma_start3A_20 = arith.constant 0 : i32
    %dma_start3A_21 = tpu.memref_slice %arg6[%dma_start3A_19, %dma_start3A_20] : memref<125x80xi32, #tpu.memory_space<vmem>> -> memref<1x80xi32, #tpu.memory_space<vmem>>
    %dma_start3A_22 = tpu.memref_squeeze %dma_start3A_21 : memref<1x80xi32, #tpu.memory_space<vmem>> -> memref<80xi32, #tpu.memory_space<vmem>>
    %dma_start3A_23 = arith.constant 0 : i32
    %dma_start3A_24 = tpu.memref_slice %arg9[%dma_start3A_23] : memref<10000xf32, #tpu.memory_space<vmem_shared>> -> memref<10000xf32, #tpu.memory_space<vmem_shared>>
    tpu.enqueue_indirect_dma source(%arg7 : memref<80xf32, #tpu.memory_space<vmem>>) target(%dma_start3A_24 : memref<10000xf32, #tpu.memory_space<vmem_shared>>) offsets(%dma_start3A_22 : memref<80xi32, #tpu.memory_space<vmem>>) semaphore(%arg10 : memref<!tpu.dma_semaphore, #tpu.memory_space<semaphore_mem>>) {add = true}
    %scan3A = arith.constant 0 : i32
    %scan3A_25 = arith.constant 0 : i32
    %scan3A_26 = arith.constant 63 : i32
    %scan3A_27 = arith.addi %scan3A_25, %scan3A_26 : i32
    %scan3A_28 = arith.constant 1 : i32
    scf.for %scan3A_43 = %scan3A_25 to %scan3A_27 step %scan3A_28  : i32 {
      %mul3A_44 = arith.constant 2 : i32
      %mul3A_45 = arith.muli %mul3A_44, %scan3A_43 : i32
      %mul3A_46 = arith.constant 2 : i32
      %mul3A_47 = arith.muli %mul3A_46, %scan3A_43 : i32
      %add3A_48 = arith.constant 1 : i32
      %add3A_49 = arith.addi %mul3A_47, %add3A_48 : i32
      %mul3A_50 = arith.constant 2 : i32
      %mul3A_51 = arith.muli %mul3A_50, %scan3A_43 : i32
      %add3A_52 = arith.constant 2 : i32
      %add3A_53 = arith.addi %mul3A_51, %add3A_52 : i32
      %lt3A = arith.constant 125 : i32
      %lt3A_54 = arith.cmpi slt, %add3A_49, %lt3A : i32
      %convert_element_type3A_55 = arith.extui %lt3A_54 : i1 to i32
      %cond3A_56 = arith.constant 0 : i32
      %cond3A_57 = arith.cmpi ne, %convert_element_type3A_55, %cond3A_56 : i32
      scf.if %cond3A_57 {
        %dma_start3A_73 = arith.constant 0 : i32
        %dma_start3A_74 = tpu.memref_slice %arg6[%add3A_49, %dma_start3A_73] : memref<125x80xi32, #tpu.memory_space<vmem>> -> memref<1x80xi32, #tpu.memory_space<vmem>>
        %dma_start3A_75 = tpu.memref_squeeze %dma_start3A_74 : memref<1x80xi32, #tpu.memory_space<vmem>> -> memref<80xi32, #tpu.memory_space<vmem>>
        %dma_start3A_76 = arith.constant 0 : i32
        %dma_start3A_77 = tpu.memref_slice %arg9[%dma_start3A_76] : memref<10000xf32, #tpu.memory_space<vmem_shared>> -> memref<10000xf32, #tpu.memory_space<vmem_shared>>
        tpu.enqueue_indirect_dma source(%arg7 : memref<80xf32, #tpu.memory_space<vmem>>) target(%dma_start3A_77 : memref<10000xf32, #tpu.memory_space<vmem_shared>>) offsets(%dma_start3A_75 : memref<80xi32, #tpu.memory_space<vmem>>) semaphore(%arg11 : memref<!tpu.dma_semaphore, #tpu.memory_space<semaphore_mem>>) {add = true}
      } else {
      }
      %dma_wait3A_58 = arith.constant 0 : i32
      %dma_wait3A_59 = tpu.memref_slice %arg6[%mul3A_45, %dma_wait3A_58] : memref<125x80xi32, #tpu.memory_space<vmem>> -> memref<1x80xi32, #tpu.memory_space<vmem>>
      %dma_wait3A_60 = tpu.memref_squeeze %dma_wait3A_59 : memref<1x80xi32, #tpu.memory_space<vmem>> -> memref<80xi32, #tpu.memory_space<vmem>>
      %dma_wait3A_61 = arith.constant 0 : i32
      %dma_wait3A_62 = tpu.memref_slice %arg9[%dma_wait3A_61] : memref<10000xf32, #tpu.memory_space<vmem_shared>> -> memref<10000xf32, #tpu.memory_space<vmem_shared>>
      tpu.wait_indirect_dma semaphore(%arg10 : memref<!tpu.dma_semaphore, #tpu.memory_space<semaphore_mem>>) src(%arg7 : memref<80xf32, #tpu.memory_space<vmem>>) dst(%dma_wait3A_62 : memref<10000xf32, #tpu.memory_space<vmem_shared>>)
      %lt3A_63 = arith.constant 125 : i32
      %lt3A_64 = arith.cmpi slt, %add3A_53, %lt3A_63 : i32
      %convert_element_type3A_65 = arith.extui %lt3A_64 : i1 to i32
      %cond3A_66 = arith.constant 0 : i32
      %cond3A_67 = arith.cmpi ne, %convert_element_type3A_65, %cond3A_66 : i32
      scf.if %cond3A_67 {
        %dma_start3A_73 = arith.constant 0 : i32
        %dma_start3A_74 = tpu.memref_slice %arg6[%add3A_53, %dma_start3A_73] : memref<125x80xi32, #tpu.memory_space<vmem>> -> memref<1x80xi32, #tpu.memory_space<vmem>>
        %dma_start3A_75 = tpu.memref_squeeze %dma_start3A_74 : memref<1x80xi32, #tpu.memory_space<vmem>> -> memref<80xi32, #tpu.memory_space<vmem>>
        %dma_start3A_76 = arith.constant 0 : i32
        %dma_start3A_77 = tpu.memref_slice %arg9[%dma_start3A_76] : memref<10000xf32, #tpu.memory_space<vmem_shared>> -> memref<10000xf32, #tpu.memory_space<vmem_shared>>
        tpu.enqueue_indirect_dma source(%arg7 : memref<80xf32, #tpu.memory_space<vmem>>) target(%dma_start3A_77 : memref<10000xf32, #tpu.memory_space<vmem_shared>>) offsets(%dma_start3A_75 : memref<80xi32, #tpu.memory_space<vmem>>) semaphore(%arg10 : memref<!tpu.dma_semaphore, #tpu.memory_space<semaphore_mem>>) {add = true}
      } else {
      }
      %lt3A_68 = arith.constant 125 : i32
      %lt3A_69 = arith.cmpi slt, %add3A_49, %lt3A_68 : i32
      %convert_element_type3A_70 = arith.extui %lt3A_69 : i1 to i32
      %cond3A_71 = arith.constant 0 : i32
      %cond3A_72 = arith.cmpi ne, %convert_element_type3A_70, %cond3A_71 : i32
      scf.if %cond3A_72 {
        %dma_wait3A_73 = arith.constant 0 : i32
        %dma_wait3A_74 = tpu.memref_slice %arg6[%add3A_49, %dma_wait3A_73] : memref<125x80xi32, #tpu.memory_space<vmem>> -> memref<1x80xi32, #tpu.memory_space<vmem>>
        %dma_wait3A_75 = tpu.memref_squeeze %dma_wait3A_74 : memref<1x80xi32, #tpu.memory_space<vmem>> -> memref<80xi32, #tpu.memory_space<vmem>>
        %dma_wait3A_76 = arith.constant 0 : i32
        %dma_wait3A_77 = tpu.memref_slice %arg9[%dma_wait3A_76] : memref<10000xf32, #tpu.memory_space<vmem_shared>> -> memref<10000xf32, #tpu.memory_space<vmem_shared>>
        tpu.wait_indirect_dma semaphore(%arg11 : memref<!tpu.dma_semaphore, #tpu.memory_space<semaphore_mem>>) src(%arg7 : memref<80xf32, #tpu.memory_space<vmem>>) dst(%dma_wait3A_77 : memref<10000xf32, #tpu.memory_space<vmem_shared>>)
      } else {
      }
    }
    %scan3A_29 = arith.constant 63 : i32
    %barrier3A_30 = arith.constant 0 : index
    tpu.barrier barrier_id(%barrier3A_30)
    %mul3A_31 = arith.constant 624 : i32
    %mul3A_32 = arith.muli %arg1, %mul3A_31 : i32
    "tpu.region"() ({
      %run_scoped3A = tpu.sem_alloc : memref<!tpu.dma_semaphore, #tpu.memory_space<semaphore_mem>>
      %dma_start3A_43 = arith.constant 0 : i32
      %dma_start3A_44 = tpu.memref_slice %arg8[%dma_start3A_43] : memref<640xf32, #tpu.memory_space<vmem>> -> memref<624xf32, #tpu.memory_space<vmem>>
      %dma_start3A_45 = tpu.memref_slice %arg9[%mul3A_32] : memref<10000xf32, #tpu.memory_space<vmem_shared>> -> memref<624xf32, #tpu.memory_space<vmem_shared>>
      %dma_start3A_46 = arith.constant 0 : i32
      %dma_start3A_47 = tpu.memref_slice %arg8[%dma_start3A_46] : memref<640xf32, #tpu.memory_space<vmem>> -> memref<624xf32, #tpu.memory_space<vmem>>
      %dma_start3A_48 = tpu.memref_slice %arg9[%mul3A_32] : memref<10000xf32, #tpu.memory_space<vmem_shared>> -> memref<624xf32, #tpu.memory_space<vmem_shared>>
      tpu.enqueue_dma source(%dma_start3A_48 : memref<624xf32, #tpu.memory_space<vmem_shared>>) target(%dma_start3A_47 : memref<624xf32, #tpu.memory_space<vmem>>) target_semaphore(%run_scoped3A : memref<!tpu.dma_semaphore, #tpu.memory_space<semaphore_mem>>)
      %dma_wait3A_49 = arith.constant 0 : i32
      %dma_wait3A_50 = tpu.memref_slice %arg8[%dma_wait3A_49] : memref<640xf32, #tpu.memory_space<vmem>> -> memref<624xf32, #tpu.memory_space<vmem>>
      %dma_wait3A_51 = tpu.memref_slice %arg9[%mul3A_32] : memref<10000xf32, #tpu.memory_space<vmem_shared>> -> memref<624xf32, #tpu.memory_space<vmem_shared>>
      %dma_wait3A_52 = arith.constant 0 : i32
      %dma_wait3A_53 = tpu.memref_slice %arg8[%dma_wait3A_52] : memref<640xf32, #tpu.memory_space<vmem>> -> memref<624xf32, #tpu.memory_space<vmem>>
      %dma_wait3A_54 = tpu.memref_slice %arg9[%mul3A_32] : memref<10000xf32, #tpu.memory_space<vmem_shared>> -> memref<624xf32, #tpu.memory_space<vmem_shared>>
      tpu.wait_dma2 semaphore(%run_scoped3A : memref<!tpu.dma_semaphore, #tpu.memory_space<semaphore_mem>>) src(%dma_wait3A_54 : memref<624xf32, #tpu.memory_space<vmem_shared>>) dst(%dma_wait3A_53 : memref<624xf32, #tpu.memory_space<vmem>>)
      tpu.yield
    }) : () -> ()
    %mul3A_33 = arith.constant 10000 : i32
    %mul3A_34 = arith.muli %arg0, %mul3A_33 : i32
    %mul3A_35 = arith.constant 624 : i32
    %mul3A_36 = arith.muli %arg1, %mul3A_35 : i32
    %add3A_37 = arith.addi %mul3A_34, %mul3A_36 : i32
    "tpu.region"() ({
      %run_scoped3A = tpu.sem_alloc : memref<!tpu.dma_semaphore, #tpu.memory_space<semaphore_mem>>
      %dma_start3A_43 = arith.constant 0 : i32
      %dma_start3A_44 = tpu.memref_slice %arg8[%dma_start3A_43] : memref<640xf32, #tpu.memory_space<vmem>> -> memref<624xf32, #tpu.memory_space<vmem>>
      %dma_start3A_45 = tpu.memref_slice %arg5[%add3A_37] : memref<20000xf32, #tpu.memory_space<hbm>> -> memref<624xf32, #tpu.memory_space<hbm>>
      %dma_start3A_46 = tpu.memref_slice %arg5[%add3A_37] : memref<20000xf32, #tpu.memory_space<hbm>> -> memref<624xf32, #tpu.memory_space<hbm>>
      %dma_start3A_47 = arith.constant 0 : i32
      %dma_start3A_48 = tpu.memref_slice %arg8[%dma_start3A_47] : memref<640xf32, #tpu.memory_space<vmem>> -> memref<624xf32, #tpu.memory_space<vmem>>
      tpu.enqueue_dma source(%dma_start3A_48 : memref<624xf32, #tpu.memory_space<vmem>>) target(%dma_start3A_46 : memref<624xf32, #tpu.memory_space<hbm>>) target_semaphore(%run_scoped3A : memref<!tpu.dma_semaphore, #tpu.memory_space<semaphore_mem>>)
      %dma_wait3A_49 = arith.constant 0 : i32
      %dma_wait3A_50 = tpu.memref_slice %arg8[%dma_wait3A_49] : memref<640xf32, #tpu.memory_space<vmem>> -> memref<624xf32, #tpu.memory_space<vmem>>
      %dma_wait3A_51 = tpu.memref_slice %arg5[%add3A_37] : memref<20000xf32, #tpu.memory_space<hbm>> -> memref<624xf32, #tpu.memory_space<hbm>>
      %dma_wait3A_52 = tpu.memref_slice %arg5[%add3A_37] : memref<20000xf32, #tpu.memory_space<hbm>> -> memref<624xf32, #tpu.memory_space<hbm>>
      %dma_wait3A_53 = arith.constant 0 : i32
      %dma_wait3A_54 = tpu.memref_slice %arg8[%dma_wait3A_53] : memref<640xf32, #tpu.memory_space<vmem>> -> memref<624xf32, #tpu.memory_space<vmem>>
      tpu.wait_dma2 semaphore(%run_scoped3A : memref<!tpu.dma_semaphore, #tpu.memory_space<semaphore_mem>>) src(%dma_wait3A_54 : memref<624xf32, #tpu.memory_space<vmem>>) dst(%dma_wait3A_52 : memref<624xf32, #tpu.memory_space<hbm>>)
      tpu.yield
    }) : () -> ()
    %eq3A_38 = arith.constant 0 : i32
    %eq3A_39 = arith.cmpi eq, %arg1, %eq3A_38 : i32
    %convert_element_type3A_40 = arith.extui %eq3A_39 : i1 to i32
    %cond3A_41 = arith.constant 0 : i32
    %cond3A_42 = arith.cmpi ne, %convert_element_type3A_40, %cond3A_41 : i32
    scf.if %cond3A_42 {
      "tpu.region"() ({
        %run_scoped3A = tpu.sem_alloc : memref<!tpu.dma_semaphore, #tpu.memory_space<semaphore_mem>>
        %dma_start3A_47 = arith.constant 624 : i32
        %dma_start3A_48 = tpu.memref_slice %arg8[%dma_start3A_47] : memref<640xf32, #tpu.memory_space<vmem>> -> memref<16xf32, #tpu.memory_space<vmem>>
        %dma_start3A_49 = arith.constant 9984 : i32
        %dma_start3A_50 = tpu.memref_slice %arg9[%dma_start3A_49] : memref<10000xf32, #tpu.memory_space<vmem_shared>> -> memref<16xf32, #tpu.memory_space<vmem_shared>>
        %dma_start3A_51 = arith.constant 624 : i32
        %dma_start3A_52 = tpu.memref_slice %arg8[%dma_start3A_51] : memref<640xf32, #tpu.memory_space<vmem>> -> memref<16xf32, #tpu.memory_space<vmem>>
        %dma_start3A_53 = arith.constant 9984 : i32
        %dma_start3A_54 = tpu.memref_slice %arg9[%dma_start3A_53] : memref<10000xf32, #tpu.memory_space<vmem_shared>> -> memref<16xf32, #tpu.memory_space<vmem_shared>>
        tpu.enqueue_dma source(%dma_start3A_54 : memref<16xf32, #tpu.memory_space<vmem_shared>>) target(%dma_start3A_52 : memref<16xf32, #tpu.memory_space<vmem>>) target_semaphore(%run_scoped3A : memref<!tpu.dma_semaphore, #tpu.memory_space<semaphore_mem>>)
        %dma_wait3A_55 = arith.constant 624 : i32
        %dma_wait3A_56 = tpu.memref_slice %arg8[%dma_wait3A_55] : memref<640xf32, #tpu.memory_space<vmem>> -> memref<16xf32, #tpu.memory_space<vmem>>
        %dma_wait3A_57 = arith.constant 9984 : i32
        %dma_wait3A_58 = tpu.memref_slice %arg9[%dma_wait3A_57] : memref<10000xf32, #tpu.memory_space<vmem_shared>> -> memref<16xf32, #tpu.memory_space<vmem_shared>>
        %dma_wait3A_59 = arith.constant 624 : i32
        %dma_wait3A_60 = tpu.memref_slice %arg8[%dma_wait3A_59] : memref<640xf32, #tpu.memory_space<vmem>> -> memref<16xf32, #tpu.memory_space<vmem>>
        %dma_wait3A_61 = arith.constant 9984 : i32
        %dma_wait3A_62 = tpu.memref_slice %arg9[%dma_wait3A_61] : memref<10000xf32, #tpu.memory_space<vmem_shared>> -> memref<16xf32, #tpu.memory_space<vmem_shared>>
        tpu.wait_dma2 semaphore(%run_scoped3A : memref<!tpu.dma_semaphore, #tpu.memory_space<semaphore_mem>>) src(%dma_wait3A_62 : memref<16xf32, #tpu.memory_space<vmem_shared>>) dst(%dma_wait3A_60 : memref<16xf32, #tpu.memory_space<vmem>>)
        tpu.yield
      }) : () -> ()
      %mul3A_43 = arith.constant 10000 : i32
      %mul3A_44 = arith.muli %arg0, %mul3A_43 : i32
      %add3A_45 = arith.constant 9984 : i32
      %add3A_46 = arith.addi %mul3A_44, %add3A_45 : i32
      "tpu.region"() ({
        %run_scoped3A = tpu.sem_alloc : memref<!tpu.dma_semaphore, #tpu.memory_space<semaphore_mem>>
        %dma_start3A_47 = arith.constant 624 : i32
        %dma_start3A_48 = tpu.memref_slice %arg8[%dma_start3A_47] : memref<640xf32, #tpu.memory_space<vmem>> -> memref<16xf32, #tpu.memory_space<vmem>>
        %dma_start3A_49 = tpu.memref_slice %arg5[%add3A_46] : memref<20000xf32, #tpu.memory_space<hbm>> -> memref<16xf32, #tpu.memory_space<hbm>>
        %dma_start3A_50 = tpu.memref_slice %arg5[%add3A_46] : memref<20000xf32, #tpu.memory_space<hbm>> -> memref<16xf32, #tpu.memory_space<hbm>>
        %dma_start3A_51 = arith.constant 624 : i32
        %dma_start3A_52 = tpu.memref_slice %arg8[%dma_start3A_51] : memref<640xf32, #tpu.memory_space<vmem>> -> memref<16xf32, #tpu.memory_space<vmem>>
        tpu.enqueue_dma source(%dma_start3A_52 : memref<16xf32, #tpu.memory_space<vmem>>) target(%dma_start3A_50 : memref<16xf32, #tpu.memory_space<hbm>>) target_semaphore(%run_scoped3A : memref<!tpu.dma_semaphore, #tpu.memory_space<semaphore_mem>>)
        %dma_wait3A_53 = arith.constant 624 : i32
        %dma_wait3A_54 = tpu.memref_slice %arg8[%dma_wait3A_53] : memref<640xf32, #tpu.memory_space<vmem>> -> memref<16xf32, #tpu.memory_space<vmem>>
        %dma_wait3A_55 = tpu.memref_slice %arg5[%add3A_46] : memref<20000xf32, #tpu.memory_space<hbm>> -> memref<16xf32, #tpu.memory_space<hbm>>
        %dma_wait3A_56 = tpu.memref_slice %arg5[%add3A_46] : memref<20000xf32, #tpu.memory_space<hbm>> -> memref<16xf32, #tpu.memory_space<hbm>>
        %dma_wait3A_57 = arith.constant 624 : i32
        %dma_wait3A_58 = tpu.memref_slice %arg8[%dma_wait3A_57] : memref<640xf32, #tpu.memory_space<vmem>> -> memref<16xf32, #tpu.memory_space<vmem>>
        tpu.wait_dma2 semaphore(%run_scoped3A : memref<!tpu.dma_semaphore, #tpu.memory_space<semaphore_mem>>) src(%dma_wait3A_58 : memref<16xf32, #tpu.memory_space<vmem>>) dst(%dma_wait3A_56 : memref<16xf32, #tpu.memory_space<hbm>>)
        tpu.yield
      }) : () -> ()
    } else {
    }
    return
  }
}

module attributes {stable_mosaic.version = 14 : i64} {
  func.func @_tc_mm_body(%arg0: i32, %arg1: memref<1000x128xf32, #tpu.memory_space<vmem>>, %arg2: memref<128x128xf32, #tpu.memory_space<vmem>>, %arg3: memref<1000x128xf32, #tpu.memory_space<vmem>>) attributes {dimension_semantics = [#tpu.dimension_semantics<arbitrary>], iteration_bounds = array<i64: 10>, scalar_prefetch = 0 : i64, scratch_operands = 0 : i64, tpu.core_type = #tpu.core_type<tc>, window_params = [{transform_indices = @transform_0, window_bounds = array<i64: 1000, 128>}, {pipeline_mode = #tpu.pipeline_mode<synchronous>, transform_indices = @transform_1, window_bounds = array<i64: 128, 128>}, {transform_indices = @transform_2, window_bounds = array<i64: 1000, 128>}]} {
    %get3A = arith.constant 0 : index
    %get3A_0 = arith.constant 0 : index
    %get3A_1 = vector.load %arg1[%get3A, %get3A_0] : memref<1000x128xf32, #tpu.memory_space<vmem>>, vector<1000x128xf32>
    %get3A_2 = arith.constant 0 : index
    %get3A_3 = arith.constant 0 : index
    %get3A_4 = vector.load %arg2[%get3A_2, %get3A_3] : memref<128x128xf32, #tpu.memory_space<vmem>>, vector<128x128xf32>
    %dot_general3A = arith.constant dense<0.000000e+00> : vector<1000x128xf32>
    %dot_general3A_5 = tpu.matmul %get3A_1, %get3A_4, %dot_general3A {dimension_numbers = #tpu.dot_dimension_numbers<[1], [0], [0], [1], [0, 0, 1, 1], [], []>, transpose_lhs_hint = false} : vector<1000x128xf32>, vector<128x128xf32>, vector<1000x128xf32> -> vector<1000x128xf32>
    %swap3A = arith.constant 0 : index
    %swap3A_6 = arith.constant 0 : index
    %swap3A_7 = vector.load %arg3[%swap3A, %swap3A_6] : memref<1000x128xf32, #tpu.memory_space<vmem>>, vector<1000x128xf32>
    tpu.vector_store %arg3[%swap3A, %swap3A_6], %dot_general3A_5 {strides = array<i32>} : memref<1000x128xf32, #tpu.memory_space<vmem>>, vector<1000x128xf32>,
    return
  }
  func.func @transform_0(%arg0: i32) -> (i32, i32) {
    %c0_i32 = arith.constant 0 : i32
    %c0_i32_0 = arith.constant 0 : i32
    return %arg0, %c0_i32 : i32, i32
  }
  func.func @transform_1(%arg0: i32) -> (i32, i32) {
    %c0_i32 = arith.constant 0 : i32
    %c0_i32_0 = arith.constant 0 : i32
    %c0_i32_1 = arith.constant 0 : i32
    return %c0_i32, %c0_i32_0 : i32, i32
  }
  func.func @transform_2(%arg0: i32) -> (i32, i32) {
    %c0_i32 = arith.constant 0 : i32
    %c0_i32_0 = arith.constant 0 : i32
    return %arg0, %c0_i32 : i32, i32
  }
}

module attributes {stable_mosaic.version = 14 : i64} {
  func.func @_tc_scale_body(%arg0: i32, %arg1: memref<20x1000xf32, #tpu.memory_space<vmem>>, %arg2: memref<1000x1000xf32, #tpu.memory_space<vmem>>, %arg3: memref<1000x128xf32, #tpu.memory_space<vmem>>, %arg4: memref<1000x128xf32, #tpu.memory_space<vmem>>, %arg5: memref<1000x128xbf16, #tpu.memory_space<vmem>>, %arg6: memref<1000x1xf32, #tpu.memory_space<vmem>>) attributes {dimension_semantics = [#tpu.dimension_semantics<arbitrary>], iteration_bounds = array<i64: 10>, scalar_prefetch = 0 : i64, scratch_operands = 0 : i64, tpu.core_type = #tpu.core_type<tc>, window_params = [{pipeline_mode = #tpu.pipeline_mode<synchronous>, transform_indices = @transform_0, window_bounds = array<i64: 20, 1000>}, {pipeline_mode = #tpu.pipeline_mode<synchronous>, transform_indices = @transform_1, window_bounds = array<i64: 1000, 1000>}, {transform_indices = @transform_2, window_bounds = array<i64: 1000, 128>}, {transform_indices = @transform_3, window_bounds = array<i64: 1000, 128>}, {transform_indices = @transform_4, window_bounds = array<i64: 1000, 128>}, {transform_indices = @transform_5, window_bounds = array<i64: 1000, 1>}]} {
    %get3A = arith.index_cast %arg0 : i32 to index
    %get3A_0 = arith.constant 0 : index
    %get3A_1 = vector.load %arg1[%get3A, %get3A_0] : memref<20x1000xf32, #tpu.memory_space<vmem>>, vector<1x1000xf32>
    %add3A = arith.constant 10 : i32
    %add3A_2 = arith.addi %arg0, %add3A : i32
    %get3A_3 = arith.index_cast %add3A_2 : i32 to index
    %get3A_4 = arith.constant 0 : index
    %get3A_5 = vector.load %arg1[%get3A_3, %get3A_4] : memref<20x1000xf32, #tpu.memory_space<vmem>>, vector<1x1000xf32>
    %add3A_6 = arith.addf %get3A_1, %get3A_5 : vector<1x1000xf32>
    %add3A_7 = arith.constant 1.000000e+00 : f32
    %add3A_8 = vector.broadcast %add3A_7 : f32 to vector<1x1000xf32>
    %add3A_9 = arith.addf %add3A_6, %add3A_8 : vector<1x1000xf32>
    %get3A_10 = arith.constant 0 : index
    %get3A_11 = arith.constant 0 : index
    %get3A_12 = vector.load %arg2[%get3A_10, %get3A_11] : memref<1000x1000xf32, #tpu.memory_space<vmem>>, vector<1000x1000xf32>
    %dot_general3A = arith.constant dense<0.000000e+00> : vector<1000x1xf32>
    %dot_general3A_13 = tpu.matmul %get3A_12, %add3A_9, %dot_general3A {dimension_numbers = #tpu.dot_dimension_numbers<[1], [1], [0], [0], [0, 0, 1, 0], [], []>, transpose_lhs_hint = false} : vector<1000x1000xf32>, vector<1x1000xf32>, vector<1000x1xf32> -> vector<1000x1xf32>
    %sqrt3A = math.sqrt %dot_general3A_13 : vector<1000x1xf32>
    %div3A = arith.constant 1.000000e+00 : f32
    %div3A_14 = vector.broadcast %div3A : f32 to vector<1000x1xf32>
    %div3A_15 = arith.divf %div3A_14, %sqrt3A : vector<1000x1xf32>
    %get3A_16 = arith.constant 0 : index
    %get3A_17 = arith.constant 0 : index
    %get3A_18 = vector.load %arg3[%get3A_16, %get3A_17] : memref<1000x128xf32, #tpu.memory_space<vmem>>, vector<1000x128xf32>
    %mul3A = vector.broadcast %div3A_15 : vector<1000x1xf32> to vector<1000x128xf32>
    %mul3A_19 = arith.mulf %get3A_18, %mul3A : vector<1000x128xf32>
    %swap3A = arith.constant 0 : index
    %swap3A_20 = arith.constant 0 : index
    %swap3A_21 = vector.load %arg4[%swap3A, %swap3A_20] : memref<1000x128xf32, #tpu.memory_space<vmem>>, vector<1000x128xf32>
    tpu.vector_store %arg4[%swap3A, %swap3A_20], %mul3A_19 {strides = array<i32>} : memref<1000x128xf32, #tpu.memory_space<vmem>>, vector<1000x128xf32>,
    %convert_element_type3A = arith.truncf %mul3A_19 : vector<1000x128xf32> to vector<1000x128xbf16>
    %swap3A_22 = arith.constant 0 : index
    %swap3A_23 = arith.constant 0 : index
    %swap3A_24 = vector.load %arg5[%swap3A_22, %swap3A_23] : memref<1000x128xbf16, #tpu.memory_space<vmem>>, vector<1000x128xbf16>
    tpu.vector_store %arg5[%swap3A_22, %swap3A_23], %convert_element_type3A {strides = array<i32>} : memref<1000x128xbf16, #tpu.memory_space<vmem>>, vector<1000x128xbf16>,
    %swap3A_25 = arith.constant 0 : index
    %swap3A_26 = arith.constant 0 : index
    %swap3A_27 = vector.load %arg6[%swap3A_25, %swap3A_26] : memref<1000x1xf32, #tpu.memory_space<vmem>>, vector<1000x1xf32>
    tpu.vector_store %arg6[%swap3A_25, %swap3A_26], %div3A_15 {strides = array<i32>} : memref<1000x1xf32, #tpu.memory_space<vmem>>, vector<1000x1xf32>,
    return
  }
  func.func @transform_0(%arg0: i32) -> (i32, i32) {
    %c0_i32 = arith.constant 0 : i32
    %c0_i32_0 = arith.constant 0 : i32
    %c0_i32_1 = arith.constant 0 : i32
    return %c0_i32, %c0_i32_0 : i32, i32
  }
  func.func @transform_1(%arg0: i32) -> (i32, i32) {
    %c0_i32 = arith.constant 0 : i32
    %c0_i32_0 = arith.constant 0 : i32
    %c0_i32_1 = arith.constant 0 : i32
    return %c0_i32, %c0_i32_0 : i32, i32
  }
  func.func @transform_2(%arg0: i32) -> (i32, i32) {
    %c0_i32 = arith.constant 0 : i32
    %c0_i32_0 = arith.constant 0 : i32
    return %arg0, %c0_i32 : i32, i32
  }
  func.func @transform_3(%arg0: i32) -> (i32, i32) {
    %c0_i32 = arith.constant 0 : i32
    %c0_i32_0 = arith.constant 0 : i32
    return %arg0, %c0_i32 : i32, i32
  }
  func.func @transform_4(%arg0: i32) -> (i32, i32) {
    %c0_i32 = arith.constant 0 : i32
    %c0_i32_0 = arith.constant 0 : i32
    return %arg0, %c0_i32 : i32, i32
  }
  func.func @transform_5(%arg0: i32) -> (i32, i32) {
    %c0_i32 = arith.constant 0 : i32
    %c0_i32_0 = arith.constant 0 : i32
    return %arg0, %c0_i32 : i32, i32
  }
}

module attributes {stable_mosaic.version = 14 : i64} {
  func.func @_tcB_body(%arg0: i32, %arg1: memref<1000x128xbf16, #tpu.memory_space<vmem>>, %arg2: memref<1000x128xbf16, #tpu.memory_space<vmem>>, %arg3: memref<1000x128xf32, #tpu.memory_space<vmem>>, %arg4: memref<1000x1xf32, #tpu.memory_space<vmem>>, %arg5: memref<1x128xf32, #tpu.memory_space<vmem>>, %arg6: memref<128x64xf32, #tpu.memory_space<vmem>>, %arg7: memref<1000x64xf32, #tpu.memory_space<vmem>>, %arg8: memref<1000x64xbf16, #tpu.memory_space<vmem>>) attributes {dimension_semantics = [#tpu.dimension_semantics<arbitrary>], iteration_bounds = array<i64: 10>, scalar_prefetch = 0 : i64, scratch_operands = 0 : i64, tpu.core_type = #tpu.core_type<tc>, window_params = [{transform_indices = @transform_0, window_bounds = array<i64: 1000, 128>}, {transform_indices = @transform_1, window_bounds = array<i64: 1000, 128>}, {transform_indices = @transform_2, window_bounds = array<i64: 1000, 128>}, {transform_indices = @transform_3, window_bounds = array<i64: 1000, 1>}, {pipeline_mode = #tpu.pipeline_mode<synchronous>, transform_indices = @transform_4, window_bounds = array<i64: 1, 128>}, {pipeline_mode = #tpu.pipeline_mode<synchronous>, transform_indices = @transform_5, window_bounds = array<i64: 128, 64>}, {transform_indices = @transform_6, window_bounds = array<i64: 1000, 64>}, {transform_indices = @transform_7, window_bounds = array<i64: 1000, 64>}]} {
    %get3A = arith.constant 0 : index
    %get3A_0 = arith.constant 0 : index
    %get3A_1 = vector.load %arg4[%get3A, %get3A_0] : memref<1000x1xf32, #tpu.memory_space<vmem>>, vector<1000x1xf32>
    %get3A_2 = arith.constant 0 : index
    %get3A_3 = arith.constant 0 : index
    %get3A_4 = vector.load %arg1[%get3A_2, %get3A_3] : memref<1000x128xbf16, #tpu.memory_space<vmem>>, vector<1000x128xbf16>
    %convert_element_type3A = arith.extf %get3A_4 : vector<1000x128xbf16> to vector<1000x128xf32>
    %get3A_5 = arith.constant 0 : index
    %get3A_6 = arith.constant 0 : index
    %get3A_7 = vector.load %arg2[%get3A_5, %get3A_6] : memref<1000x128xbf16, #tpu.memory_space<vmem>>, vector<1000x128xbf16>
    %convert_element_type3A_8 = arith.extf %get3A_7 : vector<1000x128xbf16> to vector<1000x128xf32>
    %add3A = arith.addf %convert_element_type3A, %convert_element_type3A_8 : vector<1000x128xf32>
    %get3A_9 = arith.constant 0 : index
    %get3A_10 = arith.constant 0 : index
    %get3A_11 = vector.load %arg3[%get3A_9, %get3A_10] : memref<1000x128xf32, #tpu.memory_space<vmem>>, vector<1000x128xf32>
    %add3A_12 = arith.addf %add3A, %get3A_11 : vector<1000x128xf32>
    %mul3A = vector.broadcast %get3A_1 : vector<1000x1xf32> to vector<1000x128xf32>
    %mul3A_13 = arith.mulf %mul3A, %add3A_12 : vector<1000x128xf32>
    %get3A_14 = arith.constant 0 : index
    %get3A_15 = arith.constant 0 : index
    %get3A_16 = vector.load %arg5[%get3A_14, %get3A_15] : memref<1x128xf32, #tpu.memory_space<vmem>>, vector<1x128xf32>
    %add3A_17 = vector.broadcast %get3A_16 : vector<1x128xf32> to vector<1000x128xf32>
    %add3A_18 = arith.addf %mul3A_13, %add3A_17 : vector<1000x128xf32>
    %max3A = arith.constant 0.000000e+00 : f32
    %max3A_19 = vector.broadcast %max3A : f32 to vector<1000x128xf32>
    %max3A_20 = arith.maximumf %add3A_18, %max3A_19 : vector<1000x128xf32>
    %get3A_21 = arith.constant 0 : index
    %get3A_22 = arith.constant 0 : index
    %get3A_23 = vector.load %arg6[%get3A_21, %get3A_22] : memref<128x64xf32, #tpu.memory_space<vmem>>, vector<128x64xf32>
    %dot_general3A = arith.constant dense<0.000000e+00> : vector<1000x64xf32>
    %dot_general3A_24 = tpu.matmul %max3A_20, %get3A_23, %dot_general3A {dimension_numbers = #tpu.dot_dimension_numbers<[1], [0], [0], [1], [0, 0, 1, 1], [], []>, transpose_lhs_hint = false} : vector<1000x128xf32>, vector<128x64xf32>, vector<1000x64xf32> -> vector<1000x64xf32>
    %mul3A_25 = vector.broadcast %get3A_1 : vector<1000x1xf32> to vector<1000x64xf32>
    %mul3A_26 = arith.mulf %dot_general3A_24, %mul3A_25 : vector<1000x64xf32>
    %swap3A = arith.constant 0 : index
    %swap3A_27 = arith.constant 0 : index
    %swap3A_28 = vector.load %arg7[%swap3A, %swap3A_27] : memref<1000x64xf32, #tpu.memory_space<vmem>>, vector<1000x64xf32>
    tpu.vector_store %arg7[%swap3A, %swap3A_27], %mul3A_26 {strides = array<i32>} : memref<1000x64xf32, #tpu.memory_space<vmem>>, vector<1000x64xf32>,
    %convert_element_type3A_29 = arith.truncf %mul3A_26 : vector<1000x64xf32> to vector<1000x64xbf16>
    %swap3A_30 = arith.constant 0 : index
    %swap3A_31 = arith.constant 0 : index
    %swap3A_32 = vector.load %arg8[%swap3A_30, %swap3A_31] : memref<1000x64xbf16, #tpu.memory_space<vmem>>, vector<1000x64xbf16>
    tpu.vector_store %arg8[%swap3A_30, %swap3A_31], %convert_element_type3A_29 {strides = array<i32>} : memref<1000x64xbf16, #tpu.memory_space<vmem>>, vector<1000x64xbf16>,
    return
  }
  func.func @transform_0(%arg0: i32) -> (i32, i32) {
    %c0_i32 = arith.constant 0 : i32
    %c0_i32_0 = arith.constant 0 : i32
    return %arg0, %c0_i32 : i32, i32
  }
  func.func @transform_1(%arg0: i32) -> (i32, i32) {
    %c0_i32 = arith.constant 0 : i32
    %c0_i32_0 = arith.constant 0 : i32
    return %arg0, %c0_i32 : i32, i32
  }
  func.func @transform_2(%arg0: i32) -> (i32, i32) {
    %c0_i32 = arith.constant 0 : i32
    %c0_i32_0 = arith.constant 0 : i32
    return %arg0, %c0_i32 : i32, i32
  }
  func.func @transform_3(%arg0: i32) -> (i32, i32) {
    %c0_i32 = arith.constant 0 : i32
    %c0_i32_0 = arith.constant 0 : i32
    return %arg0, %c0_i32 : i32, i32
  }
  func.func @transform_4(%arg0: i32) -> (i32, i32) {
    %c0_i32 = arith.constant 0 : i32
    %c0_i32_0 = arith.constant 0 : i32
    %c0_i32_1 = arith.constant 0 : i32
    return %c0_i32, %c0_i32_0 : i32, i32
  }
  func.func @transform_5(%arg0: i32) -> (i32, i32) {
    %c0_i32 = arith.constant 0 : i32
    %c0_i32_0 = arith.constant 0 : i32
    %c0_i32_1 = arith.constant 0 : i32
    return %c0_i32, %c0_i32_0 : i32, i32
  }
  func.func @transform_6(%arg0: i32) -> (i32, i32) {
    %c0_i32 = arith.constant 0 : i32
    %c0_i32_0 = arith.constant 0 : i32
    return %arg0, %c0_i32 : i32, i32
  }
  func.func @transform_7(%arg0: i32) -> (i32, i32) {
    %c0_i32 = arith.constant 0 : i32
    %c0_i32_0 = arith.constant 0 : i32
    return %arg0, %c0_i32 : i32, i32
  }
}

module attributes {stable_mosaic.version = 14 : i64} {
  func.func @_tcC_body(%arg0: i32, %arg1: memref<1000x64xbf16, #tpu.memory_space<vmem>>, %arg2: memref<1000x64xbf16, #tpu.memory_space<vmem>>, %arg3: memref<1000x64xf32, #tpu.memory_space<vmem>>, %arg4: memref<1000x1xf32, #tpu.memory_space<vmem>>, %arg5: memref<1x64xf32, #tpu.memory_space<vmem>>, %arg6: memref<64x32xf32, #tpu.memory_space<vmem>>, %arg7: memref<1x32xf32, #tpu.memory_space<vmem>>, %arg8: memref<32x2xf32, #tpu.memory_space<vmem>>, %arg9: memref<1x2xf32, #tpu.memory_space<vmem>>, %arg10: memref<1000x2xf32, #tpu.memory_space<vmem>>, %arg11: memref<1x1xf32, #tpu.memory_space<vmem>>, %arg12: memref<2xf32, #tpu.memory_space<smem>>) attributes {dimension_semantics = [#tpu.dimension_semantics<arbitrary>], iteration_bounds = array<i64: 10>, scalar_prefetch = 0 : i64, scratch_operands = 1 : i64, tpu.core_type = #tpu.core_type<tc>, window_params = [{transform_indices = @transform_0, window_bounds = array<i64: 1000, 64>}, {transform_indices = @transform_1, window_bounds = array<i64: 1000, 64>}, {transform_indices = @transform_2, window_bounds = array<i64: 1000, 64>}, {transform_indices = @transform_3, window_bounds = array<i64: 1000, 1>}, {pipeline_mode = #tpu.pipeline_mode<synchronous>, transform_indices = @transform_4, window_bounds = array<i64: 1, 64>}, {pipeline_mode = #tpu.pipeline_mode<synchronous>, transform_indices = @transform_5, window_bounds = array<i64: 64, 32>}, {pipeline_mode = #tpu.pipeline_mode<synchronous>, transform_indices = @transform_6, window_bounds = array<i64: 1, 32>}, {pipeline_mode = #tpu.pipeline_mode<synchronous>, transform_indices = @transform_7, window_bounds = array<i64: 32, 2>}, {pipeline_mode = #tpu.pipeline_mode<synchronous>, transform_indices = @transform_8, window_bounds = array<i64: 1, 2>}, {transform_indices = @transform_9, window_bounds = array<i64: 1000, 2>}, {pipeline_mode = #tpu.pipeline_mode<synchronous>, transform_indices = @transform_10, window_bounds = array<i64: 1, 1>}]} {
    %get3A = arith.constant 0 : index
    %get3A_0 = arith.constant 0 : index
    %get3A_1 = vector.load %arg1[%get3A, %get3A_0] : memref<1000x64xbf16, #tpu.memory_space<vmem>>, vector<1000x64xbf16>
    %convert_element_type3A = arith.extf %get3A_1 : vector<1000x64xbf16> to vector<1000x64xf32>
    %get3A_2 = arith.constant 0 : index
    %get3A_3 = arith.constant 0 : index
    %get3A_4 = vector.load %arg2[%get3A_2, %get3A_3] : memref<1000x64xbf16, #tpu.memory_space<vmem>>, vector<1000x64xbf16>
    %convert_element_type3A_5 = arith.extf %get3A_4 : vector<1000x64xbf16> to vector<1000x64xf32>
    %add3A = arith.addf %convert_element_type3A, %convert_element_type3A_5 : vector<1000x64xf32>
    %get3A_6 = arith.constant 0 : index
    %get3A_7 = arith.constant 0 : index
    %get3A_8 = vector.load %arg4[%get3A_6, %get3A_7] : memref<1000x1xf32, #tpu.memory_space<vmem>>, vector<1000x1xf32>
    %get3A_9 = arith.constant 0 : index
    %get3A_10 = arith.constant 0 : index
    %get3A_11 = vector.load %arg3[%get3A_9, %get3A_10] : memref<1000x64xf32, #tpu.memory_space<vmem>>, vector<1000x64xf32>
    %add3A_12 = arith.addf %add3A, %get3A_11 : vector<1000x64xf32>
    %mul3A = vector.broadcast %get3A_8 : vector<1000x1xf32> to vector<1000x64xf32>
    %mul3A_13 = arith.mulf %mul3A, %add3A_12 : vector<1000x64xf32>
    %get3A_14 = arith.constant 0 : index
    %get3A_15 = arith.constant 0 : index
    %get3A_16 = vector.load %arg5[%get3A_14, %get3A_15] : memref<1x64xf32, #tpu.memory_space<vmem>>, vector<1x64xf32>
    %add3A_17 = vector.broadcast %get3A_16 : vector<1x64xf32> to vector<1000x64xf32>
    %add3A_18 = arith.addf %mul3A_13, %add3A_17 : vector<1000x64xf32>
    %get3A_19 = arith.constant 0 : index
    %get3A_20 = arith.constant 0 : index
    %get3A_21 = vector.load %arg6[%get3A_19, %get3A_20] : memref<64x32xf32, #tpu.memory_space<vmem>>, vector<64x32xf32>
    %dot_general3A = arith.constant dense<0.000000e+00> : vector<1000x32xf32>
    %dot_general3A_22 = tpu.matmul %add3A_18, %get3A_21, %dot_general3A {dimension_numbers = #tpu.dot_dimension_numbers<[1], [0], [0], [1], [0, 0, 1, 1], [], []>, transpose_lhs_hint = false} : vector<1000x64xf32>, vector<64x32xf32>, vector<1000x32xf32> -> vector<1000x32xf32>
    %get3A_23 = arith.constant 0 : index
    %get3A_24 = arith.constant 0 : index
    %get3A_25 = vector.load %arg7[%get3A_23, %get3A_24] : memref<1x32xf32, #tpu.memory_space<vmem>>, vector<1x32xf32>
    %add3A_26 = vector.broadcast %get3A_25 : vector<1x32xf32> to vector<1000x32xf32>
    %add3A_27 = arith.addf %dot_general3A_22, %add3A_26 : vector<1000x32xf32>
    %tanh3A = math.tanh %add3A_27 : vector<1000x32xf32>
    %get3A_28 = arith.constant 0 : index
    %get3A_29 = arith.constant 0 : index
    %get3A_30 = vector.load %arg8[%get3A_28, %get3A_29] : memref<32x2xf32, #tpu.memory_space<vmem>>, vector<32x2xf32>
    %dot_general3A_31 = arith.constant dense<0.000000e+00> : vector<1000x2xf32>
    %dot_general3A_32 = tpu.matmul %tanh3A, %get3A_30, %dot_general3A_31 {dimension_numbers = #tpu.dot_dimension_numbers<[1], [0], [0], [1], [0, 0, 1, 1], [], []>, transpose_lhs_hint = false} : vector<1000x32xf32>, vector<32x2xf32>, vector<1000x2xf32> -> vector<1000x2xf32>
    %get3A_33 = arith.constant 0 : index
    %get3A_34 = arith.constant 0 : index
    %get3A_35 = vector.load %arg9[%get3A_33, %get3A_34] : memref<1x2xf32, #tpu.memory_space<vmem>>, vector<1x2xf32>
    %add3A_36 = vector.broadcast %get3A_35 : vector<1x2xf32> to vector<1000x2xf32>
    %add3A_37 = arith.addf %dot_general3A_32, %add3A_36 : vector<1000x2xf32>
    %reduce_max3A = arith.constant dense<0xFF800000> : vector<1000xf32>
    %reduce_max3A_38 = vector.multi_reduction <maximumf>, %add3A_37, %reduce_max3A [1] : vector<1000x2xf32> to vector<1000xf32>
    %broadcast_in_dim3A = vector.shape_cast %reduce_max3A_38 : vector<1000xf32> to vector<1000x1xf32>
    %sub3A = vector.broadcast %broadcast_in_dim3A : vector<1000x1xf32> to vector<1000x2xf32>
    %sub3A_39 = arith.subf %add3A_37, %sub3A : vector<1000x2xf32>
    %exp3A = math.exp %sub3A_39 : vector<1000x2xf32>
    %reduce_sum3A = arith.constant dense<0.000000e+00> : vector<1000xf32>
    %reduce_sum3A_40 = vector.multi_reduction <add>, %exp3A, %reduce_sum3A [1] : vector<1000x2xf32> to vector<1000xf32>
    %broadcast_in_dim3A_41 = vector.shape_cast %reduce_sum3A_40 : vector<1000xf32> to vector<1000x1xf32>
    %div3A = vector.broadcast %broadcast_in_dim3A_41 : vector<1000x1xf32> to vector<1000x2xf32>
    %div3A_42 = arith.divf %exp3A, %div3A : vector<1000x2xf32>
    %swap3A = arith.constant 0 : index
    %swap3A_43 = arith.constant 0 : index
    %swap3A_44 = vector.load %arg10[%swap3A, %swap3A_43] : memref<1000x2xf32, #tpu.memory_space<vmem>>, vector<1000x2xf32>
    tpu.vector_store %arg10[%swap3A, %swap3A_43], %div3A_42 {strides = array<i32>} : memref<1000x2xf32, #tpu.memory_space<vmem>>, vector<1000x2xf32>,
    %sub3A_45 = arith.constant 5.000000e-01 : f32
    %sub3A_46 = vector.broadcast %sub3A_45 : f32 to vector<1000x2xf32>
    %sub3A_47 = arith.subf %div3A_42, %sub3A_46 : vector<1000x2xf32>
    %reduce_sum3A_48 = vector.shape_cast %sub3A_47 : vector<1000x2xf32> to vector<1x1000x2xf32>
    %reduce_sum3A_49 = arith.constant dense<0.000000e+00> : vector<1xf32>
    %reduce_sum3A_50 = vector.multi_reduction <add>, %reduce_sum3A_48, %reduce_sum3A_49 [1, 2] : vector<1x1000x2xf32> to vector<1xf32>
    %reduce_sum3A_51 = vector.shape_cast %reduce_sum3A_50 : vector<1xf32> to vector<1x1x1xf32>
    %reduce_sum3A_52 = vector.extract %reduce_sum3A_51[0, 0, 0] : f32 from vector<1x1x1xf32>
    %mul3A_53 = arith.mulf %sub3A_47, %sub3A_47 : vector<1000x2xf32>
    %reduce_sum3A_54 = vector.shape_cast %mul3A_53 : vector<1000x2xf32> to vector<1x1000x2xf32>
    %reduce_sum3A_55 = arith.constant dense<0.000000e+00> : vector<1xf32>
    %reduce_sum3A_56 = vector.multi_reduction <add>, %reduce_sum3A_54, %reduce_sum3A_55 [1, 2] : vector<1x1000x2xf32> to vector<1xf32>
    %reduce_sum3A_57 = vector.shape_cast %reduce_sum3A_56 : vector<1xf32> to vector<1x1x1xf32>
    %reduce_sum3A_58 = vector.extract %reduce_sum3A_57[0, 0, 0] : f32 from vector<1x1x1xf32>
    %eq3A = arith.constant 0 : i32
    %eq3A_59 = arith.cmpi eq, %arg0, %eq3A : i32
    %convert_element_type3A_60 = arith.extui %eq3A_59 : i1 to i32
    %cond3A = arith.constant 0 : i32
    %cond3A_61 = arith.cmpi ne, %convert_element_type3A_60, %cond3A : i32
    scf.if %cond3A_61 {
      %swap3A_71 = arith.constant 0 : index
      %swap3A_72 = memref.load %arg12[%swap3A_71] : memref<2xf32, #tpu.memory_space<smem>>
      memref.store %reduce_sum3A_52, %arg12[%swap3A_71] : memref<2xf32, #tpu.memory_space<smem>>
      %swap3A_73 = arith.constant 1 : index
      %swap3A_74 = memref.load %arg12[%swap3A_73] : memref<2xf32, #tpu.memory_space<smem>>
      memref.store %reduce_sum3A_58, %arg12[%swap3A_73] : memref<2xf32, #tpu.memory_space<smem>>
    } else {
    }
    %gt3A = arith.constant 0 : i32
    %gt3A_62 = arith.cmpi sgt, %arg0, %gt3A : i32
    %convert_element_type3A_63 = arith.extui %gt3A_62 : i1 to i32
    %cond3A_64 = arith.constant 0 : i32
    %cond3A_65 = arith.cmpi ne, %convert_element_type3A_63, %cond3A_64 : i32
    scf.if %cond3A_65 {
      %get3A_71 = arith.constant 0 : index
      %get3A_72 = memref.load %arg12[%get3A_71] : memref<2xf32, #tpu.memory_space<smem>>
      %add3A_73 = arith.addf %get3A_72, %reduce_sum3A_52 : f32
      %swap3A_74 = arith.constant 0 : index
      %swap3A_75 = memref.load %arg12[%swap3A_74] : memref<2xf32, #tpu.memory_space<smem>>
      memref.store %add3A_73, %arg12[%swap3A_74] : memref<2xf32, #tpu.memory_space<smem>>
      %get3A_76 = arith.constant 1 : index
      %get3A_77 = memref.load %arg12[%get3A_76] : memref<2xf32, #tpu.memory_space<smem>>
      %add3A_78 = arith.addf %get3A_77, %reduce_sum3A_58 : f32
      %swap3A_79 = arith.constant 1 : index
      %swap3A_80 = memref.load %arg12[%swap3A_79] : memref<2xf32, #tpu.memory_space<smem>>
      memref.store %add3A_78, %arg12[%swap3A_79] : memref<2xf32, #tpu.memory_space<smem>>
    } else {
    }
    %eq3A_66 = arith.constant 9 : i32
    %eq3A_67 = arith.cmpi eq, %arg0, %eq3A_66 : i32
    %convert_element_type3A_68 = arith.extui %eq3A_67 : i1 to i32
    %cond3A_69 = arith.constant 0 : i32
    %cond3A_70 = arith.cmpi ne, %convert_element_type3A_68, %cond3A_69 : i32
    scf.if %cond3A_70 {
      %get3A_71 = arith.constant 1 : index
      %get3A_72 = memref.load %arg12[%get3A_71] : memref<2xf32, #tpu.memory_space<smem>>
      %get3A_73 = arith.constant 0 : index
      %get3A_74 = memref.load %arg12[%get3A_73] : memref<2xf32, #tpu.memory_space<smem>>
      %get3A_75 = arith.constant 0 : index
      %get3A_76 = memref.load %arg12[%get3A_75] : memref<2xf32, #tpu.memory_space<smem>>
      %mul3A_77 = arith.mulf %get3A_74, %get3A_76 : f32
      %div3A_78 = arith.constant 2.000000e+04 : f32
      %div3A_79 = arith.divf %mul3A_77, %div3A_78 : f32
      %sub3A_80 = arith.subf %get3A_72, %div3A_79 : f32
      %div3A_81 = arith.constant 1.999900e+04 : f32
      %div3A_82 = arith.divf %sub3A_80, %div3A_81 : f32
      %broadcast_in_dim3A_83 = vector.broadcast %div3A_82 : f32 to vector<1x1xf32>
      %swap3A_84 = arith.constant 0 : index
      %swap3A_85 = arith.constant 0 : index
      %swap3A_86 = vector.load %arg11[%swap3A_84, %swap3A_85] : memref<1x1xf32, #tpu.memory_space<vmem>>, vector<1x1xf32>
      tpu.vector_store %arg11[%swap3A_84, %swap3A_85], %broadcast_in_dim3A_83 {strides = array<i32>} : memref<1x1xf32, #tpu.memory_space<vmem>>, vector<1x1xf32>,
    } else {
    }
    return
  }
  func.func @transform_0(%arg0: i32) -> (i32, i32) {
    %c0_i32 = arith.constant 0 : i32
    %c0_i32_0 = arith.constant 0 : i32
    return %arg0, %c0_i32 : i32, i32
  }
  func.func @transform_1(%arg0: i32) -> (i32, i32) {
    %c0_i32 = arith.constant 0 : i32
    %c0_i32_0 = arith.constant 0 : i32
    return %arg0, %c0_i32 : i32, i32
  }
  func.func @transform_2(%arg0: i32) -> (i32, i32) {
    %c0_i32 = arith.constant 0 : i32
    %c0_i32_0 = arith.constant 0 : i32
    return %arg0, %c0_i32 : i32, i32
  }
  func.func @transform_3(%arg0: i32) -> (i32, i32) {
    %c0_i32 = arith.constant 0 : i32
    %c0_i32_0 = arith.constant 0 : i32
    return %arg0, %c0_i32 : i32, i32
  }
  func.func @transform_4(%arg0: i32) -> (i32, i32) {
    %c0_i32 = arith.constant 0 : i32
    %c0_i32_0 = arith.constant 0 : i32
    %c0_i32_1 = arith.constant 0 : i32
    return %c0_i32, %c0_i32_0 : i32, i32
  }
  func.func @transform_5(%arg0: i32) -> (i32, i32) {
    %c0_i32 = arith.constant 0 : i32
    %c0_i32_0 = arith.constant 0 : i32
    %c0_i32_1 = arith.constant 0 : i32
    return %c0_i32, %c0_i32_0 : i32, i32
  }
  func.func @transform_6(%arg0: i32) -> (i32, i32) {
    %c0_i32 = arith.constant 0 : i32
    %c0_i32_0 = arith.constant 0 : i32
    %c0_i32_1 = arith.constant 0 : i32
    return %c0_i32, %c0_i32_0 : i32, i32
  }
  func.func @transform_7(%arg0: i32) -> (i32, i32) {
    %c0_i32 = arith.constant 0 : i32
    %c0_i32_0 = arith.constant 0 : i32
    %c0_i32_1 = arith.constant 0 : i32
    return %c0_i32, %c0_i32_0 : i32, i32
  }
  func.func @transform_8(%arg0: i32) -> (i32, i32) {
    %c0_i32 = arith.constant 0 : i32
    %c0_i32_0 = arith.constant 0 : i32
    %c0_i32_1 = arith.constant 0 : i32
    return %c0_i32, %c0_i32_0 : i32, i32
  }
  func.func @transform_9(%arg0: i32) -> (i32, i32) {
    %c0_i32 = arith.constant 0 : i32
    %c0_i32_0 = arith.constant 0 : i32
    return %arg0, %c0_i32 : i32, i32
  }
  func.func @transform_10(%arg0: i32) -> (i32, i32) {
    %c0_i32 = arith.constant 0 : i32
    %c0_i32_0 = arith.constant 0 : i32
    %c0_i32_1 = arith.constant 0 : i32
    return %c0_i32, %c0_i32_0 : i32, i32
  }
}

</mosaic_0001>

<sc_bundles>
// kernel: kernel.12.cloned.1.call-start
scs
__scs_entry_jumppad:
0x0: {  	(pc) =	sbr.rel $0x88, $3  }
0x1: {  	(tag) =	ssettag $0x0;
	lr =	simm.s32 $0x1  }
0x2: {  	[smem:$0x3F97] =	sst lr;
	_ =	strace $0xD0000000  }
0x3: {  	_ = 	snop  }
0x4: {  	_ = 	snop  }
0x5: {  	_ = 	snop  }
0x6: {  	_ = 	snop  }
0x7: {  	_ = 	snop  }
__scs_overlays_trampoline_lowered:
0x8: {  	[smem:$0x3FA6] =	sst s0  }
0x9: {  	[smem:$0x3FA7] =	sst s1  }
0xa: {  	[smem:$0x3FA8] =	sst s2  }
0xb: {  	[smem:$0x3FA9] =	sst s3  }
0xc: {  	[smem:$0x3FAA] =	sst s4  }
0xd: {  	[smem:$0x3FAB] =	sst s5  }
0xe: {  	[smem:$0x3FAC] =	sst s6  }
0xf: {  	[smem:$0x3FAD] =	sst s7  }
0x10: {  	[smem:$0x3FAE] =	sst s8  }
0x11: {  	[smem:$0x3FAF] =	sst s9;
	s0 =	simm.s32 @!p0 $0x0  }
0x12: {  	s1 =	sld [smem:$0x3F95];
	s0 =	simm.s32 @p0 $0x1  }
0x13: {  	[smem:$0x3FB0] =	sst s0;
	s0 =	simm.s32 @!p1 $0x0  }
0x14: {  	s2 =	sld [smem:$0x3F94];
	s0 =	simm.s32 @p1 $0x1  }
0x15: {  	[smem:$0x3FB1] =	sst s0;
	s0 =	simm.s32 @!p2 $0x0  }
0x16: {  	s3 =	sld [smem:$0x3FDB];
	s0 =	simm.s32 @p2 $0x1  }
0x17: {  	s4 =	simm.s32 $0x1BF5;
	[smem:$0x3FB3] =	sst s0  }
0x18: {  	s0 =	sld [smem:$0x3F96];
	_ =	swait.ge [sflag:s4], $0x0  }
0x19: {  	s7 =	sld [smem:$0x3F97]  }
0x1a: {  	s8 =	sadd.s32 $0xFFFFE003, lr  }
0x1b: {  	s9 =	sadd.s32 $0xFFFFFEF7, lr;
	s5 =	simm.s32 $0xFFFFFFFF;
	p2 =	slt.u32 s8, $0xFFFFF086  }
0x1c: {  	p1 =	slt.u32 s9, $0xF7A;
	s5 =	simm.s32 @!p2 $0x0  }
0x1d: {  	s5 =	simm.s32 @p1 $0x1;
	p0 =	seq.s32 s7, s2  }
0x1e: {  	s7 =	smul.u32 @!p0 $0xF7A, s2;
	p2 =	seq.s32 @!p0 s5, $0x0  }
0x1f: {  	s9 =	smul.u32 $0xF7A, s1;
	s8 =	simm.s32 @!p0 $0x1BF5;
	p2 =	por !p2, p0  }
0x20: {  	[sflag:s8] =	ssyncset.s32 @!p0 $0xFFFFF086;
	s6 =	sadd.s32 @!p0 s3, s7;
	s7 =	simm.s32 @!p0 $0x108  }
0x21: {  	s3 =	sadd.s32 s3, s9;
	s6 =	sadd.s32 @!p0 $0x88, s6;
	s7 =	simm.s32 @p2 $0x1082  }
0x22: {  	[simem:s7], [sflag:s8] =	dma.local @!p0 [hbm:s6], $0xF7A  }
0x23: {  	s9 =	sor.u32 $0xD0000000, s2;
	s6 =	simm.s32 $0x108;
	_ =	swait.ge @!p0 [sflag:s8], $0x0  }
0x24: {  	s3 =	sadd.s32 $0x88, s3;
	s6 =	simm.s32 @!p1 $0x1082;
	[sflag:s4] =	ssyncset.s32 $0xFFFFF086  }
0x25: {  	[simem:s6], [sflag:s4] =	dma.local [hbm:s3], $0xF7A  }
0x26: {  	[smem:$0x3F97] =	sst s1;
	(tag) =	ssettag s2;
	_ =	strace s9  }
0x27: {  	s1 =	sld [smem:$0x3FA7]  }
0x28: {  	s2 =	sld [smem:$0x3FA8]  }
0x29: {  	s4 =	sld [smem:$0x3FAA]  }
0x2a: {  	p0 =	seq.s32 s5, $0x0;
	s5 =	sld [smem:$0x3FAB]  }
0x2b: {  	s6 =	sld [smem:$0x3FAC]  }
0x2c: {  	s7 =	sld [smem:$0x3FAD]  }
0x2d: {  	s3 =	simm.s32 $0x108;
	s8 =	sld [smem:$0x3FAE]  }
0x2e: {  	s3 =	simm.s32 @!p0 $0x1082;
	s9 =	sld [smem:$0x3FAF]  }
0x2f: {  	lr =	sadd.s32 s0, s3;
	s0 =	sld [smem:$0x3FA6]  }
0x30: {  	s3 =	sld [smem:$0x3FA9]  }
0x31: {  	[smem:$0x3FB2] =	sst s10  }
0x32: {  	s10 =	sld [smem:$0x3FB0];
	_ =	sdelay $0x3  }
0x33: {  	p0 =	seq.s32 s10, $0x1;
	s10 =	sld [smem:$0x3FB2];
	_ =	sdelay $0x3  }
0x34: {  	[smem:$0x3FB2] =	sst s10  }
0x35: {  	s10 =	sld [smem:$0x3FB1];
	_ =	sdelay $0x3  }
0x36: {  	p1 =	seq.s32 s10, $0x1;
	s10 =	sld [smem:$0x3FB2];
	_ =	sdelay $0x3  }
0x37: {  	[smem:$0x3FB2] =	sst s10  }
0x38: {  	s10 =	sld [smem:$0x3FB3]  }
0x39: {  	_ = 	snop;
	(pc) =	sbr.ind lr, $3  }
0x3a: {  	_ = 	snop  }
0x3b: {  	_ = 	snop  }
0x3c: {  	p2 =	seq.s32 s10, $0x1;
	s10 =	sld [smem:$0x3FB2]  }
0x3d: {  	_ =	shalt  }
0x3e: {  	_ =	shalt  }
0x3f: {  	_ =	shalt  }
0x40: {  	_ =	shalt  }
0x41: {  	_ =	shalt  }
0x42: {  	_ =	shalt  }
0x43: {  	_ =	shalt  }
0x44: {  	_ =	shalt  }
0x45: {  	_ =	shalt  }
0x46: {  	_ =	shalt  }
0x47: {  	_ =	shalt  }
0x48: {  	_ =	shalt  }
0x49: {  	_ =	shalt  }
0x4a: {  	_ =	shalt  }
0x4b: {  	_ =	shalt  }
0x4c: {  	_ =	shalt  }
0x4d: {  	_ =	shalt  }
0x4e: {  	_ =	shalt  }
0x4f: {  	_ =	shalt  }
0x50: {  	_ =	shalt  }
0x51: {  	_ =	shalt  }
0x52: {  	_ =	shalt  }
0x53: {  	_ =	shalt  }
0x54: {  	_ =	shalt  }
0x55: {  	_ =	shalt  }
0x56: {  	_ =	shalt  }
0x57: {  	_ =	shalt  }
0x58: {  	_ =	shalt  }
0x59: {  	_ =	shalt  }
0x5a: {  	_ =	shalt  }
0x5b: {  	_ =	shalt  }
0x5c: {  	_ =	shalt  }
0x5d: {  	_ =	shalt  }
0x5e: {  	_ =	shalt  }
0x5f: {  	_ =	shalt  }
0x60: {  	_ =	shalt  }
0x61: {  	_ =	shalt  }
0x62: {  	_ =	shalt  }
0x63: {  	_ =	shalt  }
0x64: {  	_ =	shalt  }
0x65: {  	_ =	shalt  }
0x66: {  	_ =	shalt  }
0x67: {  	_ =	shalt  }
0x68: {  	_ =	shalt  }
0x69: {  	_ =	shalt  }
0x6a: {  	_ =	shalt  }
0x6b: {  	_ =	shalt  }
0x6c: {  	_ =	shalt  }
0x6d: {  	_ =	shalt  }
0x6e: {  	_ =	shalt  }
0x6f: {  	_ =	shalt  }
0x70: {  	_ =	shalt  }
0x71: {  	_ =	shalt  }
0x72: {  	_ =	shalt  }
0x73: {  	_ =	shalt  }
0x74: {  	_ =	shalt  }
0x75: {  	_ =	shalt  }
0x76: {  	_ =	shalt  }
0x77: {  	_ =	shalt  }
0x78: {  	_ =	shalt  }
0x79: {  	_ =	shalt  }
0x7a: {  	_ =	shalt  }
0x7b: {  	_ =	shalt  }
0x7c: {  	_ =	shalt  }
0x7d: {  	_ =	shalt  }
0x7e: {  	_ =	shalt  }
0x7f: {  	_ =	shalt  }
0x80: {  	_ =	shalt  }
0x81: {  	_ =	shalt  }
0x82: {  	_ =	shalt  }
0x83: {  	_ =	shalt  }
0x84: {  	_ =	shalt  }
0x85: {  	_ =	shalt  }
0x86: {  	_ =	shalt  }
0x87: {  	_ =	shalt  }
.Lfunc_end0:
.L_simem_size_0:
called_computation.1_lowered:
.L_overlay_start_0:
0x88: {  	s2 =	sld [smem:$0x3FD9]  }
0x89: {  	s3 =	sld [smem:$0x3FFE];
	_ =	sdelay $0x1  }
0x8a: {  	s1 =	srdreg.scid  }
0x8b: {  	s0 =	sand.u32 $0x1, s1  }
0x8c: {  	s14 =	sshll.u32 s0, $0xA;
	s2 =	sadd.s32 s3, s2  }
0x8d: {  	s2 =	sadd.s32 s2, s14  }
0x8e: {  	[smem:$0x3FBE] =	sst s2  }
0x8f: {  	_ = 	snop  }
0x90: {  	s2 =	sld [smem:$0x3FD0];
	_ =	sdelay $0x2  }
0x91: {  	s15 =	simm.s32 $0xA;
	s4 =	simm.s32 $0x10  }
0x92: {  	[smem:s4], [sflag:s15] =	dma.local [hbm:s2], $0x1  }
0x93: {  	_ =	swait.eq [sflag:s15], $0x1  }
0x94: {  	[sflag:s15] =	ssyncset.done $0x0  }
0x95: {  	[sflag:s15] =	ssyncadd.s32 $0xFFFFFFFF  }
0x96: {  	s16 =	sld [smem:$0x10];
	(tm) =	ssettm $0x1  }
0x97: {  	s17 =	sld [smem:$0x3FFB];
	_ =	sdelay $0x3  }
0x98: {  	_ =	strace s17  }
0x99: {  	s3 =	sld [smem:$0x3FFC];
	_ =	sdelay $0x3  }
0x9a: {  	_ =	strace s3  }
0x9b: {  	s3 =	sld [smem:$0x3FFD];
	_ =	sdelay $0x3  }
0x9c: {  	_ =	strace s3  }
0x9d: {  	_ =	strace $0x8FFFFFFF  }
0x9e: {  	s18 =	sld [smem:$0x3FDB];
	_ =	sdelay $0x1  }
0x9f: {  	s19 =	simm.s32 $_scs_section_size  }
0xa0: {  	s5 =	simm.s32 $_size__tile_overlayer_lowered;
	s6 =	simm.s32 $_tile_overlayer_lowered  }
0xa1: {  	s22 =	simm.s32 $0x1BFF;
	s21 =	sshll.u32 s6, $0x1;
	s3 =	sadd.s32 s19, s18  }
0xa2: {  	s7 =	simm.s32 $0x0;
	s20 =	sshll.u32 s5, $0x1;
	s5 =	sadd.s32 s21, s3  }
0xa3: {  	[timem:s7], [sflag:s22] =	dma.local [hbm:s5], s20  }
0xa4: {  	_ =	swait.ge [sflag:s22], s20  }
0xa5: {  	s4 =	ssub.s32 $0x0, s20;
	[sflag:s22] =	ssyncset.done $0x0  }
0xa6: {  	[sflag:s22] =	ssyncadd.s32 s4;
	_ =	sdelay $0x1  }
0xa7: {  	s23 =	simm.s32 $0x1B8B  }
0xa8: {  	_ =	swait.ge [sflag:s23], $0x1  }
0xa9: {  	[sflag:s23] =	ssyncset.done $0x0  }
0xaa: {  	s25 =	simm.s32 $0x1B8E;
	s24 =	sld [smem:$0x3FFE];
	[sflag:s23] =	ssyncadd.s32 $0xFFFFFFFF  }
0xab: {  	s26 =	simm.s32 $execute0_lowered;
	[smem:$0x3FD2] =	sst s25  }
0xac: {  	s5 =	sshll.u32 s26, $0x1;
	_ =	strace $0x80000049;
	[dreg:$0x1] =	wrdreg $0xFFFFFFFF  }
0xad: {  	s28 =	simm.s32 $_size_execute0_lowered;
	s3 =	sadd.s32 s3, s5;
	[dreg:$0x0] =	wrdreg $0x0  }
0xae: {  	s5 =	sshll.u32 s28, $0x1;
	[dreg:$0x2] =	wrdreg s3  }
0xaf: {  	[dreg:$0x3] =	wrdreg s5  }
0xb0: {  	[dreg:$0x4] =	wrdreg $0xC0  }
0xb1: {  	_ =	task [dreg:s7], $0x5FFFF  }
0xb2: {  	[dreg:$0x1] =	wrdreg $0xFFFFFFFF  }
0xb3: {  	[dreg:$0x0] =	wrdreg $0x60  }
0xb4: {  	[dreg:$0x2] =	wrdreg s24  }
0xb5: {  	[dreg:$0x3] =	wrdreg s16  }
0xb6: {  	[dreg:$0x4] =	wrdreg $0xC6200  }
0xb7: {  	[dreg:$0x5] =	wrdreg $0x9  }
0xb8: {  	_ =	task.clear_ibuf [dreg:s7], $0x6FFFF;
	_ =	strace $0x90000049  }
0xb9: {  	s29 =	simm.s32 $0x9;
	_ =	strace $0x8000004B  }
0xba: {  	_ =	swait.ge [sflag:s29], $0x1  }
0xbb: {  	[sflag:s29] =	ssyncadd.s32 $0xFFFFFFFF  }
0xbc: {  	_ =	strace $0x9000004B  }
0xbd: {  	_ =	sfence  }
0xbe: {  	s30 =	sld [smem:$0x0];
	_ =	sdelay $0x2  }
0xbf: {  	s31 =	sshll.u32 s1, $0xD;
	s1 =	sshrl.u32 s1, $0x2  }
0xc0: {  	s3 =	sand.u32 $0x4000, s31;
	s1 =	sadd.s32 s1, s30  }
0xc1: {  	s0 =	sor.u32 s3, s0;
	s1 =	sshll.u32 s1, $0x11  }
0xc2: {  	s0 =	sor.u32 s1, s0  }
0xc3: {  	s0 =	sadd.s32 $0x8F2B, s0  }
0xc4: {  	[sflag:s0] =	ssyncadd.remote.s32 $0x1  }
0xc5: {  	_ =	sfence.sel $0xFFFF  }
0xc6: {  	[dreg:$0x0] =	wrdreg $0xFFFFFFFF;
	(pc) =	sbr.abs _section_cstart, $3  }
0xc7: {  	[dreg:$0x1] =	wrdreg $0xFFFFFFFF  }
0xc8: {  	_ =	task.clear_ibuf [dreg:s7], $0x2FFFF;
	_ =	strace $0x9FFFFFFF  }
0xc9: {  	(tm) =	ssettm $0x7FFFFFFF  }
tec
execute0_lowered:
.L_overlay_start_1:
0x0: {  	(tag) =	ssettag $0x1  }
0x1: {  	s0 =	srdreg.scid  }
0x2: {  	s7 =	rddreg [dreg:$0x0];
	s1 =	simm.s32 $0x0;
	s23 =	stileid.u32  }
0x3: {  	s0 =	sand.u32 $0x1, s0;
	[smem:$0x7FF] =	sst s1;
	s9 =	sadd.s32 $0x51E00, s7  }
0x4: {  	s12 =	sor.u32 $0x10, s23;
	s14 =	sor.u32 $0x20, s23;
	s15 =	sor.u32 $0x30, s23  }
0x5: {  	s16 =	sor.u32 $0x40, s23;
	s2 =	sshll.u32 s0, $0x4;
	s11 =	smul.u32 $0x138800, s0  }
0x6: {  	s3 =	ssub.s32 $0x2, s0;
	s0 =	smul.u32 $0x2800, s23;
	s2 =	sor.u32 s23, s2  }
0x7: {  	s17 =	sor.u32 $0x50, s23;
	s18 =	sor.u32 $0x60, s23;
	s8 =	smul.u32 $0x2710, s2  }
0x8: {  	s19 =	sor.u32 $0x70, s23;
	s20 =	sshrl.u32 s3, $0x1;
	s2 =	smul.u32 $0x2800, s12  }
0x9: {  	p0 =	sgt.u32 s19, $0x7C;
	s10 =	ssub.s32 s3, s20;
	s3 =	smul.u32 $0x2800, s14  }
0xa: {  	s4 =	sadd.s32 s11, s0;
	s12 =	smul.u32 $0x5000, s12;
	s0 =	sshrl.u32 s0, $0x1  }
0xb: {  	s5 =	sshrl.u32 s4, $0x4;
	s4 =	smul.u32 $0x2800, s15;
	s6 =	sadd.s32 s11, s2  }
0xc: {  	s5 =	sadd.s32 s9, s5;
	s21 =	sadd.s32 s11, s3;
	s8 =	sshrl.u32 s8, $0x3  }
0xd: {  	s2 =	sshrl.u32 s2, $0x1;
	[dreg:$0x4] =	wrdreg s5;
	s13 =	sshrl.u32 s6, $0x4  }
0xe: {  	s20 =	sadd.s32 s11, s4;
	s5 =	smul.u32 $0x2800, s16;
	s21 =	sshrl.u32 s21, $0x4  }
0xf: {  	s6 =	smul.u32 $0x2800, s17;
	s8 =	sadd.s32 s8, s7;
	s13 =	sadd.s32 s9, s13  }
0x10: {  	s20 =	sshrl.u32 s20, $0x4;
	s22 =	sadd.s32 s9, s21;
	[dreg:$0x5] =	wrdreg s13  }
0x11: {  	s21 =	smul.u32 $0x2800, s18;
	[dreg:$0x6] =	wrdreg s22;
	s24 =	sadd.s32 s9, s20  }
0x12: {  	s25 =	sadd.s32 s11, s5;
	s26 =	sadd.s32 s11, s6;
	s22 =	smul.u32 $0x2800, s19  }
0x13: {  	[dreg:$0x7] =	wrdreg s24;
	s13 =	sshrl.u32 s25, $0x4;
	s20 =	sshrl.u32 s26, $0x4  }
0x14: {  	s29 =	sadd.s32 s11, s21;
	s24 =	smul.u32 $0x5000, s23;
	s25 =	smax.u32 s10, $0x1  }
0x15: {  	s26 =	smul.u32 $0x5000, s14;
	s23 =	sshrl.u32 s3, $0x1;
	s3 =	simm.s32 $0x1  }
0x16: {  	s13 =	sadd.s32 s9, s13;
	s28 =	sadd.s32 s9, s20;
	s11 =	sadd.s32 s11, s22  }
0x17: {  	s20 =	sadd.s32 $0x3800, s8;
	s8 =	sadd.s32 $0xD440, s8;
	[dreg:$0x8] =	wrdreg s13  }
0x18: {  	[dreg:$0x9] =	wrdreg s28;
	s13 =	sshrl.u32 s29, $0x4;
	s28 =	smul.u32 $0x5000, s15  }
0x19: {  	s30 =	sshrl.u32 s11, $0x4;
	s11 =	rddreg [dreg:$0x2];
	s15 =	smul.u32 $0x5000, s18  }
0x1a: {  	s13 =	sadd.s32 s9, s13;
	s9 =	sadd.s32 s9, s30;
	s30 =	smul.u32 $0x5000, s16  }
0x1b: {  	s16 =	smul.u32 $0x5000, s19;
	s0 =	sadd.s32 s0, s11;
	[dreg:$0xa] =	wrdreg s13  }
0x1c: {  	[dreg:$0xb] =	wrdreg s9;
	s13 =	sadd.s32 $0x3E400, s7;
	s7 =	sshrl.u32 s24, $0x2  }
0x1d: {  	s9 =	sshrl.u32 s12, $0x2;
	s10 =	sshrl.u32 s28, $0x2;
	s12 =	smul.u32 $0x5000, s17  }
0x1e: {  	s24 =	sshrl.u32 s4, $0x1;
	_ =	strace $0x8000004A;
	[dreg:$0xc] =	wrdreg s20  }
0x1f: {  	s28 =	sshrl.u32 s6, $0x1;
	s4 =	simm.s32 $0x2;
	[dreg:$0xd] =	wrdreg s8  }
0x20: {  	s6 =	simm.s32 $0x6220;
	[dreg:$0xe] =	wrdreg s25;
	s7 =	sadd.s32 s7, s11  }
0x21: {  	s29 =	sadd.s32 s9, s11;
	s8 =	sshrl.u32 s26, $0x2;
	s14 =	sadd.s32 s10, s11  }
0x22: {  	s19 =	sshrl.u32 s16, $0x2;
	[dreg:$0x17] =	wrdreg s0;
	s20 =	sadd.s32 s2, s11  }
0x23: {  	s0 =	sadd.s32 s23, s11;
	s25 =	sshrl.u32 s5, $0x1;
	s31 =	sadd.s32 s28, s11  }
0x24: {  	s9 =	simm.s32 $0x4E20;
	s2 =	simm.s32 $0xD;
	[dreg:$0xf] =	wrdreg s7  }
0x25: {  	s5 =	simm.s32 $0x50;
	s10 =	simm.s32 $0x8A20;
	[dreg:$0x10] =	wrdreg s29  }
0x26: {  	s16 =	simm.s32 $0x4;
	s23 =	simm.s32 $0xB;
	[dreg:$0x12] =	wrdreg s14  }
0x27: {  	s8 =	sadd.s32 s8, s11;
	s7 =	sshrl.u32 s30, $0x2;
	[dreg:$0x18] =	wrdreg s20  }
0x28: {  	s17 =	sshrl.u32 s12, $0x2;
	[dreg:$0x19] =	wrdreg s0;
	s0 =	sadd.s32 s24, s11  }
0x29: {  	s26 =	sadd.s32 s25, s11;
	s29 =	sshrl.u32 s21, $0x1;
	s30 =	sshrl.u32 s22, $0x1  }
0x2a: {  	s12 =	simm.s32 $0x9E20;
	s14 =	simm.s32 $0xB220;
	s20 =	simm.s32 $0x8  }
0x2b: {  	s21 =	simm.s32 $0x9;
	s22 =	simm.s32 $0xA;
	[dreg:$0x11] =	wrdreg s8  }
0x2c: {  	s24 =	simm.s32 $0xC;
	s25 =	simm.s32 $0xE;
	[dreg:$0x1a] =	wrdreg s0  }
0x2d: {  	s7 =	sadd.s32 s7, s11;
	s8 =	sshrl.u32 s15, $0x2;
	[dreg:$0x1b] =	wrdreg s26  }
0x2e: {  	s0 =	sadd.s32 s30, s11;
	s15 =	simm.s32 $0x3;
	s26 =	simm.s32 $0x0  }
0x2f: {  	[dreg:$0x13] =	wrdreg s7;
	s7 =	sadd.s32 s17, s11;
	s18 =	sadd.s32 s8, s11  }
0x30: {  	s8 =	sadd.s32 s29, s11;
	s17 =	simm.s32 $0x5;
	[dreg:$0x14] =	wrdreg s7  }
0x31: {  	[dreg:$0x15] =	wrdreg s18;
	s7 =	sadd.s32 s19, s11;
	s18 =	simm.s32 $0x6  }
0x32: {  	s19 =	simm.s32 $0x7;
	[dreg:$0x16] =	wrdreg s7;
	s7 =	simm.s32 $0x7620  }
.LBB2_1:
0x33: {  	s28 =	rddreg [dreg:$0xc]  }
0x34: {  	[tilespmem:s1], [sflag:$0x1] =	stream.linear.gather [hbm4b:s28+s1], $0x2710, $0x38;
	[tilespmem:$0x16260] =	vst v63  }
0x35: {  	s29 =	simm.s32 $0x2710;
	s28 =	rddreg [dreg:$0xd]  }
0x36: {  	[tilespmem:s29], [sflag:$0x2] =	stream.linear.gather [hbm4b:s28+s1], $0x2710, $0x38;
	[tilespmem:$0x16260] =	vst v63  }
0x37: {  	s28 =	rddreg [dreg:$0x1]  }
0x38: {  	[tilespmem:s9], [sflag:$0xD] =	stream.linear.gather [hbm4b:s28+s1], $0x1400, $0x38;
	[tilespmem:$0x16260] =	vst v63  }
0x39: {  	_ =	swait.ge [sflag:s2], $0x1400  }
0x3a: {  	[sflag:s2] =	ssyncset.done $0x0  }
0x3b: {  	s28 =	rddreg [dreg:$0xf];
	[sflag:s2] =	ssyncadd.s32 $0xFFFFEC00  }
0x3c: {  	[spmem:s28] =	stream.linear.scatter [tilespmem:s9], [sflag:$0xD], $0x1400, $0x38;
	[tilespmem:$0x16260] =	vst v63  }
0x3d: {  	_ =	swait.ge [sflag:s2], $0x1400  }
0x3e: {  	[sflag:s2] =	ssyncset.done $0x0  }
0x3f: {  	s28 =	rddreg [dreg:$0x10];
	[sflag:s2] =	ssyncadd.s32 $0xFFFFEC00  }
0x40: {  	[spmem:s28] =	stream.linear.scatter [tilespmem:s9], [sflag:$0xD], $0x1400, $0x38;
	[tilespmem:$0x16260] =	vst v63  }
0x41: {  	_ =	swait.ge [sflag:s2], $0x1400  }
0x42: {  	[sflag:s2] =	ssyncset.done $0x0  }
0x43: {  	s28 =	rddreg [dreg:$0x11];
	[sflag:s2] =	ssyncadd.s32 $0xFFFFEC00  }
0x44: {  	[spmem:s28] =	stream.linear.scatter [tilespmem:s9], [sflag:$0xD], $0x1400, $0x38;
	[tilespmem:$0x16260] =	vst v63  }
0x45: {  	_ =	swait.ge [sflag:s2], $0x1400  }
0x46: {  	[sflag:s2] =	ssyncset.done $0x0  }
0x47: {  	s28 =	rddreg [dreg:$0x12];
	[sflag:s2] =	ssyncadd.s32 $0xFFFFEC00  }
0x48: {  	[spmem:s28] =	stream.linear.scatter [tilespmem:s9], [sflag:$0xD], $0x1400, $0x38;
	[tilespmem:$0x16260] =	vst v63  }
0x49: {  	_ =	swait.ge [sflag:s2], $0x1400  }
0x4a: {  	[sflag:s2] =	ssyncset.done $0x0  }
0x4b: {  	s28 =	rddreg [dreg:$0x13];
	[sflag:s2] =	ssyncadd.s32 $0xFFFFEC00  }
0x4c: {  	[spmem:s28] =	stream.linear.scatter [tilespmem:s9], [sflag:$0xD], $0x1400, $0x38;
	[tilespmem:$0x16260] =	vst v63  }
0x4d: {  	_ =	swait.ge [sflag:s2], $0x1400  }
0x4e: {  	[sflag:s2] =	ssyncset.done $0x0  }
0x4f: {  	s28 =	rddreg [dreg:$0x14];
	[sflag:s2] =	ssyncadd.s32 $0xFFFFEC00  }
0x50: {  	[spmem:s28] =	stream.linear.scatter [tilespmem:s9], [sflag:$0xD], $0x1400, $0x38;
	[tilespmem:$0x16260] =	vst v63  }
0x51: {  	_ =	swait.ge [sflag:s2], $0x1400  }
0x52: {  	[sflag:s2] =	ssyncset.done $0x0  }
0x53: {  	s28 =	rddreg [dreg:$0x15];
	[sflag:s2] =	ssyncadd.s32 $0xFFFFEC00  }
0x54: {  	[spmem:s28] =	stream.linear.scatter [tilespmem:s9], [sflag:$0xD], $0x1400, $0x38;
	[tilespmem:$0x16260] =	vst v63  }
0x55: {  	_ =	swait.ge [sflag:s2], $0x1400  }
0x56: {  	[sflag:s2] =	ssyncset.done $0x0  }
0x57: {  	s28 =	simm.s32 @!p0 $0x4E20;
	s29 =	rddreg [dreg:$0x16];
	[sflag:s2] =	ssyncadd.s32 $0xFFFFEC00  }
0x58: {  	[spmem:s29] =	stream.linear.scatter @!p0 [tilespmem:s28], [sflag:$0xD], $0x1400, $0x38;
	[tilespmem:$0x16260] =	vst v63  }
0x59: {  	s28 =	simm.s32 @!p0 $0xD  }
0x5a: {  	_ =	swait.ge @!p0 [sflag:s28], $0x1400  }
0x5b: {  	[sflag:s28] =	ssyncset.done @!p0 $0x0  }
0x5c: {  	[sflag:s28] =	ssyncadd.s32 @!p0 $0xFFFFEC00  }
0x5d: {  	_ =	swait.ge [sflag:s3], $0x2710  }
0x5e: {  	[sflag:s3] =	ssyncset.done $0x0  }
0x5f: {  	[sflag:s3] =	ssyncadd.s32 $0xFFFFD8F0  }
0x60: {  	_ =	swait.ge [sflag:s4], $0x2710  }
0x61: {  	[sflag:s4] =	ssyncset.done $0x0  }
0x62: {  	[sflag:s4] =	ssyncadd.s32 $0xFFFFD8F0  }
0x63: {  	[bflag:$0x0] =	sbarrier.arrive $0xFFFF  }
0x64: {  	[tilespmem:s9], [sflag:$0x1] =	stream.indirect.gather [hbm4b:s13+s5], $0x40, s1, s5, $0xb8;
	[tilespmem:$0x16260] =	vst v63  }
0x65: {  	_ = 	snop  }
0x66: {  	[tilespmem:s6], [sflag:$0x2] =	stream.indirect.gather [hbm4b:s13+s5], $0x40, s5, s5, $0xb8;
	[tilespmem:$0x16260] =	vst v63  }
0x67: {  	s28 =	simm.s32 $0xA0  }
0x68: {  	[tilespmem:s7], [sflag:$0x3] =	stream.indirect.gather [hbm4b:s13+s5], $0x40, s28, s5, $0xb8;
	[tilespmem:$0x16260] =	vst v63  }
0x69: {  	s28 =	simm.s32 $0xF0  }
0x6a: {  	[tilespmem:s10], [sflag:$0x4] =	stream.indirect.gather [hbm4b:s13+s5], $0x40, s28, s5, $0xb8;
	[tilespmem:$0x16260] =	vst v63  }
0x6b: {  	s28 =	simm.s32 $0x140  }
0x6c: {  	[tilespmem:s12], [sflag:$0x5] =	stream.indirect.gather [hbm4b:s13+s5], $0x40, s28, s5, $0xb8;
	[tilespmem:$0x16260] =	vst v63  }
0x6d: {  	s28 =	simm.s32 $0x190  }
0x6e: {  	[tilespmem:s14], [sflag:$0x6] =	stream.indirect.gather [hbm4b:s13+s5], $0x40, s28, s5, $0xb8;
	[tilespmem:$0x16260] =	vst v63  }
0x6f: {  	_ =	swait.ge [sflag:s3], $0x1400  }
0x70: {  	[sflag:s3] =	ssyncset.done $0x0  }
0x71: {  	s28 =	simm.s32 $0x2710;
	[sflag:s3] =	ssyncadd.s32 $0xFFFFEC00  }
0x72: {  	[spmem:s11] =	stream.indirect.scatter.add.bf16 [tilespmem:s9], [sflag:$0x7], $0x40, s28, s5, $0xb8;
	[tilespmem:$0x16260] =	vst v63  }
0x73: {  	_ =	swait.ge [sflag:s4], $0x1400  }
0x74: {  	[sflag:s4] =	ssyncset.done $0x0  }
0x75: {  	s28 =	simm.s32 $0x2760;
	[sflag:s4] =	ssyncadd.s32 $0xFFFFEC00  }
0x76: {  	[spmem:s11] =	stream.indirect.scatter.add.bf16 [tilespmem:s6], [sflag:$0x8], $0x40, s28, s5, $0xb8;
	[tilespmem:$0x16260] =	vst v63  }
0x77: {  	_ =	swait.ge [sflag:s15], $0x1400  }
0x78: {  	[sflag:s15] =	ssyncset.done $0x0  }
0x79: {  	s28 =	simm.s32 $0x27B0;
	[sflag:s15] =	ssyncadd.s32 $0xFFFFEC00  }
0x7a: {  	[spmem:s11] =	stream.indirect.scatter.add.bf16 [tilespmem:s7], [sflag:$0x9], $0x40, s28, s5, $0xb8;
	[tilespmem:$0x16260] =	vst v63  }
0x7b: {  	_ =	swait.ge [sflag:s16], $0x1400  }
0x7c: {  	[sflag:s16] =	ssyncset.done $0x0  }
0x7d: {  	s28 =	simm.s32 $0x2800;
	[sflag:s16] =	ssyncadd.s32 $0xFFFFEC00  }
0x7e: {  	[spmem:s11] =	stream.indirect.scatter.add.bf16 [tilespmem:s10], [sflag:$0xA], $0x40, s28, s5, $0xb8;
	[tilespmem:$0x16260] =	vst v63  }
0x7f: {  	_ =	swait.ge [sflag:s17], $0x1400  }
0x80: {  	[sflag:s17] =	ssyncset.done $0x0  }
0x81: {  	s28 =	simm.s32 $0x2850;
	[sflag:s17] =	ssyncadd.s32 $0xFFFFEC00  }
0x82: {  	[spmem:s11] =	stream.indirect.scatter.add.bf16 [tilespmem:s12], [sflag:$0xB], $0x40, s28, s5, $0xb8;
	[tilespmem:$0x16260] =	vst v63  }
0x83: {  	_ =	swait.ge [sflag:s18], $0x1400  }
0x84: {  	[sflag:s18] =	ssyncset.done $0x0  }
0x85: {  	s28 =	simm.s32 $0x28A0;
	[sflag:s18] =	ssyncadd.s32 $0xFFFFEC00  }
0x86: {  	[spmem:s11] =	stream.indirect.scatter.add.bf16 [tilespmem:s14], [sflag:$0xC], $0x40, s28, s5, $0xb8;
	[tilespmem:$0x16260] =	vst v63  }
0x87: {  	_ =	swait.ge [sflag:s19], $0x1400  }
0x88: {  	[sflag:s19] =	ssyncset.done $0x0  }
0x89: {  	s28 =	simm.s32 $0x1E0;
	[sflag:s19] =	ssyncadd.s32 $0xFFFFEC00  }
0x8a: {  	[tilespmem:s9], [sflag:$0x1] =	stream.indirect.gather [hbm4b:s13+s5], $0x40, s28, s5, $0xb8;
	[tilespmem:$0x16260] =	vst v63  }
0x8b: {  	_ =	swait.ge [sflag:s20], $0x1400  }
0x8c: {  	[sflag:s20] =	ssyncset.done $0x0  }
0x8d: {  	s28 =	simm.s32 $0x230;
	[sflag:s20] =	ssyncadd.s32 $0xFFFFEC00  }
0x8e: {  	[tilespmem:s6], [sflag:$0x2] =	stream.indirect.gather [hbm4b:s13+s5], $0x40, s28, s5, $0xb8;
	[tilespmem:$0x16260] =	vst v63  }
0x8f: {  	_ =	swait.ge [sflag:s21], $0x1400  }
0x90: {  	[sflag:s21] =	ssyncset.done $0x0  }
0x91: {  	s28 =	simm.s32 $0x280;
	[sflag:s21] =	ssyncadd.s32 $0xFFFFEC00  }
0x92: {  	[tilespmem:s7], [sflag:$0x3] =	stream.indirect.gather [hbm4b:s13+s5], $0x40, s28, s5, $0xb8;
	[tilespmem:$0x16260] =	vst v63  }
0x93: {  	_ =	swait.ge [sflag:s22], $0x1400  }
0x94: {  	[sflag:s22] =	ssyncset.done $0x0  }
0x95: {  	s28 =	simm.s32 $0x2D0;
	[sflag:s22] =	ssyncadd.s32 $0xFFFFEC00  }
0x96: {  	[tilespmem:s10], [sflag:$0x4] =	stream.indirect.gather [hbm4b:s13+s5], $0x40, s28, s5, $0xb8;
	[tilespmem:$0x16260] =	vst v63  }
0x97: {  	_ =	swait.ge [sflag:s23], $0x1400  }
0x98: {  	[sflag:s23] =	ssyncset.done $0x0  }
0x99: {  	s28 =	simm.s32 $0x320;
	[sflag:s23] =	ssyncadd.s32 $0xFFFFEC00  }
0x9a: {  	[tilespmem:s12], [sflag:$0x5] =	stream.indirect.gather [hbm4b:s13+s5], $0x40, s28, s5, $0xb8;
	[tilespmem:$0x16260] =	vst v63  }
0x9b: {  	_ =	swait.ge [sflag:s24], $0x1400  }
0x9c: {  	[sflag:s24] =	ssyncset.done $0x0  }
0x9d: {  	s29 =	simm.s32 $0x370;
	s28 =	simm.s32 $0x780;
	[sflag:s24] =	ssyncadd.s32 $0xFFFFEC00  }
.LBB2_2:
0x9e: {  	[tilespmem:s14], [sflag:$0x6] =	stream.indirect.gather [hbm4b:s13+s5], $0x40, s29, s5, $0xb8;
	[tilespmem:$0x16260] =	vst v63  }
0x9f: {  	s29 =	smov.u32 s28  }
0xa0: {  	p1 =	sne.s32 s28, $0x8700;
	s28 =	sadd.s32 $0x780, s28;
	_ =	swait.ge [sflag:s3], $0x1400  }
0xa1: {  	s29 =	sshra.s32 s29, $0x2;
	[sflag:s3] =	ssyncset.done $0x0  }
0xa2: {  	s30 =	sadd.s32 $0x2710, s29;
	[sflag:s3] =	ssyncadd.s32 $0xFFFFEC00  }
0xa3: {  	[spmem:s11] =	stream.indirect.scatter.add.bf16 [tilespmem:s9], [sflag:$0x7], $0x40, s30, s5, $0xb8;
	[tilespmem:$0x16260] =	vst v63  }
0xa4: {  	_ =	swait.ge [sflag:s4], $0x1400  }
0xa5: {  	[sflag:s4] =	ssyncset.done $0x0  }
0xa6: {  	s30 =	sadd.s32 $0x2760, s29;
	[sflag:s4] =	ssyncadd.s32 $0xFFFFEC00  }
0xa7: {  	[spmem:s11] =	stream.indirect.scatter.add.bf16 [tilespmem:s6], [sflag:$0x8], $0x40, s30, s5, $0xb8;
	[tilespmem:$0x16260] =	vst v63  }
0xa8: {  	_ =	swait.ge [sflag:s15], $0x1400  }
0xa9: {  	[sflag:s15] =	ssyncset.done $0x0  }
0xaa: {  	s30 =	sadd.s32 $0x27B0, s29;
	[sflag:s15] =	ssyncadd.s32 $0xFFFFEC00  }
0xab: {  	[spmem:s11] =	stream.indirect.scatter.add.bf16 [tilespmem:s7], [sflag:$0x9], $0x40, s30, s5, $0xb8;
	[tilespmem:$0x16260] =	vst v63  }
0xac: {  	_ =	swait.ge [sflag:s16], $0x1400  }
0xad: {  	[sflag:s16] =	ssyncset.done $0x0  }
0xae: {  	s30 =	sadd.s32 $0x2800, s29;
	[sflag:s16] =	ssyncadd.s32 $0xFFFFEC00  }
0xaf: {  	[spmem:s11] =	stream.indirect.scatter.add.bf16 [tilespmem:s10], [sflag:$0xA], $0x40, s30, s5, $0xb8;
	[tilespmem:$0x16260] =	vst v63  }
0xb0: {  	_ =	swait.ge [sflag:s17], $0x1400  }
0xb1: {  	[sflag:s17] =	ssyncset.done $0x0  }
0xb2: {  	s30 =	sadd.s32 $0x2850, s29;
	[sflag:s17] =	ssyncadd.s32 $0xFFFFEC00  }
0xb3: {  	[spmem:s11] =	stream.indirect.scatter.add.bf16 [tilespmem:s12], [sflag:$0xB], $0x40, s30, s5, $0xb8;
	[tilespmem:$0x16260] =	vst v63  }
0xb4: {  	_ =	swait.ge [sflag:s18], $0x1400  }
0xb5: {  	[sflag:s18] =	ssyncset.done $0x0  }
0xb6: {  	s30 =	sadd.s32 $0x28A0, s29;
	[sflag:s18] =	ssyncadd.s32 $0xFFFFEC00  }
0xb7: {  	[spmem:s11] =	stream.indirect.scatter.add.bf16 [tilespmem:s14], [sflag:$0xC], $0x40, s30, s5, $0xb8;
	[tilespmem:$0x16260] =	vst v63  }
0xb8: {  	_ =	swait.ge [sflag:s19], $0x1400  }
0xb9: {  	[sflag:s19] =	ssyncset.done $0x0  }
0xba: {  	s30 =	sadd.s32 $0x1E0, s29;
	[sflag:s19] =	ssyncadd.s32 $0xFFFFEC00  }
0xbb: {  	[tilespmem:s9], [sflag:$0x1] =	stream.indirect.gather [hbm4b:s13+s5], $0x40, s30, s5, $0xb8;
	[tilespmem:$0x16260] =	vst v63  }
0xbc: {  	_ =	swait.ge [sflag:s20], $0x1400  }
0xbd: {  	[sflag:s20] =	ssyncset.done $0x0  }
0xbe: {  	s30 =	sadd.s32 $0x230, s29;
	[sflag:s20] =	ssyncadd.s32 $0xFFFFEC00  }
0xbf: {  	[tilespmem:s6], [sflag:$0x2] =	stream.indirect.gather [hbm4b:s13+s5], $0x40, s30, s5, $0xb8;
	[tilespmem:$0x16260] =	vst v63  }
0xc0: {  	_ =	swait.ge [sflag:s21], $0x1400  }
0xc1: {  	[sflag:s21] =	ssyncset.done $0x0  }
0xc2: {  	s30 =	sadd.s32 $0x280, s29;
	[sflag:s21] =	ssyncadd.s32 $0xFFFFEC00  }
0xc3: {  	[tilespmem:s7], [sflag:$0x3] =	stream.indirect.gather [hbm4b:s13+s5], $0x40, s30, s5, $0xb8;
	[tilespmem:$0x16260] =	vst v63  }
0xc4: {  	_ =	swait.ge [sflag:s22], $0x1400  }
0xc5: {  	[sflag:s22] =	ssyncset.done $0x0  }
0xc6: {  	s30 =	sadd.s32 $0x2D0, s29;
	[sflag:s22] =	ssyncadd.s32 $0xFFFFEC00  }
0xc7: {  	[tilespmem:s10], [sflag:$0x4] =	stream.indirect.gather [hbm4b:s13+s5], $0x40, s30, s5, $0xb8;
	[tilespmem:$0x16260] =	vst v63  }
0xc8: {  	_ =	swait.ge [sflag:s23], $0x1400  }
0xc9: {  	[sflag:s23] =	ssyncset.done $0x0  }
.Ltmp0:
0xca: {  	s30 =	sadd.s32 $0x320, s29;
	[sflag:s23] =	ssyncadd.s32 $0xFFFFEC00;
	(pc) =	sbr.rel @p1 .LBB2_2-.Ltmp0, $4  }
0xcb: {  	[tilespmem:s12], [sflag:$0x5] =	stream.indirect.gather [hbm4b:s13+s5], $0x40, s30, s5, $0xb8;
	[tilespmem:$0x16260] =	vst v63  }
0xcc: {  	_ =	swait.ge [sflag:s24], $0x1400  }
0xcd: {  	[sflag:s24] =	ssyncset.done $0x0  }
0xce: {  	s29 =	sadd.s32 $0x370, s29;
	[sflag:s24] =	ssyncadd.s32 $0xFFFFEC00  }
0xcf: {  	[tilespmem:s14], [sflag:$0x6] =	stream.indirect.gather [hbm4b:s13+s5], $0x40, s29, s5, $0xb8;
	[tilespmem:$0x16260] =	vst v63  }
0xd0: {  	_ =	swait.ge [sflag:s3], $0x1400  }
0xd1: {  	[sflag:s3] =	ssyncset.done $0x0  }
0xd2: {  	s28 =	simm.s32 $0x4AB0;
	[sflag:s3] =	ssyncadd.s32 $0xFFFFEC00  }
0xd3: {  	[spmem:s11] =	stream.indirect.scatter.add.bf16 [tilespmem:s9], [sflag:$0x7], $0x40, s28, s5, $0xb8;
	[tilespmem:$0x16260] =	vst v63  }
0xd4: {  	_ =	swait.ge [sflag:s4], $0x1400  }
0xd5: {  	[sflag:s4] =	ssyncset.done $0x0  }
0xd6: {  	s29 =	simm.s32 $0x4B00;
	[sflag:s4] =	ssyncadd.s32 $0xFFFFEC00  }
0xd7: {  	[spmem:s11] =	stream.indirect.scatter.add.bf16 [tilespmem:s6], [sflag:$0x8], $0x40, s29, s5, $0xb8;
	[tilespmem:$0x16260] =	vst v63  }
0xd8: {  	_ =	swait.ge [sflag:s15], $0x1400  }
0xd9: {  	[sflag:s15] =	ssyncset.done $0x0  }
0xda: {  	s30 =	simm.s32 $0x4B50;
	[sflag:s15] =	ssyncadd.s32 $0xFFFFEC00  }
0xdb: {  	[spmem:s11] =	stream.indirect.scatter.add.bf16 [tilespmem:s7], [sflag:$0x9], $0x40, s30, s5, $0xb8;
	[tilespmem:$0x16260] =	vst v63  }
0xdc: {  	_ =	swait.ge [sflag:s16], $0x1400  }
0xdd: {  	[sflag:s16] =	ssyncset.done $0x0  }
0xde: {  	s29 =	simm.s32 $0x4BA0;
	[sflag:s16] =	ssyncadd.s32 $0xFFFFEC00  }
0xdf: {  	[spmem:s11] =	stream.indirect.scatter.add.bf16 [tilespmem:s10], [sflag:$0xA], $0x40, s29, s5, $0xb8;
	[tilespmem:$0x16260] =	vst v63  }
0xe0: {  	_ =	swait.ge [sflag:s17], $0x1400  }
0xe1: {  	[sflag:s17] =	ssyncset.done $0x0  }
0xe2: {  	s30 =	simm.s32 $0x4BF0;
	[sflag:s17] =	ssyncadd.s32 $0xFFFFEC00  }
0xe3: {  	[spmem:s11] =	stream.indirect.scatter.add.bf16 [tilespmem:s12], [sflag:$0xB], $0x40, s30, s5, $0xb8;
	[tilespmem:$0x16260] =	vst v63  }
0xe4: {  	_ =	swait.ge [sflag:s18], $0x1400  }
0xe5: {  	[sflag:s18] =	ssyncset.done $0x0  }
0xe6: {  	s29 =	simm.s32 $0x4C40;
	[sflag:s18] =	ssyncadd.s32 $0xFFFFEC00  }
0xe7: {  	[spmem:s11] =	stream.indirect.scatter.add.bf16 [tilespmem:s14], [sflag:$0xC], $0x40, s29, s5, $0xb8;
	[tilespmem:$0x16260] =	vst v63  }
0xe8: {  	_ =	swait.ge [sflag:s19], $0x1400  }
0xe9: {  	[sflag:s19] =	ssyncset.done $0x0  }
0xea: {  	s30 =	simm.s32 $0x2580;
	[sflag:s19] =	ssyncadd.s32 $0xFFFFEC00  }
0xeb: {  	[tilespmem:s9], [sflag:$0x1] =	stream.indirect.gather [hbm4b:s13+s5], $0x40, s30, s5, $0xb8;
	[tilespmem:$0x16260] =	vst v63  }
0xec: {  	_ =	swait.ge [sflag:s20], $0x1400  }
0xed: {  	[sflag:s20] =	ssyncset.done $0x0  }
0xee: {  	s29 =	simm.s32 $0x25D0;
	[sflag:s20] =	ssyncadd.s32 $0xFFFFEC00  }
0xef: {  	[tilespmem:s6], [sflag:$0x2] =	stream.indirect.gather [hbm4b:s13+s5], $0x40, s29, s5, $0xb8;
	[tilespmem:$0x16260] =	vst v63  }
0xf0: {  	_ =	swait.ge [sflag:s21], $0x1400  }
0xf1: {  	[sflag:s21] =	ssyncset.done $0x0  }
0xf2: {  	s30 =	simm.s32 $0x2620;
	[sflag:s21] =	ssyncadd.s32 $0xFFFFEC00  }
0xf3: {  	[tilespmem:s7], [sflag:$0x3] =	stream.indirect.gather [hbm4b:s13+s5], $0x40, s30, s5, $0xb8;
	[tilespmem:$0x16260] =	vst v63  }
0xf4: {  	_ =	swait.ge [sflag:s22], $0x1400  }
0xf5: {  	[sflag:s22] =	ssyncset.done $0x0  }
0xf6: {  	s29 =	simm.s32 $0x2670;
	[sflag:s22] =	ssyncadd.s32 $0xFFFFEC00  }
0xf7: {  	[tilespmem:s10], [sflag:$0x4] =	stream.indirect.gather [hbm4b:s13+s5], $0x40, s29, s5, $0xb8;
	[tilespmem:$0x16260] =	vst v63  }
0xf8: {  	_ =	swait.ge [sflag:s23], $0x1400  }
0xf9: {  	[sflag:s23] =	ssyncset.done $0x0  }
0xfa: {  	s30 =	simm.s32 $0x26C0;
	[sflag:s23] =	ssyncadd.s32 $0xFFFFEC00  }
0xfb: {  	[tilespmem:s12], [sflag:$0x5] =	stream.indirect.gather [hbm4b:s13+s5], $0x40, s30, s5, $0xb8;
	[tilespmem:$0x16260] =	vst v63  }
0xfc: {  	_ =	swait.ge [sflag:s3], $0x1400  }
0xfd: {  	[sflag:s3] =	ssyncset.done $0x0  }
0xfe: {  	s29 =	simm.s32 $0x4C90;
	[sflag:s3] =	ssyncadd.s32 $0xFFFFEC00  }
0xff: {  	[spmem:s11] =	stream.indirect.scatter.add.bf16 [tilespmem:s9], [sflag:$0x7], $0x40, s29, s5, $0xb8;
	[tilespmem:$0x16260] =	vst v63  }
0x100: {  	_ =	swait.ge [sflag:s4], $0x1400  }
0x101: {  	[sflag:s4] =	ssyncset.done $0x0  }
0x102: {  	s30 =	simm.s32 $0x4CE0;
	[sflag:s4] =	ssyncadd.s32 $0xFFFFEC00  }
0x103: {  	[spmem:s11] =	stream.indirect.scatter.add.bf16 [tilespmem:s6], [sflag:$0x8], $0x40, s30, s5, $0xb8;
	[tilespmem:$0x16260] =	vst v63  }
0x104: {  	_ =	swait.ge [sflag:s15], $0x1400  }
0x105: {  	[sflag:s15] =	ssyncset.done $0x0  }
0x106: {  	s29 =	simm.s32 $0x4D30;
	[sflag:s15] =	ssyncadd.s32 $0xFFFFEC00  }
0x107: {  	[spmem:s11] =	stream.indirect.scatter.add.bf16 [tilespmem:s7], [sflag:$0x9], $0x40, s29, s5, $0xb8;
	[tilespmem:$0x16260] =	vst v63  }
0x108: {  	_ =	swait.ge [sflag:s16], $0x1400  }
0x109: {  	[sflag:s16] =	ssyncset.done $0x0  }
0x10a: {  	s30 =	simm.s32 $0x4D80;
	[sflag:s16] =	ssyncadd.s32 $0xFFFFEC00  }
0x10b: {  	[spmem:s11] =	stream.indirect.scatter.add.bf16 [tilespmem:s10], [sflag:$0xA], $0x40, s30, s5, $0xb8;
	[tilespmem:$0x16260] =	vst v63  }
0x10c: {  	_ =	swait.ge [sflag:s17], $0x1400  }
0x10d: {  	[sflag:s17] =	ssyncset.done $0x0  }
0x10e: {  	s29 =	simm.s32 $0x4DD0;
	[sflag:s17] =	ssyncadd.s32 $0xFFFFEC00  }
0x10f: {  	[spmem:s11] =	stream.indirect.scatter.add.bf16 [tilespmem:s12], [sflag:$0xB], $0x40, s29, s5, $0xb8;
	[tilespmem:$0x16260] =	vst v63  }
0x110: {  	_ =	swait.ge [sflag:s24], $0x1400  }
0x111: {  	[sflag:s24] =	ssyncset.done $0x0  }
0x112: {  	[sflag:s24] =	ssyncadd.s32 $0xFFFFEC00  }
0x113: {  	_ =	swait.ge [sflag:s19], $0x1400  }
0x114: {  	[sflag:s19] =	ssyncset.done $0x0  }
0x115: {  	[sflag:s19] =	ssyncadd.s32 $0xFFFFEC00  }
0x116: {  	_ =	swait.ge [sflag:s20], $0x1400  }
0x117: {  	[sflag:s20] =	ssyncset.done $0x0  }
0x118: {  	[sflag:s20] =	ssyncadd.s32 $0xFFFFEC00  }
0x119: {  	_ =	swait.ge [sflag:s21], $0x1400  }
0x11a: {  	[sflag:s21] =	ssyncset.done $0x0  }
0x11b: {  	[sflag:s21] =	ssyncadd.s32 $0xFFFFEC00  }
0x11c: {  	_ =	swait.ge [sflag:s22], $0x1400  }
0x11d: {  	[sflag:s22] =	ssyncset.done $0x0  }
0x11e: {  	[sflag:s22] =	ssyncadd.s32 $0xFFFFEC00  }
0x11f: {  	_ =	swait.ge [sflag:s23], $0x1400  }
0x120: {  	[sflag:s23] =	ssyncset.done $0x0  }
0x121: {  	[sflag:s23] =	ssyncadd.s32 $0xFFFFEC00  }
0x122: {  	[bflag:$0x0] =	sbarrier.arrive $0xFFFF  }
0x123: {  	s30 =	rddreg [dreg:$0x17]  }
0x124: {  	[tilespmem:s9], [sflag:$0xE] =	stream.linear.gather [spmem:s30], $0x1400, $0x38;
	[tilespmem:$0x16260] =	vst v63  }
0x125: {  	_ =	swait.ge [sflag:s25], $0x1400  }
0x126: {  	[sflag:s25] =	ssyncset.done $0x0  }
0x127: {  	s29 =	rddreg [dreg:$0x4];
	[sflag:s25] =	ssyncadd.s32 $0xFFFFEC00  }
0x128: {  	[hbm4b:s29+s1] =	stream.linear.scatter [tilespmem:s9], [sflag:$0xD], $0x1400, $0x38;
	[tilespmem:$0x16260] =	vst v63  }
0x129: {  	_ =	swait.ge [sflag:s2], $0x1400  }
0x12a: {  	[sflag:s2] =	ssyncset.done $0x0  }
0x12b: {  	s30 =	rddreg [dreg:$0x18];
	[sflag:s2] =	ssyncadd.s32 $0xFFFFEC00  }
0x12c: {  	[tilespmem:s9], [sflag:$0xE] =	stream.linear.gather [spmem:s30], $0x1400, $0x38;
	[tilespmem:$0x16260] =	vst v63  }
0x12d: {  	_ =	swait.ge [sflag:s25], $0x1400  }
0x12e: {  	[sflag:s25] =	ssyncset.done $0x0  }
0x12f: {  	s29 =	rddreg [dreg:$0x5];
	[sflag:s25] =	ssyncadd.s32 $0xFFFFEC00  }
0x130: {  	[hbm4b:s29+s1] =	stream.linear.scatter [tilespmem:s9], [sflag:$0xD], $0x1400, $0x38;
	[tilespmem:$0x16260] =	vst v63  }
0x131: {  	_ =	swait.ge [sflag:s2], $0x1400  }
0x132: {  	[sflag:s2] =	ssyncset.done $0x0  }
0x133: {  	s30 =	rddreg [dreg:$0x19];
	[sflag:s2] =	ssyncadd.s32 $0xFFFFEC00  }
0x134: {  	[tilespmem:s9], [sflag:$0xE] =	stream.linear.gather [spmem:s30], $0x1400, $0x38;
	[tilespmem:$0x16260] =	vst v63  }
0x135: {  	_ =	swait.ge [sflag:s25], $0x1400  }
0x136: {  	[sflag:s25] =	ssyncset.done $0x0  }
0x137: {  	s29 =	rddreg [dreg:$0x6];
	[sflag:s25] =	ssyncadd.s32 $0xFFFFEC00  }
0x138: {  	[hbm4b:s29+s1] =	stream.linear.scatter [tilespmem:s9], [sflag:$0xD], $0x1400, $0x38;
	[tilespmem:$0x16260] =	vst v63  }
0x139: {  	_ =	swait.ge [sflag:s2], $0x1400  }
0x13a: {  	[sflag:s2] =	ssyncset.done $0x0  }
0x13b: {  	s30 =	rddreg [dreg:$0x1a];
	[sflag:s2] =	ssyncadd.s32 $0xFFFFEC00  }
0x13c: {  	[tilespmem:s9], [sflag:$0xE] =	stream.linear.gather [spmem:s30], $0x1400, $0x38;
	[tilespmem:$0x16260] =	vst v63  }
0x13d: {  	_ =	swait.ge [sflag:s25], $0x1400  }
0x13e: {  	[sflag:s25] =	ssyncset.done $0x0  }
0x13f: {  	s29 =	rddreg [dreg:$0x7];
	[sflag:s25] =	ssyncadd.s32 $0xFFFFEC00  }
0x140: {  	[hbm4b:s29+s1] =	stream.linear.scatter [tilespmem:s9], [sflag:$0xD], $0x1400, $0x38;
	[tilespmem:$0x16260] =	vst v63  }
0x141: {  	_ =	swait.ge [sflag:s2], $0x1400  }
0x142: {  	[sflag:s2] =	ssyncset.done $0x0  }
0x143: {  	s30 =	rddreg [dreg:$0x1b];
	[sflag:s2] =	ssyncadd.s32 $0xFFFFEC00  }
0x144: {  	[tilespmem:s9], [sflag:$0xE] =	stream.linear.gather [spmem:s30], $0x1400, $0x38;
	[tilespmem:$0x16260] =	vst v63  }
0x145: {  	_ =	swait.ge [sflag:s25], $0x1400  }
0x146: {  	[sflag:s25] =	ssyncset.done $0x0  }
0x147: {  	s29 =	rddreg [dreg:$0x8];
	[sflag:s25] =	ssyncadd.s32 $0xFFFFEC00  }
0x148: {  	[hbm4b:s29+s1] =	stream.linear.scatter [tilespmem:s9], [sflag:$0xD], $0x1400, $0x38;
	[tilespmem:$0x16260] =	vst v63  }
0x149: {  	_ =	swait.ge [sflag:s2], $0x1400  }
0x14a: {  	[sflag:s2] =	ssyncset.done $0x0  }
0x14b: {  	[sflag:s2] =	ssyncadd.s32 $0xFFFFEC00  }
0x14c: {  	[tilespmem:s9], [sflag:$0xE] =	stream.linear.gather [spmem:s31], $0x1400, $0x38;
	[tilespmem:$0x16260] =	vst v63  }
0x14d: {  	_ =	swait.ge [sflag:s25], $0x1400  }
0x14e: {  	[sflag:s25] =	ssyncset.done $0x0  }
0x14f: {  	s30 =	rddreg [dreg:$0x9];
	[sflag:s25] =	ssyncadd.s32 $0xFFFFEC00  }
0x150: {  	[hbm4b:s30+s1] =	stream.linear.scatter [tilespmem:s9], [sflag:$0xD], $0x1400, $0x38;
	[tilespmem:$0x16260] =	vst v63  }
0x151: {  	_ =	swait.ge [sflag:s2], $0x1400  }
0x152: {  	[sflag:s2] =	ssyncset.done $0x0  }
0x153: {  	[sflag:s2] =	ssyncadd.s32 $0xFFFFEC00  }
0x154: {  	[tilespmem:s9], [sflag:$0xE] =	stream.linear.gather [spmem:s8], $0x1400, $0x38;
	[tilespmem:$0x16260] =	vst v63  }
0x155: {  	_ =	swait.ge [sflag:s25], $0x1400  }
0x156: {  	[sflag:s25] =	ssyncset.done $0x0  }
0x157: {  	s29 =	rddreg [dreg:$0xa];
	[sflag:s25] =	ssyncadd.s32 $0xFFFFEC00  }
0x158: {  	[hbm4b:s29+s1] =	stream.linear.scatter [tilespmem:s9], [sflag:$0xD], $0x1400, $0x38;
	[tilespmem:$0x16260] =	vst v63  }
0x159: {  	_ =	swait.ge [sflag:s2], $0x1400  }
0x15a: {  	[sflag:s2] =	ssyncset.done $0x0  }
0x15b: {  	s28 =	simm.s32 @!p0 $0x4E20;
	s29 =	simm.s32 @!p0 $0xE;
	[sflag:s2] =	ssyncadd.s32 $0xFFFFEC00  }
0x15c: {  	[tilespmem:s28], [sflag:$0xE] =	stream.linear.gather @!p0 [spmem:s0], $0x1400, $0x38;
	[tilespmem:$0x16260] =	vst v63  }
0x15d: {  	_ =	swait.ge @!p0 [sflag:s29], $0x1400  }
0x15e: {  	[sflag:s29] =	ssyncset.done @!p0 $0x0  }
0x15f: {  	s30 =	rddreg [dreg:$0xb];
	[sflag:s29] =	ssyncadd.s32 @!p0 $0xFFFFEC00;
	s29 =	simm.s32 @!p0 $0x0  }
0x160: {  	[hbm4b:s30+s29] =	stream.linear.scatter @!p0 [tilespmem:s28], [sflag:$0xD], $0x1400, $0x38;
	[tilespmem:$0x16260] =	vst v63  }
0x161: {  	s28 =	simm.s32 @!p0 $0xD  }
0x162: {  	_ =	swait.ge @!p0 [sflag:s28], $0x1400  }
0x163: {  	s26 =	sadd.s32 $0x1, s26;
	s30 =	rddreg [dreg:$0xe]  }
0x164: {  	p1 =	sne.s32 s26, s30  }
.Ltmp1:
0x165: {  	_ = 	snop;
	(pc) =	sbr.rel @p1 .LBB2_1-.Ltmp1, $3  }
0x166: {  	_ =	sdelay $0x1  }
0x167: {  	[sflag:s28] =	ssyncset.done @!p0 $0x0  }
0x168: {  	[sflag:s28] =	ssyncadd.s32 @!p0 $0xFFFFEC00  }
0x169: {  	_ =	sfence.sel $0x180000  }
0x16a: {  	[bflag:$0x0] =	sbarrier.arrive $0xFFFF  }
0x16b: {  	_ =	strace $0x9000004A  }
0x16c: {  	s0 =	stileid.u32;
	[bflag:$0x2] =	sbarrier.arrive $0xFFFF  }
0x16d: {  	p0 =	sne.s32 s0, $0x0;
	s0 =	rddreg [dreg:$0x3]  }
0x16e: {  	s0 =	sadd.s32 @!p0 $0x100000, s0  }
0x16f: {  	[sflag:s0] =	ssyncadd.tile.s32 @!p0 $0x1;
	_ =	shalt  }
.Lfunc_end2:
_tile_overlayer_lowered:
.L_overlay_start_2:
0x170: {  	(tag) =	ssettag $0x2  }
0x171: {  	s0 =	rddreg [dreg:$0x0];
	s2 =	stileid.u32  }
0x172: {  	s1 =	rddreg [dreg:$0x1];
	p0 =	sne.s32 s2, $0x0  }
0x173: {  	s3 =	rddreg [dreg:$0x2];
	[bflag:$0x3] =	sbarrier.arrive $0xFFFF;
	s2 =	simm.s32 @!p0 $0x1C0D  }
0x174: {  	[timem:s3], [sflag:s2] =	dma.local @!p0 [hbm:s0], s1  }
0x175: {  	s0 =	simm.s32 @!p0 $0xD  }
0x176: {  	_ =	swait.ge @!p0 [sflag:s0], s1  }
0x177: {  	s1 =	ssub.s32 @!p0 $0x0, s1;
	[sflag:s0] =	ssyncset.done @!p0 $0x0  }
0x178: {  	[sflag:s0] =	ssyncadd.s32 @!p0 s1  }
0x179: {  	[bflag:$0x3] =	sbarrier.arrive $0xFFFF  }
0x17a: {  	_ =	shalt  }

// kernel: kernel.15.cloned.1.call-start
scs
__scs_entry_jumppad:
0x0: {  	(pc) =	sbr.rel $0x88, $3  }
0x1: {  	(tag) =	ssettag $0x0;
	lr =	simm.s32 $0x1  }
0x2: {  	[smem:$0x3F97] =	sst lr;
	_ =	strace $0xD0000000  }
0x3: {  	_ = 	snop  }
0x4: {  	_ = 	snop  }
0x5: {  	_ = 	snop  }
0x6: {  	_ = 	snop  }
0x7: {  	_ = 	snop  }
__scs_overlays_trampoline_lowered:
0x8: {  	[smem:$0x3FA6] =	sst s0  }
0x9: {  	[smem:$0x3FA7] =	sst s1  }
0xa: {  	[smem:$0x3FA8] =	sst s2  }
0xb: {  	[smem:$0x3FA9] =	sst s3  }
0xc: {  	[smem:$0x3FAA] =	sst s4  }
0xd: {  	[smem:$0x3FAB] =	sst s5  }
0xe: {  	[smem:$0x3FAC] =	sst s6  }
0xf: {  	[smem:$0x3FAD] =	sst s7  }
0x10: {  	[smem:$0x3FAE] =	sst s8  }
0x11: {  	[smem:$0x3FAF] =	sst s9;
	s0 =	simm.s32 @!p0 $0x0  }
0x12: {  	s1 =	sld [smem:$0x3F95];
	s0 =	simm.s32 @p0 $0x1  }
0x13: {  	[smem:$0x3FB0] =	sst s0;
	s0 =	simm.s32 @!p1 $0x0  }
0x14: {  	s2 =	sld [smem:$0x3F94];
	s0 =	simm.s32 @p1 $0x1  }
0x15: {  	[smem:$0x3FB1] =	sst s0;
	s0 =	simm.s32 @!p2 $0x0  }
0x16: {  	s3 =	sld [smem:$0x3FDB];
	s0 =	simm.s32 @p2 $0x1  }
0x17: {  	s4 =	simm.s32 $0x1BF5;
	[smem:$0x3FB3] =	sst s0  }
0x18: {  	s0 =	sld [smem:$0x3F96];
	_ =	swait.ge [sflag:s4], $0x0  }
0x19: {  	s7 =	sld [smem:$0x3F97]  }
0x1a: {  	s8 =	sadd.s32 $0xFFFFE003, lr  }
0x1b: {  	s9 =	sadd.s32 $0xFFFFFEF7, lr;
	s5 =	simm.s32 $0xFFFFFFFF;
	p2 =	slt.u32 s8, $0xFFFFF086  }
0x1c: {  	p1 =	slt.u32 s9, $0xF7A;
	s5 =	simm.s32 @!p2 $0x0  }
0x1d: {  	s5 =	simm.s32 @p1 $0x1;
	p0 =	seq.s32 s7, s2  }
0x1e: {  	s7 =	smul.u32 @!p0 $0xF7A, s2;
	p2 =	seq.s32 @!p0 s5, $0x0  }
0x1f: {  	s9 =	smul.u32 $0xF7A, s1;
	s8 =	simm.s32 @!p0 $0x1BF5;
	p2 =	por !p2, p0  }
0x20: {  	[sflag:s8] =	ssyncset.s32 @!p0 $0xFFFFF086;
	s6 =	sadd.s32 @!p0 s3, s7;
	s7 =	simm.s32 @!p0 $0x108  }
0x21: {  	s3 =	sadd.s32 s3, s9;
	s6 =	sadd.s32 @!p0 $0x88, s6;
	s7 =	simm.s32 @p2 $0x1082  }
0x22: {  	[simem:s7], [sflag:s8] =	dma.local @!p0 [hbm:s6], $0xF7A  }
0x23: {  	s9 =	sor.u32 $0xD0000000, s2;
	s6 =	simm.s32 $0x108;
	_ =	swait.ge @!p0 [sflag:s8], $0x0  }
0x24: {  	s3 =	sadd.s32 $0x88, s3;
	s6 =	simm.s32 @!p1 $0x1082;
	[sflag:s4] =	ssyncset.s32 $0xFFFFF086  }
0x25: {  	[simem:s6], [sflag:s4] =	dma.local [hbm:s3], $0xF7A  }
0x26: {  	[smem:$0x3F97] =	sst s1;
	(tag) =	ssettag s2;
	_ =	strace s9  }
0x27: {  	s1 =	sld [smem:$0x3FA7]  }
0x28: {  	s2 =	sld [smem:$0x3FA8]  }
0x29: {  	s4 =	sld [smem:$0x3FAA]  }
0x2a: {  	p0 =	seq.s32 s5, $0x0;
	s5 =	sld [smem:$0x3FAB]  }
0x2b: {  	s6 =	sld [smem:$0x3FAC]  }
0x2c: {  	s7 =	sld [smem:$0x3FAD]  }
0x2d: {  	s3 =	simm.s32 $0x108;
	s8 =	sld [smem:$0x3FAE]  }
0x2e: {  	s3 =	simm.s32 @!p0 $0x1082;
	s9 =	sld [smem:$0x3FAF]  }
0x2f: {  	lr =	sadd.s32 s0, s3;
	s0 =	sld [smem:$0x3FA6]  }
0x30: {  	s3 =	sld [smem:$0x3FA9]  }
0x31: {  	[smem:$0x3FB2] =	sst s10  }
0x32: {  	s10 =	sld [smem:$0x3FB0];
	_ =	sdelay $0x3  }
0x33: {  	p0 =	seq.s32 s10, $0x1;
	s10 =	sld [smem:$0x3FB2];
	_ =	sdelay $0x3  }
0x34: {  	[smem:$0x3FB2] =	sst s10  }
0x35: {  	s10 =	sld [smem:$0x3FB1];
	_ =	sdelay $0x3  }
0x36: {  	p1 =	seq.s32 s10, $0x1;
	s10 =	sld [smem:$0x3FB2];
	_ =	sdelay $0x3  }
0x37: {  	[smem:$0x3FB2] =	sst s10  }
0x38: {  	s10 =	sld [smem:$0x3FB3]  }
0x39: {  	_ = 	snop;
	(pc) =	sbr.ind lr, $3  }
0x3a: {  	_ = 	snop  }
0x3b: {  	_ = 	snop  }
0x3c: {  	p2 =	seq.s32 s10, $0x1;
	s10 =	sld [smem:$0x3FB2]  }
0x3d: {  	_ =	shalt  }
0x3e: {  	_ =	shalt  }
0x3f: {  	_ =	shalt  }
0x40: {  	_ =	shalt  }
0x41: {  	_ =	shalt  }
0x42: {  	_ =	shalt  }
0x43: {  	_ =	shalt  }
0x44: {  	_ =	shalt  }
0x45: {  	_ =	shalt  }
0x46: {  	_ =	shalt  }
0x47: {  	_ =	shalt  }
0x48: {  	_ =	shalt  }
0x49: {  	_ =	shalt  }
0x4a: {  	_ =	shalt  }
0x4b: {  	_ =	shalt  }
0x4c: {  	_ =	shalt  }
0x4d: {  	_ =	shalt  }
0x4e: {  	_ =	shalt  }
0x4f: {  	_ =	shalt  }
0x50: {  	_ =	shalt  }
0x51: {  	_ =	shalt  }
0x52: {  	_ =	shalt  }
0x53: {  	_ =	shalt  }
0x54: {  	_ =	shalt  }
0x55: {  	_ =	shalt  }
0x56: {  	_ =	shalt  }
0x57: {  	_ =	shalt  }
0x58: {  	_ =	shalt  }
0x59: {  	_ =	shalt  }
0x5a: {  	_ =	shalt  }
0x5b: {  	_ =	shalt  }
0x5c: {  	_ =	shalt  }
0x5d: {  	_ =	shalt  }
0x5e: {  	_ =	shalt  }
0x5f: {  	_ =	shalt  }
0x60: {  	_ =	shalt  }
0x61: {  	_ =	shalt  }
0x62: {  	_ =	shalt  }
0x63: {  	_ =	shalt  }
0x64: {  	_ =	shalt  }
0x65: {  	_ =	shalt  }
0x66: {  	_ =	shalt  }
0x67: {  	_ =	shalt  }
0x68: {  	_ =	shalt  }
0x69: {  	_ =	shalt  }
0x6a: {  	_ =	shalt  }
0x6b: {  	_ =	shalt  }
0x6c: {  	_ =	shalt  }
0x6d: {  	_ =	shalt  }
0x6e: {  	_ =	shalt  }
0x6f: {  	_ =	shalt  }
0x70: {  	_ =	shalt  }
0x71: {  	_ =	shalt  }
0x72: {  	_ =	shalt  }
0x73: {  	_ =	shalt  }
0x74: {  	_ =	shalt  }
0x75: {  	_ =	shalt  }
0x76: {  	_ =	shalt  }
0x77: {  	_ =	shalt  }
0x78: {  	_ =	shalt  }
0x79: {  	_ =	shalt  }
0x7a: {  	_ =	shalt  }
0x7b: {  	_ =	shalt  }
0x7c: {  	_ =	shalt  }
0x7d: {  	_ =	shalt  }
0x7e: {  	_ =	shalt  }
0x7f: {  	_ =	shalt  }
0x80: {  	_ =	shalt  }
0x81: {  	_ =	shalt  }
0x82: {  	_ =	shalt  }
0x83: {  	_ =	shalt  }
0x84: {  	_ =	shalt  }
0x85: {  	_ =	shalt  }
0x86: {  	_ =	shalt  }
0x87: {  	_ =	shalt  }
.Lfunc_end0:
.L_simem_size_0:
called_computation.2_lowered:
.L_overlay_start_0:
0x88: {  	s2 =	sld [smem:$0x3FD9]  }
0x89: {  	s3 =	sld [smem:$0x3FFE];
	_ =	sdelay $0x1  }
0x8a: {  	s1 =	srdreg.scid  }
0x8b: {  	s0 =	sand.u32 $0x1, s1  }
0x8c: {  	s16 =	sshll.u32 s0, $0xA;
	s2 =	sadd.s32 s3, s2  }
0x8d: {  	s2 =	sadd.s32 s2, s16  }
0x8e: {  	[smem:$0x3FBE] =	sst s2  }
0x8f: {  	_ = 	snop  }
0x90: {  	(tm) =	ssettm $0x1  }
0x91: {  	s17 =	sld [smem:$0x3FFB];
	_ =	sdelay $0x3  }
0x92: {  	_ =	strace s17  }
0x93: {  	s2 =	sld [smem:$0x3FFC];
	_ =	sdelay $0x3  }
0x94: {  	_ =	strace s2  }
0x95: {  	s2 =	sld [smem:$0x3FFD];
	_ =	sdelay $0x3  }
0x96: {  	_ =	strace s2  }
0x97: {  	_ =	strace $0x8FFFFFFF  }
0x98: {  	s18 =	sld [smem:$0x3FDB];
	_ =	sdelay $0x1  }
0x99: {  	s19 =	simm.s32 $_scs_section_size  }
0x9a: {  	s4 =	simm.s32 $_size__tile_overlayer_lowered;
	s5 =	simm.s32 $_tile_overlayer_lowered  }
0x9b: {  	s22 =	simm.s32 $0x1BFF;
	s21 =	sshll.u32 s5, $0x1;
	s2 =	sadd.s32 s19, s18  }
0x9c: {  	s6 =	simm.s32 $0x0;
	s20 =	sshll.u32 s4, $0x1;
	s4 =	sadd.s32 s21, s2  }
0x9d: {  	[timem:s6], [sflag:s22] =	dma.local [hbm:s4], s20  }
0x9e: {  	_ =	swait.ge [sflag:s22], s20  }
0x9f: {  	s3 =	ssub.s32 $0x0, s20;
	[sflag:s22] =	ssyncset.done $0x0  }
0xa0: {  	[sflag:s22] =	ssyncadd.s32 s3;
	_ =	sdelay $0x1  }
0xa1: {  	s23 =	simm.s32 $0x1B8B  }
0xa2: {  	_ =	swait.ge [sflag:s23], $0x1  }
0xa3: {  	[sflag:s23] =	ssyncset.done $0x0  }
0xa4: {  	s25 =	simm.s32 $0x1B8E;
	s24 =	sld [smem:$0x3FFE];
	[sflag:s23] =	ssyncadd.s32 $0xFFFFFFFF  }
0xa5: {  	s26 =	simm.s32 $execute0_lowered;
	[smem:$0x3FD2] =	sst s25  }
0xa6: {  	s4 =	sshll.u32 s26, $0x1;
	_ =	strace $0x8000004C;
	[dreg:$0x1] =	wrdreg $0xFFFFFFFF  }
0xa7: {  	s28 =	simm.s32 $_size_execute0_lowered;
	s2 =	sadd.s32 s2, s4;
	[dreg:$0x0] =	wrdreg $0x0  }
0xa8: {  	s4 =	sshll.u32 s28, $0x1;
	[dreg:$0x2] =	wrdreg s2  }
0xa9: {  	[dreg:$0x3] =	wrdreg s4  }
0xaa: {  	[dreg:$0x4] =	wrdreg $0xC0  }
0xab: {  	_ =	task [dreg:s6], $0x5FFFF  }
0xac: {  	[dreg:$0x1] =	wrdreg $0xFFFFFFFF  }
0xad: {  	[dreg:$0x0] =	wrdreg $0x60  }
0xae: {  	[dreg:$0x2] =	wrdreg s24  }
0xaf: {  	[dreg:$0x3] =	wrdreg $0x8A200  }
0xb0: {  	[dreg:$0x4] =	wrdreg $0x9  }
0xb1: {  	_ =	task.clear_ibuf [dreg:s6], $0x5FFFF;
	_ =	strace $0x9000004C  }
0xb2: {  	s29 =	simm.s32 $0x9;
	_ =	strace $0x8000004E  }
0xb3: {  	_ =	swait.ge [sflag:s29], $0x1  }
0xb4: {  	[sflag:s29] =	ssyncadd.s32 $0xFFFFFFFF  }
0xb5: {  	_ =	strace $0x9000004E  }
0xb6: {  	_ =	sfence  }
0xb7: {  	s30 =	sld [smem:$0x0];
	_ =	sdelay $0x2  }
0xb8: {  	s31 =	sshll.u32 s1, $0xD;
	s1 =	sshrl.u32 s1, $0x2  }
0xb9: {  	s3 =	sand.u32 $0x4000, s31;
	s1 =	sadd.s32 s1, s30  }
0xba: {  	s0 =	sor.u32 s3, s0;
	s1 =	sshll.u32 s1, $0x11  }
0xbb: {  	s0 =	sor.u32 s1, s0  }
0xbc: {  	s0 =	sadd.s32 $0x8F2B, s0  }
0xbd: {  	[sflag:s0] =	ssyncadd.remote.s32 $0x1  }
0xbe: {  	_ =	sfence.sel $0xFFFF  }
0xbf: {  	[dreg:$0x0] =	wrdreg $0xFFFFFFFF;
	(pc) =	sbr.abs _section_cstart, $3  }
0xc0: {  	[dreg:$0x1] =	wrdreg $0xFFFFFFFF  }
0xc1: {  	_ =	task.clear_ibuf [dreg:s6], $0x2FFFF;
	_ =	strace $0x9FFFFFFF  }
0xc2: {  	(tm) =	ssettm $0x7FFFFFFF  }
0xc3: {  	_ =	shalt  }
tec
execute0_lowered:
.L_overlay_start_1:
0x0: {  	(tag) =	ssettag $0x1  }
0x1: {  	s0 =	srdreg.scid;
	s7 =	rddreg [dreg:$0x0];
	s1 =	simm.s32 $0x0  }
0x2: {  	s23 =	stileid.u32;
	s0 =	sand.u32 $0x1, s0;
	[smem:$0x7FF] =	sst s1  }
0x3: {  	s10 =	sadd.s32 $0x48200, s7;
	s12 =	sor.u32 $0x10, s23;
	s13 =	sor.u32 $0x20, s23  }
0x4: {  	s14 =	sor.u32 $0x30, s23;
	s15 =	sor.u32 $0x40, s23;
	s16 =	sor.u32 $0x50, s23  }
0x5: {  	s17 =	sor.u32 $0x60, s23;
	s2 =	sshll.u32 s0, $0x4;
	s9 =	smul.u32 $0x9C400, s0  }
0x6: {  	s3 =	ssub.s32 $0x2, s0;
	s0 =	smul.u32 $0x1400, s23;
	s2 =	sor.u32 s23, s2  }
0x7: {  	s18 =	sor.u32 $0x70, s23;
	s29 =	sshrl.u32 s3, $0x1;
	s8 =	smul.u32 $0x2710, s2  }
0x8: {  	p0 =	sgt.u32 s18, $0x7C;
	s11 =	ssub.s32 s3, s29;
	s2 =	smul.u32 $0x1400, s12  }
0x9: {  	s4 =	sadd.s32 s9, s0;
	s3 =	smul.u32 $0x1400, s13;
	s0 =	sshrl.u32 s0, $0x1  }
0xa: {  	s5 =	sshrl.u32 s4, $0x4;
	s4 =	smul.u32 $0x1400, s14;
	s6 =	sadd.s32 s9, s2  }
0xb: {  	s5 =	sadd.s32 s10, s5;
	s30 =	sadd.s32 s9, s3;
	s8 =	sshrl.u32 s8, $0x3  }
0xc: {  	s2 =	sshrl.u32 s2, $0x1;
	[dreg:$0x3] =	wrdreg s5;
	s19 =	sshrl.u32 s6, $0x4  }
0xd: {  	s20 =	sadd.s32 s9, s4;
	s5 =	smul.u32 $0x1400, s15;
	s21 =	sshrl.u32 s30, $0x4  }
0xe: {  	s6 =	smul.u32 $0x1400, s16;
	s8 =	sadd.s32 s8, s7;
	s19 =	sadd.s32 s10, s19  }
0xf: {  	s20 =	sshrl.u32 s20, $0x4;
	s21 =	sadd.s32 s10, s21;
	[dreg:$0x4] =	wrdreg s19  }
0x10: {  	[dreg:$0x5] =	wrdreg s21;
	s22 =	sadd.s32 s10, s20;
	s24 =	sadd.s32 s9, s5  }
0x11: {  	s25 =	sadd.s32 s9, s6;
	s21 =	smul.u32 $0x1400, s17;
	[dreg:$0x6] =	wrdreg s22  }
0x12: {  	s19 =	sshrl.u32 s24, $0x4;
	s20 =	sshrl.u32 s25, $0x4;
	s22 =	smul.u32 $0x1400, s18  }
0x13: {  	s24 =	smul.u32 $0x2800, s23;
	s25 =	smax.u32 s11, $0x1;
	s23 =	sshrl.u32 s3, $0x1  }
0x14: {  	s3 =	simm.s32 $0xD;
	s19 =	sadd.s32 s10, s19;
	s26 =	sadd.s32 s10, s20  }
0x15: {  	s28 =	sadd.s32 s9, s21;
	[dreg:$0x8] =	wrdreg s26;
	s26 =	smul.u32 $0x2800, s13  }
0x16: {  	[dreg:$0x7] =	wrdreg s19;
	s19 =	sshrl.u32 s28, $0x4;
	s28 =	smul.u32 $0x2800, s14  }
0x17: {  	s20 =	sadd.s32 $0x3800, s8;
	s8 =	sadd.s32 $0xD440, s8;
	s13 =	smul.u32 $0x2800, s16  }
0x18: {  	s29 =	sadd.s32 s9, s22;
	s9 =	rddreg [dreg:$0x1];
	s16 =	smul.u32 $0x2800, s18  }
0x19: {  	s19 =	sadd.s32 s10, s19;
	s30 =	sshrl.u32 s29, $0x4;
	s0 =	sadd.s32 s0, s9  }
0x1a: {  	[dreg:$0x9] =	wrdreg s19;
	s10 =	sadd.s32 s10, s30;
	s19 =	smul.u32 $0x2800, s12  }
0x1b: {  	s12 =	sadd.s32 $0x3E400, s7;
	s7 =	sadd.s32 $0x79000, s7;
	s30 =	smul.u32 $0x2800, s15  }
0x1c: {  	s11 =	sshrl.u32 s28, $0x2;
	s15 =	smul.u32 $0x2800, s17;
	[dreg:$0xa] =	wrdreg s10  }
0x1d: {  	s17 =	sshrl.u32 s13, $0x2;
	_ =	strace $0x8000004D;
	[dreg:$0xb] =	wrdreg s7  }
0x1e: {  	s28 =	sshrl.u32 s6, $0x1;
	s6 =	simm.s32 $0x50;
	[dreg:$0xc] =	wrdreg s20  }
0x1f: {  	s13 =	simm.s32 $0x7620;
	s14 =	sadd.s32 s11, s9;
	[dreg:$0xd] =	wrdreg s8  }
0x20: {  	s31 =	sadd.s32 s28, s9;
	s11 =	simm.s32 $0x6C20;
	[dreg:$0xe] =	wrdreg s25  }
0x21: {  	s7 =	sshrl.u32 s24, $0x2;
	s10 =	sshrl.u32 s19, $0x2;
	[dreg:$0x12] =	wrdreg s14  }
0x22: {  	s8 =	sshrl.u32 s26, $0x2;
	s19 =	sshrl.u32 s16, $0x2;
	[dreg:$0x17] =	wrdreg s0  }
0x23: {  	s20 =	sadd.s32 s2, s9;
	s0 =	sadd.s32 s23, s9;
	s24 =	sshrl.u32 s4, $0x1  }
0x24: {  	s25 =	sshrl.u32 s5, $0x1;
	s2 =	simm.s32 $0x4E20;
	s4 =	simm.s32 $0x1  }
0x25: {  	s5 =	simm.s32 $0x2;
	s14 =	simm.s32 $0x8020;
	s16 =	simm.s32 $0x4  }
0x26: {  	s23 =	simm.s32 $0xB;
	s7 =	sadd.s32 s7, s9;
	[dreg:$0x18] =	wrdreg s20  }
0x27: {  	s29 =	sadd.s32 s10, s9;
	s8 =	sadd.s32 s8, s9;
	[dreg:$0x19] =	wrdreg s0  }
0x28: {  	s0 =	sadd.s32 s24, s9;
	s26 =	sadd.s32 s25, s9;
	[dreg:$0xf] =	wrdreg s7  }
0x29: {  	s10 =	simm.s32 $0x6220;
	s20 =	simm.s32 $0x8;
	[dreg:$0x10] =	wrdreg s29  }
0x2a: {  	s24 =	simm.s32 $0xC;
	s25 =	simm.s32 $0xE;
	[dreg:$0x11] =	wrdreg s8  }
0x2b: {  	s7 =	sshrl.u32 s30, $0x2;
	s8 =	sshrl.u32 s15, $0x2;
	[dreg:$0x1a] =	wrdreg s0  }
0x2c: {  	[dreg:$0x1b] =	wrdreg s26;
	s29 =	sshrl.u32 s21, $0x1;
	s30 =	sshrl.u32 s22, $0x1  }
0x2d: {  	s15 =	simm.s32 $0x3;
	s21 =	simm.s32 $0x9;
	s22 =	simm.s32 $0xA  }
0x2e: {  	s26 =	simm.s32 $0x0;
	s7 =	sadd.s32 s7, s9;
	s18 =	sadd.s32 s8, s9  }
0x2f: {  	s8 =	sadd.s32 s29, s9;
	s0 =	sadd.s32 s30, s9;
	[dreg:$0x13] =	wrdreg s7  }
0x30: {  	s7 =	sadd.s32 s17, s9;
	[dreg:$0x15] =	wrdreg s18;
	s17 =	simm.s32 $0x5  }
0x31: {  	s18 =	simm.s32 $0x6;
	[dreg:$0x14] =	wrdreg s7;
	s7 =	sadd.s32 s19, s9  }
0x32: {  	s19 =	simm.s32 $0x7;
	[dreg:$0x16] =	wrdreg s7;
	s7 =	simm.s32 $0x5820  }
.LBB2_1:
0x33: {  	s28 =	rddreg [dreg:$0xc]  }
0x34: {  	[tilespmem:s1], [sflag:$0x1] =	stream.linear.gather [hbm4b:s28+s1], $0x2710, $0x38;
	[tilespmem:$0xD840] =	vst v63  }
0x35: {  	s29 =	simm.s32 $0x2710;
	s28 =	rddreg [dreg:$0xd]  }
0x36: {  	[tilespmem:s29], [sflag:$0x2] =	stream.linear.gather [hbm4b:s28+s1], $0x2710, $0x38;
	[tilespmem:$0xD840] =	vst v63  }
0x37: {  	s28 =	rddreg [dreg:$0xb]  }
0x38: {  	[tilespmem:s2], [sflag:$0xD] =	stream.linear.gather [hbm4b:s28+s1], $0xA00, $0x38;
	[tilespmem:$0xD840] =	vst v63  }
0x39: {  	_ =	swait.ge [sflag:s3], $0xA00  }
0x3a: {  	[sflag:s3] =	ssyncset.done $0x0  }
0x3b: {  	s28 =	rddreg [dreg:$0xf];
	[sflag:s3] =	ssyncadd.s32 $0xFFFFF600  }
0x3c: {  	[spmem:s28] =	stream.linear.scatter [tilespmem:s2], [sflag:$0xD], $0xA00, $0x38;
	[tilespmem:$0xD840] =	vst v63  }
0x3d: {  	_ =	swait.ge [sflag:s3], $0xA00  }
0x3e: {  	[sflag:s3] =	ssyncset.done $0x0  }
0x3f: {  	s28 =	rddreg [dreg:$0x10];
	[sflag:s3] =	ssyncadd.s32 $0xFFFFF600  }
0x40: {  	[spmem:s28] =	stream.linear.scatter [tilespmem:s2], [sflag:$0xD], $0xA00, $0x38;
	[tilespmem:$0xD840] =	vst v63  }
0x41: {  	_ =	swait.ge [sflag:s3], $0xA00  }
0x42: {  	[sflag:s3] =	ssyncset.done $0x0  }
0x43: {  	s28 =	rddreg [dreg:$0x11];
	[sflag:s3] =	ssyncadd.s32 $0xFFFFF600  }
0x44: {  	[spmem:s28] =	stream.linear.scatter [tilespmem:s2], [sflag:$0xD], $0xA00, $0x38;
	[tilespmem:$0xD840] =	vst v63  }
0x45: {  	_ =	swait.ge [sflag:s3], $0xA00  }
0x46: {  	[sflag:s3] =	ssyncset.done $0x0  }
0x47: {  	s28 =	rddreg [dreg:$0x12];
	[sflag:s3] =	ssyncadd.s32 $0xFFFFF600  }
0x48: {  	[spmem:s28] =	stream.linear.scatter [tilespmem:s2], [sflag:$0xD], $0xA00, $0x38;
	[tilespmem:$0xD840] =	vst v63  }
0x49: {  	_ =	swait.ge [sflag:s3], $0xA00  }
0x4a: {  	[sflag:s3] =	ssyncset.done $0x0  }
0x4b: {  	s28 =	rddreg [dreg:$0x13];
	[sflag:s3] =	ssyncadd.s32 $0xFFFFF600  }
0x4c: {  	[spmem:s28] =	stream.linear.scatter [tilespmem:s2], [sflag:$0xD], $0xA00, $0x38;
	[tilespmem:$0xD840] =	vst v63  }
0x4d: {  	_ =	swait.ge [sflag:s3], $0xA00  }
0x4e: {  	[sflag:s3] =	ssyncset.done $0x0  }
0x4f: {  	s28 =	rddreg [dreg:$0x14];
	[sflag:s3] =	ssyncadd.s32 $0xFFFFF600  }
0x50: {  	[spmem:s28] =	stream.linear.scatter [tilespmem:s2], [sflag:$0xD], $0xA00, $0x38;
	[tilespmem:$0xD840] =	vst v63  }
0x51: {  	_ =	swait.ge [sflag:s3], $0xA00  }
0x52: {  	[sflag:s3] =	ssyncset.done $0x0  }
0x53: {  	s28 =	rddreg [dreg:$0x15];
	[sflag:s3] =	ssyncadd.s32 $0xFFFFF600  }
0x54: {  	[spmem:s28] =	stream.linear.scatter [tilespmem:s2], [sflag:$0xD], $0xA00, $0x38;
	[tilespmem:$0xD840] =	vst v63  }
0x55: {  	_ =	swait.ge [sflag:s3], $0xA00  }
0x56: {  	[sflag:s3] =	ssyncset.done $0x0  }
0x57: {  	s28 =	simm.s32 @!p0 $0x4E20;
	s29 =	rddreg [dreg:$0x16];
	[sflag:s3] =	ssyncadd.s32 $0xFFFFF600  }
0x58: {  	[spmem:s29] =	stream.linear.scatter @!p0 [tilespmem:s28], [sflag:$0xD], $0xA00, $0x38;
	[tilespmem:$0xD840] =	vst v63  }
0x59: {  	s28 =	simm.s32 @!p0 $0xD  }
0x5a: {  	_ =	swait.ge @!p0 [sflag:s28], $0xA00  }
0x5b: {  	[sflag:s28] =	ssyncset.done @!p0 $0x0  }
0x5c: {  	[sflag:s28] =	ssyncadd.s32 @!p0 $0xFFFFF600  }
0x5d: {  	_ =	swait.ge [sflag:s4], $0x2710  }
0x5e: {  	[sflag:s4] =	ssyncset.done $0x0  }
0x5f: {  	[sflag:s4] =	ssyncadd.s32 $0xFFFFD8F0  }
0x60: {  	_ =	swait.ge [sflag:s5], $0x2710  }
0x61: {  	[sflag:s5] =	ssyncset.done $0x0  }
0x62: {  	[sflag:s5] =	ssyncadd.s32 $0xFFFFD8F0  }
0x63: {  	[bflag:$0x0] =	sbarrier.arrive $0xFFFF  }
0x64: {  	[tilespmem:s2], [sflag:$0x1] =	stream.indirect.gather [hbm4b:s12+s6], $0x20, s1, s6, $0xb8;
	[tilespmem:$0xD840] =	vst v63  }
0x65: {  	_ = 	snop  }
0x66: {  	[tilespmem:s7], [sflag:$0x2] =	stream.indirect.gather [hbm4b:s12+s6], $0x20, s6, s6, $0xb8;
	[tilespmem:$0xD840] =	vst v63  }
0x67: {  	s28 =	simm.s32 $0xA0  }
0x68: {  	[tilespmem:s10], [sflag:$0x3] =	stream.indirect.gather [hbm4b:s12+s6], $0x20, s28, s6, $0xb8;
	[tilespmem:$0xD840] =	vst v63  }
0x69: {  	s28 =	simm.s32 $0xF0  }
0x6a: {  	[tilespmem:s11], [sflag:$0x4] =	stream.indirect.gather [hbm4b:s12+s6], $0x20, s28, s6, $0xb8;
	[tilespmem:$0xD840] =	vst v63  }
0x6b: {  	s28 =	simm.s32 $0x140  }
0x6c: {  	[tilespmem:s13], [sflag:$0x5] =	stream.indirect.gather [hbm4b:s12+s6], $0x20, s28, s6, $0xb8;
	[tilespmem:$0xD840] =	vst v63  }
0x6d: {  	s28 =	simm.s32 $0x190  }
0x6e: {  	[tilespmem:s14], [sflag:$0x6] =	stream.indirect.gather [hbm4b:s12+s6], $0x20, s28, s6, $0xb8;
	[tilespmem:$0xD840] =	vst v63  }
0x6f: {  	_ =	swait.ge [sflag:s4], $0xA00  }
0x70: {  	[sflag:s4] =	ssyncset.done $0x0  }
0x71: {  	s28 =	simm.s32 $0x2710;
	[sflag:s4] =	ssyncadd.s32 $0xFFFFF600  }
0x72: {  	[spmem:s9] =	stream.indirect.scatter.add.bf16 [tilespmem:s2], [sflag:$0x7], $0x20, s28, s6, $0xb8;
	[tilespmem:$0xD840] =	vst v63  }
0x73: {  	_ =	swait.ge [sflag:s5], $0xA00  }
0x74: {  	[sflag:s5] =	ssyncset.done $0x0  }
0x75: {  	s28 =	simm.s32 $0x2760;
	[sflag:s5] =	ssyncadd.s32 $0xFFFFF600  }
0x76: {  	[spmem:s9] =	stream.indirect.scatter.add.bf16 [tilespmem:s7], [sflag:$0x8], $0x20, s28, s6, $0xb8;
	[tilespmem:$0xD840] =	vst v63  }
0x77: {  	_ =	swait.ge [sflag:s15], $0xA00  }
0x78: {  	[sflag:s15] =	ssyncset.done $0x0  }
0x79: {  	s28 =	simm.s32 $0x27B0;
	[sflag:s15] =	ssyncadd.s32 $0xFFFFF600  }
0x7a: {  	[spmem:s9] =	stream.indirect.scatter.add.bf16 [tilespmem:s10], [sflag:$0x9], $0x20, s28, s6, $0xb8;
	[tilespmem:$0xD840] =	vst v63  }
0x7b: {  	_ =	swait.ge [sflag:s16], $0xA00  }
0x7c: {  	[sflag:s16] =	ssyncset.done $0x0  }
0x7d: {  	s28 =	simm.s32 $0x2800;
	[sflag:s16] =	ssyncadd.s32 $0xFFFFF600  }
0x7e: {  	[spmem:s9] =	stream.indirect.scatter.add.bf16 [tilespmem:s11], [sflag:$0xA], $0x20, s28, s6, $0xb8;
	[tilespmem:$0xD840] =	vst v63  }
0x7f: {  	_ =	swait.ge [sflag:s17], $0xA00  }
0x80: {  	[sflag:s17] =	ssyncset.done $0x0  }
0x81: {  	s28 =	simm.s32 $0x2850;
	[sflag:s17] =	ssyncadd.s32 $0xFFFFF600  }
0x82: {  	[spmem:s9] =	stream.indirect.scatter.add.bf16 [tilespmem:s13], [sflag:$0xB], $0x20, s28, s6, $0xb8;
	[tilespmem:$0xD840] =	vst v63  }
0x83: {  	_ =	swait.ge [sflag:s18], $0xA00  }
0x84: {  	[sflag:s18] =	ssyncset.done $0x0  }
0x85: {  	s28 =	simm.s32 $0x28A0;
	[sflag:s18] =	ssyncadd.s32 $0xFFFFF600  }
0x86: {  	[spmem:s9] =	stream.indirect.scatter.add.bf16 [tilespmem:s14], [sflag:$0xC], $0x20, s28, s6, $0xb8;
	[tilespmem:$0xD840] =	vst v63  }
0x87: {  	_ =	swait.ge [sflag:s19], $0xA00  }
0x88: {  	[sflag:s19] =	ssyncset.done $0x0  }
0x89: {  	s28 =	simm.s32 $0x1E0;
	[sflag:s19] =	ssyncadd.s32 $0xFFFFF600  }
0x8a: {  	[tilespmem:s2], [sflag:$0x1] =	stream.indirect.gather [hbm4b:s12+s6], $0x20, s28, s6, $0xb8;
	[tilespmem:$0xD840] =	vst v63  }
0x8b: {  	_ =	swait.ge [sflag:s20], $0xA00  }
0x8c: {  	[sflag:s20] =	ssyncset.done $0x0  }
0x8d: {  	s28 =	simm.s32 $0x230;
	[sflag:s20] =	ssyncadd.s32 $0xFFFFF600  }
0x8e: {  	[tilespmem:s7], [sflag:$0x2] =	stream.indirect.gather [hbm4b:s12+s6], $0x20, s28, s6, $0xb8;
	[tilespmem:$0xD840] =	vst v63  }
0x8f: {  	_ =	swait.ge [sflag:s21], $0xA00  }
0x90: {  	[sflag:s21] =	ssyncset.done $0x0  }
0x91: {  	s28 =	simm.s32 $0x280;
	[sflag:s21] =	ssyncadd.s32 $0xFFFFF600  }
0x92: {  	[tilespmem:s10], [sflag:$0x3] =	stream.indirect.gather [hbm4b:s12+s6], $0x20, s28, s6, $0xb8;
	[tilespmem:$0xD840] =	vst v63  }
0x93: {  	_ =	swait.ge [sflag:s22], $0xA00  }
0x94: {  	[sflag:s22] =	ssyncset.done $0x0  }
0x95: {  	s28 =	simm.s32 $0x2D0;
	[sflag:s22] =	ssyncadd.s32 $0xFFFFF600  }
0x96: {  	[tilespmem:s11], [sflag:$0x4] =	stream.indirect.gather [hbm4b:s12+s6], $0x20, s28, s6, $0xb8;
	[tilespmem:$0xD840] =	vst v63  }
0x97: {  	_ =	swait.ge [sflag:s23], $0xA00  }
0x98: {  	[sflag:s23] =	ssyncset.done $0x0  }
0x99: {  	s28 =	simm.s32 $0x320;
	[sflag:s23] =	ssyncadd.s32 $0xFFFFF600  }
0x9a: {  	[tilespmem:s13], [sflag:$0x5] =	stream.indirect.gather [hbm4b:s12+s6], $0x20, s28, s6, $0xb8;
	[tilespmem:$0xD840] =	vst v63  }
0x9b: {  	_ =	swait.ge [sflag:s24], $0xA00  }
0x9c: {  	[sflag:s24] =	ssyncset.done $0x0  }
0x9d: {  	s29 =	simm.s32 $0x370;
	s28 =	simm.s32 $0x780;
	[sflag:s24] =	ssyncadd.s32 $0xFFFFF600  }
.LBB2_2:
0x9e: {  	[tilespmem:s14], [sflag:$0x6] =	stream.indirect.gather [hbm4b:s12+s6], $0x20, s29, s6, $0xb8;
	[tilespmem:$0xD840] =	vst v63  }
0x9f: {  	s29 =	smov.u32 s28  }
0xa0: {  	p1 =	sne.s32 s28, $0x8700;
	s28 =	sadd.s32 $0x780, s28;
	_ =	swait.ge [sflag:s4], $0xA00  }
0xa1: {  	s29 =	sshra.s32 s29, $0x2;
	[sflag:s4] =	ssyncset.done $0x0  }
0xa2: {  	s30 =	sadd.s32 $0x2710, s29;
	[sflag:s4] =	ssyncadd.s32 $0xFFFFF600  }
0xa3: {  	[spmem:s9] =	stream.indirect.scatter.add.bf16 [tilespmem:s2], [sflag:$0x7], $0x20, s30, s6, $0xb8;
	[tilespmem:$0xD840] =	vst v63  }
0xa4: {  	_ =	swait.ge [sflag:s5], $0xA00  }
0xa5: {  	[sflag:s5] =	ssyncset.done $0x0  }
0xa6: {  	s30 =	sadd.s32 $0x2760, s29;
	[sflag:s5] =	ssyncadd.s32 $0xFFFFF600  }
0xa7: {  	[spmem:s9] =	stream.indirect.scatter.add.bf16 [tilespmem:s7], [sflag:$0x8], $0x20, s30, s6, $0xb8;
	[tilespmem:$0xD840] =	vst v63  }
0xa8: {  	_ =	swait.ge [sflag:s15], $0xA00  }
0xa9: {  	[sflag:s15] =	ssyncset.done $0x0  }
0xaa: {  	s30 =	sadd.s32 $0x27B0, s29;
	[sflag:s15] =	ssyncadd.s32 $0xFFFFF600  }
0xab: {  	[spmem:s9] =	stream.indirect.scatter.add.bf16 [tilespmem:s10], [sflag:$0x9], $0x20, s30, s6, $0xb8;
	[tilespmem:$0xD840] =	vst v63  }
0xac: {  	_ =	swait.ge [sflag:s16], $0xA00  }
0xad: {  	[sflag:s16] =	ssyncset.done $0x0  }
0xae: {  	s30 =	sadd.s32 $0x2800, s29;
	[sflag:s16] =	ssyncadd.s32 $0xFFFFF600  }
0xaf: {  	[spmem:s9] =	stream.indirect.scatter.add.bf16 [tilespmem:s11], [sflag:$0xA], $0x20, s30, s6, $0xb8;
	[tilespmem:$0xD840] =	vst v63  }
0xb0: {  	_ =	swait.ge [sflag:s17], $0xA00  }
0xb1: {  	[sflag:s17] =	ssyncset.done $0x0  }
0xb2: {  	s30 =	sadd.s32 $0x2850, s29;
	[sflag:s17] =	ssyncadd.s32 $0xFFFFF600  }
0xb3: {  	[spmem:s9] =	stream.indirect.scatter.add.bf16 [tilespmem:s13], [sflag:$0xB], $0x20, s30, s6, $0xb8;
	[tilespmem:$0xD840] =	vst v63  }
0xb4: {  	_ =	swait.ge [sflag:s18], $0xA00  }
0xb5: {  	[sflag:s18] =	ssyncset.done $0x0  }
0xb6: {  	s30 =	sadd.s32 $0x28A0, s29;
	[sflag:s18] =	ssyncadd.s32 $0xFFFFF600  }
0xb7: {  	[spmem:s9] =	stream.indirect.scatter.add.bf16 [tilespmem:s14], [sflag:$0xC], $0x20, s30, s6, $0xb8;
	[tilespmem:$0xD840] =	vst v63  }
0xb8: {  	_ =	swait.ge [sflag:s19], $0xA00  }
0xb9: {  	[sflag:s19] =	ssyncset.done $0x0  }
0xba: {  	s30 =	sadd.s32 $0x1E0, s29;
	[sflag:s19] =	ssyncadd.s32 $0xFFFFF600  }
0xbb: {  	[tilespmem:s2], [sflag:$0x1] =	stream.indirect.gather [hbm4b:s12+s6], $0x20, s30, s6, $0xb8;
	[tilespmem:$0xD840] =	vst v63  }
0xbc: {  	_ =	swait.ge [sflag:s20], $0xA00  }
0xbd: {  	[sflag:s20] =	ssyncset.done $0x0  }
0xbe: {  	s30 =	sadd.s32 $0x230, s29;
	[sflag:s20] =	ssyncadd.s32 $0xFFFFF600  }
0xbf: {  	[tilespmem:s7], [sflag:$0x2] =	stream.indirect.gather [hbm4b:s12+s6], $0x20, s30, s6, $0xb8;
	[tilespmem:$0xD840] =	vst v63  }
0xc0: {  	_ =	swait.ge [sflag:s21], $0xA00  }
0xc1: {  	[sflag:s21] =	ssyncset.done $0x0  }
0xc2: {  	s30 =	sadd.s32 $0x280, s29;
	[sflag:s21] =	ssyncadd.s32 $0xFFFFF600  }
0xc3: {  	[tilespmem:s10], [sflag:$0x3] =	stream.indirect.gather [hbm4b:s12+s6], $0x20, s30, s6, $0xb8;
	[tilespmem:$0xD840] =	vst v63  }
0xc4: {  	_ =	swait.ge [sflag:s22], $0xA00  }
0xc5: {  	[sflag:s22] =	ssyncset.done $0x0  }
0xc6: {  	s30 =	sadd.s32 $0x2D0, s29;
	[sflag:s22] =	ssyncadd.s32 $0xFFFFF600  }
0xc7: {  	[tilespmem:s11], [sflag:$0x4] =	stream.indirect.gather [hbm4b:s12+s6], $0x20, s30, s6, $0xb8;
	[tilespmem:$0xD840] =	vst v63  }
0xc8: {  	_ =	swait.ge [sflag:s23], $0xA00  }
0xc9: {  	[sflag:s23] =	ssyncset.done $0x0  }
.Ltmp0:
0xca: {  	s30 =	sadd.s32 $0x320, s29;
	[sflag:s23] =	ssyncadd.s32 $0xFFFFF600;
	(pc) =	sbr.rel @p1 .LBB2_2-.Ltmp0, $4  }
0xcb: {  	[tilespmem:s13], [sflag:$0x5] =	stream.indirect.gather [hbm4b:s12+s6], $0x20, s30, s6, $0xb8;
	[tilespmem:$0xD840] =	vst v63  }
0xcc: {  	_ =	swait.ge [sflag:s24], $0xA00  }
0xcd: {  	[sflag:s24] =	ssyncset.done $0x0  }
0xce: {  	s29 =	sadd.s32 $0x370, s29;
	[sflag:s24] =	ssyncadd.s32 $0xFFFFF600  }
0xcf: {  	[tilespmem:s14], [sflag:$0x6] =	stream.indirect.gather [hbm4b:s12+s6], $0x20, s29, s6, $0xb8;
	[tilespmem:$0xD840] =	vst v63  }
0xd0: {  	_ =	swait.ge [sflag:s4], $0xA00  }
0xd1: {  	[sflag:s4] =	ssyncset.done $0x0  }
0xd2: {  	s28 =	simm.s32 $0x4AB0;
	[sflag:s4] =	ssyncadd.s32 $0xFFFFF600  }
0xd3: {  	[spmem:s9] =	stream.indirect.scatter.add.bf16 [tilespmem:s2], [sflag:$0x7], $0x20, s28, s6, $0xb8;
	[tilespmem:$0xD840] =	vst v63  }
0xd4: {  	_ =	swait.ge [sflag:s5], $0xA00  }
0xd5: {  	[sflag:s5] =	ssyncset.done $0x0  }
0xd6: {  	s29 =	simm.s32 $0x4B00;
	[sflag:s5] =	ssyncadd.s32 $0xFFFFF600  }
0xd7: {  	[spmem:s9] =	stream.indirect.scatter.add.bf16 [tilespmem:s7], [sflag:$0x8], $0x20, s29, s6, $0xb8;
	[tilespmem:$0xD840] =	vst v63  }
0xd8: {  	_ =	swait.ge [sflag:s15], $0xA00  }
0xd9: {  	[sflag:s15] =	ssyncset.done $0x0  }
0xda: {  	s30 =	simm.s32 $0x4B50;
	[sflag:s15] =	ssyncadd.s32 $0xFFFFF600  }
0xdb: {  	[spmem:s9] =	stream.indirect.scatter.add.bf16 [tilespmem:s10], [sflag:$0x9], $0x20, s30, s6, $0xb8;
	[tilespmem:$0xD840] =	vst v63  }
0xdc: {  	_ =	swait.ge [sflag:s16], $0xA00  }
0xdd: {  	[sflag:s16] =	ssyncset.done $0x0  }
0xde: {  	s29 =	simm.s32 $0x4BA0;
	[sflag:s16] =	ssyncadd.s32 $0xFFFFF600  }
0xdf: {  	[spmem:s9] =	stream.indirect.scatter.add.bf16 [tilespmem:s11], [sflag:$0xA], $0x20, s29, s6, $0xb8;
	[tilespmem:$0xD840] =	vst v63  }
0xe0: {  	_ =	swait.ge [sflag:s17], $0xA00  }
0xe1: {  	[sflag:s17] =	ssyncset.done $0x0  }
0xe2: {  	s30 =	simm.s32 $0x4BF0;
	[sflag:s17] =	ssyncadd.s32 $0xFFFFF600  }
0xe3: {  	[spmem:s9] =	stream.indirect.scatter.add.bf16 [tilespmem:s13], [sflag:$0xB], $0x20, s30, s6, $0xb8;
	[tilespmem:$0xD840] =	vst v63  }
0xe4: {  	_ =	swait.ge [sflag:s18], $0xA00  }
0xe5: {  	[sflag:s18] =	ssyncset.done $0x0  }
0xe6: {  	s29 =	simm.s32 $0x4C40;
	[sflag:s18] =	ssyncadd.s32 $0xFFFFF600  }
0xe7: {  	[spmem:s9] =	stream.indirect.scatter.add.bf16 [tilespmem:s14], [sflag:$0xC], $0x20, s29, s6, $0xb8;
	[tilespmem:$0xD840] =	vst v63  }
0xe8: {  	_ =	swait.ge [sflag:s19], $0xA00  }
0xe9: {  	[sflag:s19] =	ssyncset.done $0x0  }
0xea: {  	s30 =	simm.s32 $0x2580;
	[sflag:s19] =	ssyncadd.s32 $0xFFFFF600  }
0xeb: {  	[tilespmem:s2], [sflag:$0x1] =	stream.indirect.gather [hbm4b:s12+s6], $0x20, s30, s6, $0xb8;
	[tilespmem:$0xD840] =	vst v63  }
0xec: {  	_ =	swait.ge [sflag:s20], $0xA00  }
0xed: {  	[sflag:s20] =	ssyncset.done $0x0  }
0xee: {  	s29 =	simm.s32 $0x25D0;
	[sflag:s20] =	ssyncadd.s32 $0xFFFFF600  }
0xef: {  	[tilespmem:s7], [sflag:$0x2] =	stream.indirect.gather [hbm4b:s12+s6], $0x20, s29, s6, $0xb8;
	[tilespmem:$0xD840] =	vst v63  }
0xf0: {  	_ =	swait.ge [sflag:s21], $0xA00  }
0xf1: {  	[sflag:s21] =	ssyncset.done $0x0  }
0xf2: {  	s30 =	simm.s32 $0x2620;
	[sflag:s21] =	ssyncadd.s32 $0xFFFFF600  }
0xf3: {  	[tilespmem:s10], [sflag:$0x3] =	stream.indirect.gather [hbm4b:s12+s6], $0x20, s30, s6, $0xb8;
	[tilespmem:$0xD840] =	vst v63  }
0xf4: {  	_ =	swait.ge [sflag:s22], $0xA00  }
0xf5: {  	[sflag:s22] =	ssyncset.done $0x0  }
0xf6: {  	s29 =	simm.s32 $0x2670;
	[sflag:s22] =	ssyncadd.s32 $0xFFFFF600  }
0xf7: {  	[tilespmem:s11], [sflag:$0x4] =	stream.indirect.gather [hbm4b:s12+s6], $0x20, s29, s6, $0xb8;
	[tilespmem:$0xD840] =	vst v63  }
0xf8: {  	_ =	swait.ge [sflag:s23], $0xA00  }
0xf9: {  	[sflag:s23] =	ssyncset.done $0x0  }
0xfa: {  	s30 =	simm.s32 $0x26C0;
	[sflag:s23] =	ssyncadd.s32 $0xFFFFF600  }
0xfb: {  	[tilespmem:s13], [sflag:$0x5] =	stream.indirect.gather [hbm4b:s12+s6], $0x20, s30, s6, $0xb8;
	[tilespmem:$0xD840] =	vst v63  }
0xfc: {  	_ =	swait.ge [sflag:s4], $0xA00  }
0xfd: {  	[sflag:s4] =	ssyncset.done $0x0  }
0xfe: {  	s29 =	simm.s32 $0x4C90;
	[sflag:s4] =	ssyncadd.s32 $0xFFFFF600  }
0xff: {  	[spmem:s9] =	stream.indirect.scatter.add.bf16 [tilespmem:s2], [sflag:$0x7], $0x20, s29, s6, $0xb8;
	[tilespmem:$0xD840] =	vst v63  }
0x100: {  	_ =	swait.ge [sflag:s5], $0xA00  }
0x101: {  	[sflag:s5] =	ssyncset.done $0x0  }
0x102: {  	s30 =	simm.s32 $0x4CE0;
	[sflag:s5] =	ssyncadd.s32 $0xFFFFF600  }
0x103: {  	[spmem:s9] =	stream.indirect.scatter.add.bf16 [tilespmem:s7], [sflag:$0x8], $0x20, s30, s6, $0xb8;
	[tilespmem:$0xD840] =	vst v63  }
0x104: {  	_ =	swait.ge [sflag:s15], $0xA00  }
0x105: {  	[sflag:s15] =	ssyncset.done $0x0  }
0x106: {  	s29 =	simm.s32 $0x4D30;
	[sflag:s15] =	ssyncadd.s32 $0xFFFFF600  }
0x107: {  	[spmem:s9] =	stream.indirect.scatter.add.bf16 [tilespmem:s10], [sflag:$0x9], $0x20, s29, s6, $0xb8;
	[tilespmem:$0xD840] =	vst v63  }
0x108: {  	_ =	swait.ge [sflag:s16], $0xA00  }
0x109: {  	[sflag:s16] =	ssyncset.done $0x0  }
0x10a: {  	s30 =	simm.s32 $0x4D80;
	[sflag:s16] =	ssyncadd.s32 $0xFFFFF600  }
0x10b: {  	[spmem:s9] =	stream.indirect.scatter.add.bf16 [tilespmem:s11], [sflag:$0xA], $0x20, s30, s6, $0xb8;
	[tilespmem:$0xD840] =	vst v63  }
0x10c: {  	_ =	swait.ge [sflag:s17], $0xA00  }
0x10d: {  	[sflag:s17] =	ssyncset.done $0x0  }
0x10e: {  	s29 =	simm.s32 $0x4DD0;
	[sflag:s17] =	ssyncadd.s32 $0xFFFFF600  }
0x10f: {  	[spmem:s9] =	stream.indirect.scatter.add.bf16 [tilespmem:s13], [sflag:$0xB], $0x20, s29, s6, $0xb8;
	[tilespmem:$0xD840] =	vst v63  }
0x110: {  	_ =	swait.ge [sflag:s24], $0xA00  }
0x111: {  	[sflag:s24] =	ssyncset.done $0x0  }
0x112: {  	[sflag:s24] =	ssyncadd.s32 $0xFFFFF600  }
0x113: {  	_ =	swait.ge [sflag:s19], $0xA00  }
0x114: {  	[sflag:s19] =	ssyncset.done $0x0  }
0x115: {  	[sflag:s19] =	ssyncadd.s32 $0xFFFFF600  }
0x116: {  	_ =	swait.ge [sflag:s20], $0xA00  }
0x117: {  	[sflag:s20] =	ssyncset.done $0x0  }
0x118: {  	[sflag:s20] =	ssyncadd.s32 $0xFFFFF600  }
0x119: {  	_ =	swait.ge [sflag:s21], $0xA00  }
0x11a: {  	[sflag:s21] =	ssyncset.done $0x0  }
0x11b: {  	[sflag:s21] =	ssyncadd.s32 $0xFFFFF600  }
0x11c: {  	_ =	swait.ge [sflag:s22], $0xA00  }
0x11d: {  	[sflag:s22] =	ssyncset.done $0x0  }
0x11e: {  	[sflag:s22] =	ssyncadd.s32 $0xFFFFF600  }
0x11f: {  	_ =	swait.ge [sflag:s23], $0xA00  }
0x120: {  	[sflag:s23] =	ssyncset.done $0x0  }
0x121: {  	[sflag:s23] =	ssyncadd.s32 $0xFFFFF600  }
0x122: {  	[bflag:$0x0] =	sbarrier.arrive $0xFFFF  }
0x123: {  	s30 =	rddreg [dreg:$0x17]  }
0x124: {  	[tilespmem:s2], [sflag:$0xE] =	stream.linear.gather [spmem:s30], $0xA00, $0x38;
	[tilespmem:$0xD840] =	vst v63  }
0x125: {  	_ =	swait.ge [sflag:s25], $0xA00  }
0x126: {  	[sflag:s25] =	ssyncset.done $0x0  }
0x127: {  	s29 =	rddreg [dreg:$0x3];
	[sflag:s25] =	ssyncadd.s32 $0xFFFFF600  }
0x128: {  	[hbm4b:s29+s1] =	stream.linear.scatter [tilespmem:s2], [sflag:$0xD], $0xA00, $0x38;
	[tilespmem:$0xD840] =	vst v63  }
0x129: {  	_ =	swait.ge [sflag:s3], $0xA00  }
0x12a: {  	[sflag:s3] =	ssyncset.done $0x0  }
0x12b: {  	s30 =	rddreg [dreg:$0x18];
	[sflag:s3] =	ssyncadd.s32 $0xFFFFF600  }
0x12c: {  	[tilespmem:s2], [sflag:$0xE] =	stream.linear.gather [spmem:s30], $0xA00, $0x38;
	[tilespmem:$0xD840] =	vst v63  }
0x12d: {  	_ =	swait.ge [sflag:s25], $0xA00  }
0x12e: {  	[sflag:s25] =	ssyncset.done $0x0  }
0x12f: {  	s29 =	rddreg [dreg:$0x4];
	[sflag:s25] =	ssyncadd.s32 $0xFFFFF600  }
0x130: {  	[hbm4b:s29+s1] =	stream.linear.scatter [tilespmem:s2], [sflag:$0xD], $0xA00, $0x38;
	[tilespmem:$0xD840] =	vst v63  }
0x131: {  	_ =	swait.ge [sflag:s3], $0xA00  }
0x132: {  	[sflag:s3] =	ssyncset.done $0x0  }
0x133: {  	s30 =	rddreg [dreg:$0x19];
	[sflag:s3] =	ssyncadd.s32 $0xFFFFF600  }
0x134: {  	[tilespmem:s2], [sflag:$0xE] =	stream.linear.gather [spmem:s30], $0xA00, $0x38;
	[tilespmem:$0xD840] =	vst v63  }
0x135: {  	_ =	swait.ge [sflag:s25], $0xA00  }
0x136: {  	[sflag:s25] =	ssyncset.done $0x0  }
0x137: {  	s29 =	rddreg [dreg:$0x5];
	[sflag:s25] =	ssyncadd.s32 $0xFFFFF600  }
0x138: {  	[hbm4b:s29+s1] =	stream.linear.scatter [tilespmem:s2], [sflag:$0xD], $0xA00, $0x38;
	[tilespmem:$0xD840] =	vst v63  }
0x139: {  	_ =	swait.ge [sflag:s3], $0xA00  }
0x13a: {  	[sflag:s3] =	ssyncset.done $0x0  }
0x13b: {  	s30 =	rddreg [dreg:$0x1a];
	[sflag:s3] =	ssyncadd.s32 $0xFFFFF600  }
0x13c: {  	[tilespmem:s2], [sflag:$0xE] =	stream.linear.gather [spmem:s30], $0xA00, $0x38;
	[tilespmem:$0xD840] =	vst v63  }
0x13d: {  	_ =	swait.ge [sflag:s25], $0xA00  }
0x13e: {  	[sflag:s25] =	ssyncset.done $0x0  }
0x13f: {  	s29 =	rddreg [dreg:$0x6];
	[sflag:s25] =	ssyncadd.s32 $0xFFFFF600  }
0x140: {  	[hbm4b:s29+s1] =	stream.linear.scatter [tilespmem:s2], [sflag:$0xD], $0xA00, $0x38;
	[tilespmem:$0xD840] =	vst v63  }
0x141: {  	_ =	swait.ge [sflag:s3], $0xA00  }
0x142: {  	[sflag:s3] =	ssyncset.done $0x0  }
0x143: {  	s30 =	rddreg [dreg:$0x1b];
	[sflag:s3] =	ssyncadd.s32 $0xFFFFF600  }
0x144: {  	[tilespmem:s2], [sflag:$0xE] =	stream.linear.gather [spmem:s30], $0xA00, $0x38;
	[tilespmem:$0xD840] =	vst v63  }
0x145: {  	_ =	swait.ge [sflag:s25], $0xA00  }
0x146: {  	[sflag:s25] =	ssyncset.done $0x0  }
0x147: {  	s29 =	rddreg [dreg:$0x7];
	[sflag:s25] =	ssyncadd.s32 $0xFFFFF600  }
0x148: {  	[hbm4b:s29+s1] =	stream.linear.scatter [tilespmem:s2], [sflag:$0xD], $0xA00, $0x38;
	[tilespmem:$0xD840] =	vst v63  }
0x149: {  	_ =	swait.ge [sflag:s3], $0xA00  }
0x14a: {  	[sflag:s3] =	ssyncset.done $0x0  }
0x14b: {  	[sflag:s3] =	ssyncadd.s32 $0xFFFFF600  }
0x14c: {  	[tilespmem:s2], [sflag:$0xE] =	stream.linear.gather [spmem:s31], $0xA00, $0x38;
	[tilespmem:$0xD840] =	vst v63  }
0x14d: {  	_ =	swait.ge [sflag:s25], $0xA00  }
0x14e: {  	[sflag:s25] =	ssyncset.done $0x0  }
0x14f: {  	s30 =	rddreg [dreg:$0x8];
	[sflag:s25] =	ssyncadd.s32 $0xFFFFF600  }
0x150: {  	[hbm4b:s30+s1] =	stream.linear.scatter [tilespmem:s2], [sflag:$0xD], $0xA00, $0x38;
	[tilespmem:$0xD840] =	vst v63  }
0x151: {  	_ =	swait.ge [sflag:s3], $0xA00  }
0x152: {  	[sflag:s3] =	ssyncset.done $0x0  }
0x153: {  	[sflag:s3] =	ssyncadd.s32 $0xFFFFF600  }
0x154: {  	[tilespmem:s2], [sflag:$0xE] =	stream.linear.gather [spmem:s8], $0xA00, $0x38;
	[tilespmem:$0xD840] =	vst v63  }
0x155: {  	_ =	swait.ge [sflag:s25], $0xA00  }
0x156: {  	[sflag:s25] =	ssyncset.done $0x0  }
0x157: {  	s29 =	rddreg [dreg:$0x9];
	[sflag:s25] =	ssyncadd.s32 $0xFFFFF600  }
0x158: {  	[hbm4b:s29+s1] =	stream.linear.scatter [tilespmem:s2], [sflag:$0xD], $0xA00, $0x38;
	[tilespmem:$0xD840] =	vst v63  }
0x159: {  	_ =	swait.ge [sflag:s3], $0xA00  }
0x15a: {  	[sflag:s3] =	ssyncset.done $0x0  }
0x15b: {  	s28 =	simm.s32 @!p0 $0x4E20;
	s29 =	simm.s32 @!p0 $0xE;
	[sflag:s3] =	ssyncadd.s32 $0xFFFFF600  }
0x15c: {  	[tilespmem:s28], [sflag:$0xE] =	stream.linear.gather @!p0 [spmem:s0], $0xA00, $0x38;
	[tilespmem:$0xD840] =	vst v63  }
0x15d: {  	_ =	swait.ge @!p0 [sflag:s29], $0xA00  }
0x15e: {  	[sflag:s29] =	ssyncset.done @!p0 $0x0  }
0x15f: {  	s30 =	rddreg [dreg:$0xa];
	[sflag:s29] =	ssyncadd.s32 @!p0 $0xFFFFF600;
	s29 =	simm.s32 @!p0 $0x0  }
0x160: {  	[hbm4b:s30+s29] =	stream.linear.scatter @!p0 [tilespmem:s28], [sflag:$0xD], $0xA00, $0x38;
	[tilespmem:$0xD840] =	vst v63  }
0x161: {  	s28 =	simm.s32 @!p0 $0xD  }
0x162: {  	_ =	swait.ge @!p0 [sflag:s28], $0xA00  }
0x163: {  	s26 =	sadd.s32 $0x1, s26;
	s30 =	rddreg [dreg:$0xe]  }
0x164: {  	p1 =	sne.s32 s26, s30  }
.Ltmp1:
0x165: {  	_ = 	snop;
	(pc) =	sbr.rel @p1 .LBB2_1-.Ltmp1, $3  }
0x166: {  	_ =	sdelay $0x1  }
0x167: {  	[sflag:s28] =	ssyncset.done @!p0 $0x0  }
0x168: {  	[sflag:s28] =	ssyncadd.s32 @!p0 $0xFFFFF600  }
0x169: {  	_ =	sfence.sel $0x180000  }
0x16a: {  	[bflag:$0x0] =	sbarrier.arrive $0xFFFF  }
0x16b: {  	_ =	strace $0x9000004D  }
0x16c: {  	s0 =	stileid.u32;
	[bflag:$0x2] =	sbarrier.arrive $0xFFFF  }
0x16d: {  	p0 =	sne.s32 s0, $0x0;
	s0 =	rddreg [dreg:$0x2]  }
0x16e: {  	s0 =	sadd.s32 @!p0 $0x100000, s0  }
0x16f: {  	[sflag:s0] =	ssyncadd.tile.s32 @!p0 $0x1;
	_ =	shalt  }
.Lfunc_end2:
_tile_overlayer_lowered:
.L_overlay_start_2:
0x170: {  	(tag) =	ssettag $0x2  }
0x171: {  	s0 =	rddreg [dreg:$0x0];
	s2 =	stileid.u32  }
0x172: {  	s1 =	rddreg [dreg:$0x1];
	p0 =	sne.s32 s2, $0x0  }
0x173: {  	s3 =	rddreg [dreg:$0x2];
	[bflag:$0x3] =	sbarrier.arrive $0xFFFF;
	s2 =	simm.s32 @!p0 $0x1C0D  }
0x174: {  	[timem:s3], [sflag:s2] =	dma.local @!p0 [hbm:s0], s1  }
0x175: {  	s0 =	simm.s32 @!p0 $0xD  }
0x176: {  	_ =	swait.ge @!p0 [sflag:s0], s1  }
0x177: {  	s1 =	ssub.s32 @!p0 $0x0, s1;
	[sflag:s0] =	ssyncset.done @!p0 $0x0  }
0x178: {  	[sflag:s0] =	ssyncadd.s32 @!p0 s1  }
0x179: {  	[bflag:$0x3] =	sbarrier.arrive $0xFFFF  }
0x17a: {  	_ =	shalt  }

// kernel: kernel.9.cloned.1.call-start
scs
__scs_entry_jumppad:
0x0: {  	(pc) =	sbr.rel $0x88, $3  }
0x1: {  	(tag) =	ssettag $0x0;
	lr =	simm.s32 $0x1  }
0x2: {  	[smem:$0x3F97] =	sst lr;
	_ =	strace $0xD0000000  }
0x3: {  	_ = 	snop  }
0x4: {  	_ = 	snop  }
0x5: {  	_ = 	snop  }
0x6: {  	_ = 	snop  }
0x7: {  	_ = 	snop  }
__scs_overlays_trampoline_lowered:
0x8: {  	[smem:$0x3FA6] =	sst s0  }
0x9: {  	[smem:$0x3FA7] =	sst s1  }
0xa: {  	[smem:$0x3FA8] =	sst s2  }
0xb: {  	[smem:$0x3FA9] =	sst s3  }
0xc: {  	[smem:$0x3FAA] =	sst s4  }
0xd: {  	[smem:$0x3FAB] =	sst s5  }
0xe: {  	[smem:$0x3FAC] =	sst s6  }
0xf: {  	[smem:$0x3FAD] =	sst s7  }
0x10: {  	[smem:$0x3FAE] =	sst s8  }
0x11: {  	[smem:$0x3FAF] =	sst s9;
	s0 =	simm.s32 @!p0 $0x0  }
0x12: {  	s1 =	sld [smem:$0x3F95];
	s0 =	simm.s32 @p0 $0x1  }
0x13: {  	[smem:$0x3FB0] =	sst s0;
	s0 =	simm.s32 @!p1 $0x0  }
0x14: {  	s2 =	sld [smem:$0x3F94];
	s0 =	simm.s32 @p1 $0x1  }
0x15: {  	[smem:$0x3FB1] =	sst s0;
	s0 =	simm.s32 @!p2 $0x0  }
0x16: {  	s3 =	sld [smem:$0x3FDB];
	s0 =	simm.s32 @p2 $0x1  }
0x17: {  	s4 =	simm.s32 $0x1BF5;
	[smem:$0x3FB3] =	sst s0  }
0x18: {  	s0 =	sld [smem:$0x3F96];
	_ =	swait.ge [sflag:s4], $0x0  }
0x19: {  	s7 =	sld [smem:$0x3F97]  }
0x1a: {  	s8 =	sadd.s32 $0xFFFFE003, lr  }
0x1b: {  	s9 =	sadd.s32 $0xFFFFFEF7, lr;
	s5 =	simm.s32 $0xFFFFFFFF;
	p2 =	slt.u32 s8, $0xFFFFF086  }
0x1c: {  	p1 =	slt.u32 s9, $0xF7A;
	s5 =	simm.s32 @!p2 $0x0  }
0x1d: {  	s5 =	simm.s32 @p1 $0x1;
	p0 =	seq.s32 s7, s2  }
0x1e: {  	s7 =	smul.u32 @!p0 $0xF7A, s2;
	p2 =	seq.s32 @!p0 s5, $0x0  }
0x1f: {  	s9 =	smul.u32 $0xF7A, s1;
	s8 =	simm.s32 @!p0 $0x1BF5;
	p2 =	por !p2, p0  }
0x20: {  	[sflag:s8] =	ssyncset.s32 @!p0 $0xFFFFF086;
	s6 =	sadd.s32 @!p0 s3, s7;
	s7 =	simm.s32 @!p0 $0x108  }
0x21: {  	s3 =	sadd.s32 s3, s9;
	s6 =	sadd.s32 @!p0 $0x88, s6;
	s7 =	simm.s32 @p2 $0x1082  }
0x22: {  	[simem:s7], [sflag:s8] =	dma.local @!p0 [hbm:s6], $0xF7A  }
0x23: {  	s9 =	sor.u32 $0xD0000000, s2;
	s6 =	simm.s32 $0x108;
	_ =	swait.ge @!p0 [sflag:s8], $0x0  }
0x24: {  	s3 =	sadd.s32 $0x88, s3;
	s6 =	simm.s32 @!p1 $0x1082;
	[sflag:s4] =	ssyncset.s32 $0xFFFFF086  }
0x25: {  	[simem:s6], [sflag:s4] =	dma.local [hbm:s3], $0xF7A  }
0x26: {  	[smem:$0x3F97] =	sst s1;
	(tag) =	ssettag s2;
	_ =	strace s9  }
0x27: {  	s1 =	sld [smem:$0x3FA7]  }
0x28: {  	s2 =	sld [smem:$0x3FA8]  }
0x29: {  	s4 =	sld [smem:$0x3FAA]  }
0x2a: {  	p0 =	seq.s32 s5, $0x0;
	s5 =	sld [smem:$0x3FAB]  }
0x2b: {  	s6 =	sld [smem:$0x3FAC]  }
0x2c: {  	s7 =	sld [smem:$0x3FAD]  }
0x2d: {  	s3 =	simm.s32 $0x108;
	s8 =	sld [smem:$0x3FAE]  }
0x2e: {  	s3 =	simm.s32 @!p0 $0x1082;
	s9 =	sld [smem:$0x3FAF]  }
0x2f: {  	lr =	sadd.s32 s0, s3;
	s0 =	sld [smem:$0x3FA6]  }
0x30: {  	s3 =	sld [smem:$0x3FA9]  }
0x31: {  	[smem:$0x3FB2] =	sst s10  }
0x32: {  	s10 =	sld [smem:$0x3FB0];
	_ =	sdelay $0x3  }
0x33: {  	p0 =	seq.s32 s10, $0x1;
	s10 =	sld [smem:$0x3FB2];
	_ =	sdelay $0x3  }
0x34: {  	[smem:$0x3FB2] =	sst s10  }
0x35: {  	s10 =	sld [smem:$0x3FB1];
	_ =	sdelay $0x3  }
0x36: {  	p1 =	seq.s32 s10, $0x1;
	s10 =	sld [smem:$0x3FB2];
	_ =	sdelay $0x3  }
0x37: {  	[smem:$0x3FB2] =	sst s10  }
0x38: {  	s10 =	sld [smem:$0x3FB3]  }
0x39: {  	_ = 	snop;
	(pc) =	sbr.ind lr, $3  }
0x3a: {  	_ = 	snop  }
0x3b: {  	_ = 	snop  }
0x3c: {  	p2 =	seq.s32 s10, $0x1;
	s10 =	sld [smem:$0x3FB2]  }
0x3d: {  	_ =	shalt  }
0x3e: {  	_ =	shalt  }
0x3f: {  	_ =	shalt  }
0x40: {  	_ =	shalt  }
0x41: {  	_ =	shalt  }
0x42: {  	_ =	shalt  }
0x43: {  	_ =	shalt  }
0x44: {  	_ =	shalt  }
0x45: {  	_ =	shalt  }
0x46: {  	_ =	shalt  }
0x47: {  	_ =	shalt  }
0x48: {  	_ =	shalt  }
0x49: {  	_ =	shalt  }
0x4a: {  	_ =	shalt  }
0x4b: {  	_ =	shalt  }
0x4c: {  	_ =	shalt  }
0x4d: {  	_ =	shalt  }
0x4e: {  	_ =	shalt  }
0x4f: {  	_ =	shalt  }
0x50: {  	_ =	shalt  }
0x51: {  	_ =	shalt  }
0x52: {  	_ =	shalt  }
0x53: {  	_ =	shalt  }
0x54: {  	_ =	shalt  }
0x55: {  	_ =	shalt  }
0x56: {  	_ =	shalt  }
0x57: {  	_ =	shalt  }
0x58: {  	_ =	shalt  }
0x59: {  	_ =	shalt  }
0x5a: {  	_ =	shalt  }
0x5b: {  	_ =	shalt  }
0x5c: {  	_ =	shalt  }
0x5d: {  	_ =	shalt  }
0x5e: {  	_ =	shalt  }
0x5f: {  	_ =	shalt  }
0x60: {  	_ =	shalt  }
0x61: {  	_ =	shalt  }
0x62: {  	_ =	shalt  }
0x63: {  	_ =	shalt  }
0x64: {  	_ =	shalt  }
0x65: {  	_ =	shalt  }
0x66: {  	_ =	shalt  }
0x67: {  	_ =	shalt  }
0x68: {  	_ =	shalt  }
0x69: {  	_ =	shalt  }
0x6a: {  	_ =	shalt  }
0x6b: {  	_ =	shalt  }
0x6c: {  	_ =	shalt  }
0x6d: {  	_ =	shalt  }
0x6e: {  	_ =	shalt  }
0x6f: {  	_ =	shalt  }
0x70: {  	_ =	shalt  }
0x71: {  	_ =	shalt  }
0x72: {  	_ =	shalt  }
0x73: {  	_ =	shalt  }
0x74: {  	_ =	shalt  }
0x75: {  	_ =	shalt  }
0x76: {  	_ =	shalt  }
0x77: {  	_ =	shalt  }
0x78: {  	_ =	shalt  }
0x79: {  	_ =	shalt  }
0x7a: {  	_ =	shalt  }
0x7b: {  	_ =	shalt  }
0x7c: {  	_ =	shalt  }
0x7d: {  	_ =	shalt  }
0x7e: {  	_ =	shalt  }
0x7f: {  	_ =	shalt  }
0x80: {  	_ =	shalt  }
0x81: {  	_ =	shalt  }
0x82: {  	_ =	shalt  }
0x83: {  	_ =	shalt  }
0x84: {  	_ =	shalt  }
0x85: {  	_ =	shalt  }
0x86: {  	_ =	shalt  }
0x87: {  	_ =	shalt  }
.Lfunc_end0:
.L_simem_size_0:
called_computation_lowered:
.L_overlay_start_0:
0x88: {  	s2 =	sld [smem:$0x3FD9]  }
0x89: {  	s3 =	sld [smem:$0x3FFE];
	_ =	sdelay $0x1  }
0x8a: {  	s1 =	srdreg.scid  }
0x8b: {  	s0 =	sand.u32 $0x1, s1  }
0x8c: {  	s14 =	sshll.u32 s0, $0xA;
	s2 =	sadd.s32 s3, s2  }
0x8d: {  	s2 =	sadd.s32 s2, s14  }
0x8e: {  	[smem:$0x3FBE] =	sst s2  }
0x8f: {  	_ = 	snop  }
0x90: {  	s2 =	sld [smem:$0x3FD0];
	_ =	sdelay $0x2  }
0x91: {  	s15 =	simm.s32 $0xA;
	s4 =	simm.s32 $0x10  }
0x92: {  	[smem:s4], [sflag:s15] =	dma.local [hbm:s2], $0x1  }
0x93: {  	_ =	swait.eq [sflag:s15], $0x1  }
0x94: {  	[sflag:s15] =	ssyncset.done $0x0  }
0x95: {  	[sflag:s15] =	ssyncadd.s32 $0xFFFFFFFF  }
0x96: {  	s16 =	sld [smem:$0x11];
	(tm) =	ssettm $0x1  }
0x97: {  	s17 =	sld [smem:$0x3FFB];
	_ =	sdelay $0x3  }
0x98: {  	_ =	strace s17  }
0x99: {  	s3 =	sld [smem:$0x3FFC];
	_ =	sdelay $0x3  }
0x9a: {  	_ =	strace s3  }
0x9b: {  	s3 =	sld [smem:$0x3FFD];
	_ =	sdelay $0x3  }
0x9c: {  	_ =	strace s3  }
0x9d: {  	_ =	strace $0x8FFFFFFF  }
0x9e: {  	s18 =	sld [smem:$0x3FDB];
	_ =	sdelay $0x1  }
0x9f: {  	s19 =	simm.s32 $_scs_section_size  }
0xa0: {  	s5 =	simm.s32 $_size__tile_overlayer_lowered;
	s6 =	simm.s32 $_tile_overlayer_lowered  }
0xa1: {  	s22 =	simm.s32 $0x1BFF;
	s21 =	sshll.u32 s6, $0x1;
	s3 =	sadd.s32 s19, s18  }
0xa2: {  	s7 =	simm.s32 $0x0;
	s20 =	sshll.u32 s5, $0x1;
	s5 =	sadd.s32 s21, s3  }
0xa3: {  	[timem:s7], [sflag:s22] =	dma.local [hbm:s5], s20  }
0xa4: {  	_ =	swait.ge [sflag:s22], s20  }
0xa5: {  	s4 =	ssub.s32 $0x0, s20;
	[sflag:s22] =	ssyncset.done $0x0  }
0xa6: {  	[sflag:s22] =	ssyncadd.s32 s4;
	_ =	sdelay $0x1  }
0xa7: {  	s23 =	simm.s32 $0x1B8B  }
0xa8: {  	_ =	swait.ge [sflag:s23], $0x1  }
0xa9: {  	[sflag:s23] =	ssyncset.done $0x0  }
0xaa: {  	s25 =	simm.s32 $0x1B8E;
	s24 =	sld [smem:$0x3FFE];
	[sflag:s23] =	ssyncadd.s32 $0xFFFFFFFF  }
0xab: {  	s26 =	simm.s32 $execute0_lowered;
	[smem:$0x3FD2] =	sst s25  }
0xac: {  	s5 =	sshll.u32 s26, $0x1;
	_ =	strace $0x80000046;
	[dreg:$0x1] =	wrdreg $0xFFFFFFFF  }
0xad: {  	s28 =	simm.s32 $_size_execute0_lowered;
	s3 =	sadd.s32 s3, s5;
	[dreg:$0x0] =	wrdreg $0x0  }
0xae: {  	s5 =	sshll.u32 s28, $0x1;
	[dreg:$0x2] =	wrdreg s3  }
0xaf: {  	[dreg:$0x3] =	wrdreg s5  }
0xb0: {  	[dreg:$0x4] =	wrdreg $0xC0  }
0xb1: {  	_ =	task [dreg:s7], $0x5FFFF  }
0xb2: {  	[dreg:$0x1] =	wrdreg $0xFFFFFFFF  }
0xb3: {  	[dreg:$0x0] =	wrdreg $0x60  }
0xb4: {  	[dreg:$0x2] =	wrdreg s24  }
0xb5: {  	[dreg:$0x3] =	wrdreg s16  }
0xb6: {  	[dreg:$0x4] =	wrdreg $0x29E00  }
0xb7: {  	[dreg:$0x5] =	wrdreg $0x9  }
0xb8: {  	_ =	task.clear_ibuf [dreg:s7], $0x6FFFF;
	_ =	strace $0x90000046  }
0xb9: {  	s29 =	simm.s32 $0x9;
	_ =	strace $0x80000048  }
0xba: {  	_ =	swait.ge [sflag:s29], $0x1  }
0xbb: {  	[sflag:s29] =	ssyncadd.s32 $0xFFFFFFFF  }
0xbc: {  	_ =	strace $0x90000048  }
0xbd: {  	_ =	sfence  }
0xbe: {  	s30 =	sld [smem:$0x0];
	_ =	sdelay $0x2  }
0xbf: {  	s31 =	sshll.u32 s1, $0xD;
	s1 =	sshrl.u32 s1, $0x2  }
0xc0: {  	s3 =	sand.u32 $0x4000, s31;
	s1 =	sadd.s32 s1, s30  }
0xc1: {  	s0 =	sor.u32 s3, s0;
	s1 =	sshll.u32 s1, $0x11  }
0xc2: {  	s0 =	sor.u32 s1, s0  }
0xc3: {  	s0 =	sadd.s32 $0x8F2B, s0  }
0xc4: {  	[sflag:s0] =	ssyncadd.remote.s32 $0x1  }
0xc5: {  	_ =	sfence.sel $0xFFFF  }
0xc6: {  	[dreg:$0x0] =	wrdreg $0xFFFFFFFF;
	(pc) =	sbr.abs _section_cstart, $3  }
0xc7: {  	[dreg:$0x1] =	wrdreg $0xFFFFFFFF  }
0xc8: {  	_ =	task.clear_ibuf [dreg:s7], $0x2FFFF;
	_ =	strace $0x9FFFFFFF  }
0xc9: {  	(tm) =	ssettm $0x7FFFFFFF  }
tec
execute0_lowered:
.L_overlay_start_1:
0x0: {  	(tag) =	ssettag $0x1  }
0x1: {  	s5 =	rddreg [dreg:$0x0]  }
0x2: {  	s1 =	rddreg [dreg:$0x1]  }
0x3: {  	s2 =	rddreg [dreg:$0x2];
	s3 =	srdreg.scid  }
0x4: {  	s0 =	rddreg [dreg:$0x3];
	s11 =	stileid.u32;
	s14 =	simm.s32 $0x1  }
0x5: {  	s15 =	simm.s32 $0x50;
	s16 =	simm.s32 $0x2;
	s17 =	simm.s32 $0x0  }
0x6: {  	s6 =	sand.u32 $0x1, s3;
	s3 =	simm.s32 $0x0;
	s9 =	smul.u32 $0x270, s11  }
0x7: {  	s12 =	sadd.s32 $0x17400, s5;
	p0 =	sne.s32 s11, $0x0;
	s4 =	sshll.u32 s6, $0x4  }
0x8: {  	[smem:$0x7FF] =	sst s3;
	s8 =	ssub.s32 $0x2, s6;
	s6 =	smul.u32 $0x2710, s6  }
0x9: {  	s4 =	sor.u32 s11, s4;
	_ =	strace $0x80000047;
	s10 =	sshrl.u32 s8, $0x1  }
0xa: {  	s11 =	simm.s32 $0x2710;
	s7 =	smul.u32 $0x2710, s4;
	s4 =	sadd.s32 $0x17200, s5  }
0xb: {  	s10 =	ssub.s32 s8, s10;
	s29 =	sadd.s32 s9, s6;
	s30 =	sshrl.u32 s6, $0x3  }
0xc: {  	s6 =	sadd.s32 s9, s2;
	s31 =	sshrl.u32 s29, $0x3;
	s13 =	sadd.s32 s12, s30  }
0xd: {  	s10 =	smax.u32 s10, $0x1;
	s7 =	sshrl.u32 s7, $0x3;
	s8 =	sadd.s32 s12, s31  }
0xe: {  	s9 =	sadd.s32 $0x4E0, s13;
	s12 =	simm.s32 $0x3;
	s5 =	sadd.s32 s5, s7  }
0xf: {  	s13 =	simm.s32 $0x2760;
	s7 =	sadd.s32 $0x2700, s2;
	s5 =	sadd.s32 $0xD440, s5  }
.LBB2_1:
0x10: {  	[tilespmem:s3], [sflag:$0x1] =	stream.linear.gather [hbm4b:s5+s3], $0x2710, $0x38;
	[tilespmem:$0x2C58] =	vst v63  }
0x11: {  	_ = 	snop  }
0x12: {  	[tilespmem:s11], [sflag:$0x3] =	stream.linear.gather [hbm4b:s1+s3], $0x50, $0x38;
	[tilespmem:$0x2C58] =	vst v63  }
0x13: {  	_ =	swait.ge [sflag:s12], $0x50  }
0x14: {  	[sflag:s12] =	ssyncset.done $0x0  }
0x15: {  	[sflag:s12] =	ssyncadd.s32 $0xFFFFFFB0  }
0x16: {  	[tilespmem:s13], [sflag:$0x3] =	stream.linear.gather [hbm4b:s4+s3], $0x280, $0x38;
	[tilespmem:$0x2C58] =	vst v63  }
0x17: {  	_ =	swait.ge [sflag:s12], $0x280  }
0x18: {  	[sflag:s12] =	ssyncset.done $0x0  }
0x19: {  	[sflag:s12] =	ssyncadd.s32 $0xFFFFFD80  }
0x1a: {  	[spmem:s6] =	stream.linear.scatter [tilespmem:s13], [sflag:$0x3], $0x270, $0x38;
	[tilespmem:$0x2C58] =	vst v63  }
0x1b: {  	_ =	swait.ge [sflag:s12], $0x270  }
0x1c: {  	[sflag:s12] =	ssyncset.done $0x0  }
0x1d: {  	s18 =	simm.s32 @!p0 $0x2760;
	[sflag:s12] =	ssyncadd.s32 $0xFFFFFD90  }
0x1e: {  	[spmem:s7] =	stream.linear.scatter @!p0 [tilespmem:s18], [sflag:$0x3], $0x10, $0x38;
	[tilespmem:$0x2C58] =	vst v63  }
0x1f: {  	s18 =	simm.s32 @!p0 $0x3  }
0x20: {  	_ =	swait.ge @!p0 [sflag:s18], $0x10  }
0x21: {  	[sflag:s18] =	ssyncset.done @!p0 $0x0  }
0x22: {  	[sflag:s18] =	ssyncadd.s32 @!p0 $0xFFFFFFF0  }
0x23: {  	_ =	swait.ge [sflag:s14], $0x2710  }
0x24: {  	[sflag:s14] =	ssyncset.done $0x0  }
0x25: {  	[sflag:s14] =	ssyncadd.s32 $0xFFFFD8F0  }
0x26: {  	[bflag:$0x0] =	sbarrier.arrive $0xFFFF  }
0x27: {  	[spmem:s2] =	stream.indirect.scatter.add.f32 [tilespmem:s11], [sflag:$0x1], $0x1, s3, s15, $0xb8;
	[tilespmem:$0x2C58] =	vst v63  }
0x28: {  	s30 =	simm.s32 $0x50  }
0x29: {  	[spmem:s2] =	stream.indirect.scatter.add.f32 [tilespmem:s11], [sflag:$0x2], $0x1, s30, s15, $0xb8;
	[tilespmem:$0x2C58] =	vst v63  }
0x2a: {  	_ =	swait.ge [sflag:s14], $0x50  }
0x2b: {  	[sflag:s14] =	ssyncset.done $0x0  }
0x2c: {  	s31 =	simm.s32 $0xA0;
	[sflag:s14] =	ssyncadd.s32 $0xFFFFFFB0  }
0x2d: {  	[spmem:s2] =	stream.indirect.scatter.add.f32 [tilespmem:s11], [sflag:$0x1], $0x1, s31, s15, $0xb8;
	[tilespmem:$0x2C58] =	vst v63  }
0x2e: {  	_ =	swait.ge [sflag:s16], $0x50  }
0x2f: {  	s19 =	simm.s32 $0xFFFF6A00;
	s18 =	simm.s32 $0xFFFFD9E0;
	[sflag:s16] =	ssyncset.done $0x0  }
.LBB2_2:
0x30: {  	s20 =	sadd.s32 $0x2710, s18  }
0x31: {  	[sflag:s16] =	ssyncadd.s32 $0xFFFFFFB0;
	s21 =	smov.u32 s19;
	s22 =	sadd.s32 $0x280, s19  }
0x32: {  	[spmem:s2] =	stream.indirect.scatter.add.f32 [tilespmem:s11], [sflag:$0x2], $0x1, s20, s15, $0xb8;
	[tilespmem:$0x2C58] =	vst v63  }
0x33: {  	p1 =	sne.s32 s19, $0xFFFFFD80;
	_ =	swait.ge [sflag:s14], $0x50  }
.Ltmp0:
0x34: {  	[sflag:s14] =	ssyncset.done $0x0;
	(pc) =	sbr.rel @p1 .LBB2_2-.Ltmp0, $4  }
0x35: {  	s18 =	sadd.s32 $0x2760, s18;
	[sflag:s14] =	ssyncadd.s32 $0xFFFFFFB0  }
0x36: {  	[spmem:s2] =	stream.indirect.scatter.add.f32 [tilespmem:s11], [sflag:$0x1], $0x1, s18, s15, $0xb8;
	[tilespmem:$0x2C58] =	vst v63  }
0x37: {  	_ =	swait.ge [sflag:s16], $0x50  }
0x38: {  	s19 =	smov.u32 s22;
	s18 =	sshra.s32 s21, $0x2;
	[sflag:s16] =	ssyncset.done $0x0  }
0x39: {  	s19 =	sadd.s32 $0x2710, s18;
	[sflag:s16] =	ssyncadd.s32 $0xFFFFFFB0  }
0x3a: {  	[spmem:s2] =	stream.indirect.scatter.add.f32 [tilespmem:s11], [sflag:$0x2], $0x1, s19, s15, $0xb8;
	[tilespmem:$0x2C58] =	vst v63  }
0x3b: {  	_ =	swait.ge [sflag:s14], $0x50  }
0x3c: {  	[sflag:s14] =	ssyncset.done $0x0  }
0x3d: {  	s31 =	sadd.s32 $0x2760, s18;
	[sflag:s14] =	ssyncadd.s32 $0xFFFFFFB0  }
0x3e: {  	[spmem:s2] =	stream.indirect.scatter.add.f32 [tilespmem:s11], [sflag:$0x1], $0x1, s31, s15, $0xb8;
	[tilespmem:$0x2C58] =	vst v63  }
0x3f: {  	_ =	swait.ge [sflag:s16], $0x50  }
0x40: {  	[sflag:s16] =	ssyncset.done $0x0  }
0x41: {  	[sflag:s16] =	ssyncadd.s32 $0xFFFFFFB0  }
0x42: {  	_ =	swait.ge [sflag:s14], $0x50  }
0x43: {  	[sflag:s14] =	ssyncset.done $0x0  }
0x44: {  	[sflag:s14] =	ssyncadd.s32 $0xFFFFFFB0  }
0x45: {  	[bflag:$0x0] =	sbarrier.arrive $0xFFFF  }
0x46: {  	[tilespmem:s13], [sflag:$0x3] =	stream.linear.gather [spmem:s6], $0x270, $0x38;
	[tilespmem:$0x2C58] =	vst v63  }
0x47: {  	_ =	swait.ge [sflag:s12], $0x270  }
0x48: {  	[sflag:s12] =	ssyncset.done $0x0  }
0x49: {  	[sflag:s12] =	ssyncadd.s32 $0xFFFFFD90  }
0x4a: {  	[hbm4b:s8+s3] =	stream.linear.scatter [tilespmem:s13], [sflag:$0x3], $0x270, $0x38;
	[tilespmem:$0x2C58] =	vst v63  }
0x4b: {  	_ =	swait.ge [sflag:s12], $0x270  }
0x4c: {  	[sflag:s12] =	ssyncset.done $0x0  }
0x4d: {  	s18 =	simm.s32 @!p0 $0x29D0;
	s19 =	simm.s32 @!p0 $0x3;
	[sflag:s12] =	ssyncadd.s32 $0xFFFFFD90  }
0x4e: {  	[tilespmem:s18], [sflag:$0x3] =	stream.linear.gather @!p0 [spmem:s7], $0x10, $0x38;
	[tilespmem:$0x2C58] =	vst v63  }
0x4f: {  	s17 =	sadd.s32 $0x1, s17;
	_ =	swait.ge @!p0 [sflag:s19], $0x10  }
0x50: {  	p1 =	sne.s32 s17, s10;
	[sflag:s19] =	ssyncset.done @!p0 $0x0  }
.Ltmp1:
0x51: {  	s20 =	simm.s32 @!p0 $0x0;
	[sflag:s19] =	ssyncadd.s32 @!p0 $0xFFFFFFF0;
	(pc) =	sbr.rel @p1 .LBB2_1-.Ltmp1, $4  }
0x52: {  	[hbm4b:s9+s20] =	stream.linear.scatter @!p0 [tilespmem:s18], [sflag:$0x3], $0x10, $0x38;
	[tilespmem:$0x2C58] =	vst v63  }
0x53: {  	_ =	swait.ge @!p0 [sflag:s19], $0x10  }
0x54: {  	[sflag:s19] =	ssyncset.done @!p0 $0x0  }
0x55: {  	[sflag:s19] =	ssyncadd.s32 @!p0 $0xFFFFFFF0  }
0x56: {  	_ =	sfence.sel $0x180000  }
0x57: {  	[bflag:$0x0] =	sbarrier.arrive $0xFFFF  }
0x58: {  	_ =	strace $0x90000047  }
0x59: {  	s0 =	sadd.s32 @!p0 $0x100000, s0;
	[bflag:$0x2] =	sbarrier.arrive $0xFFFF  }
0x5a: {  	[sflag:s0] =	ssyncadd.tile.s32 @!p0 $0x1;
	_ =	shalt  }
.Lfunc_end2:
_tile_overlayer_lowered:
.L_overlay_start_2:
0x5b: {  	(tag) =	ssettag $0x2  }
0x5c: {  	s0 =	rddreg [dreg:$0x0];
	s2 =	stileid.u32  }
0x5d: {  	s1 =	rddreg [dreg:$0x1];
	p0 =	sne.s32 s2, $0x0  }
0x5e: {  	s3 =	rddreg [dreg:$0x2];
	[bflag:$0x3] =	sbarrier.arrive $0xFFFF;
	s2 =	simm.s32 @!p0 $0x1C03  }
0x5f: {  	[timem:s3], [sflag:s2] =	dma.local @!p0 [hbm:s0], s1  }
0x60: {  	s0 =	simm.s32 @!p0 $0x3  }
0x61: {  	_ =	swait.ge @!p0 [sflag:s0], s1  }
0x62: {  	s1 =	ssub.s32 @!p0 $0x0, s1;
	[sflag:s0] =	ssyncset.done @!p0 $0x0  }
0x63: {  	[sflag:s0] =	ssyncadd.s32 @!p0 s1  }
0x64: {  	[bflag:$0x3] =	sbarrier.arrive $0xFFFF  }
0x65: {  	_ =	shalt  }

</sc_bundles>
